<compile_context>
chip_gen: v7x
topology: tpu7x:2x2x1
jax: 0.10.2.dev20260603
libtpu: 0.0.44.dev20260713+nightly
codegen_flags: <defaults>
</compile_context>

<pallas_src>
import functools

import jax
import jax.numpy as jnp
from jax import lax
from jax.experimental import pallas as pl
from jax.experimental.pallas import tpu as pltpu
from jax.experimental.pallas import tpu_sc as plsc

N = 10000
D = 128
NC = 2
NS = 16
NW = NC * NS
B = 128
CH = 48
RPT = 640
ACC_ROWS = NS * RPT
CPT = 632
RB = 2000
GRID = N // RB

_mesh = plsc.VectorSubcoreMesh(core_axis_name="c", subcore_axis_name="s")


def _pb(num_edges):
    pb = -(-num_edges // (NW * B))
    return pb + (pb % 2)



def _make_deg_kernel(pb, pbs):
    @functools.partial(
        pl.kernel,
        mesh=_mesh,
        out_type=jax.ShapeDtypeStruct((NC, ACC_ROWS), jnp.float32),
        scratch_types=[
            pltpu.VMEM((pbs, B), jnp.int32),
            pltpu.VMEM((B,), jnp.float32),
            pltpu.VMEM_SHARED((ACC_ROWS,), jnp.float32),
        ],
    )
    def deg_kernel(dst_hbm, zeros_hbm, out_hbm, dst_v, ones_v, acc):
        c = lax.axis_index("c")
        s = lax.axis_index("s")
        w = c * NS + s
        pltpu.sync_copy(dst_hbm.at[w], dst_v)
        pltpu.sync_copy(zeros_hbm.at[pl.ds(s * RPT, RPT)],
                        acc.at[pl.ds(s * RPT, RPT)])
        for k in range(B // 16):
            ones_v[pl.ds(16 * k, 16)] = jnp.ones((16,), jnp.float32)
        plsc.subcore_barrier()

        def step(j, carry):
            pltpu.sync_copy(ones_v, acc.at[dst_v.at[j]], add=True)
            return carry

        lax.fori_loop(0, pb, step, 0)
        plsc.subcore_barrier()
        pltpu.sync_copy(acc.at[pl.ds(s * RPT, RPT)],
                        out_hbm.at[c, pl.ds(s * RPT, RPT)])

    return deg_kernel


def _make_agg_kernel(pb):
    @functools.partial(
        pl.kernel,
        mesh=_mesh,
        out_type=jax.ShapeDtypeStruct((NC, N, D), jnp.float32),
        scratch_types=[
            pltpu.VMEM((CH, B), jnp.int32),
            pltpu.VMEM((CH, B), jnp.int32),
            pltpu.VMEM((B, D), jnp.float32),
            pltpu.VMEM((B, D), jnp.float32),
            pltpu.VMEM_SHARED((ACC_ROWS, D), jnp.float32),
            pltpu.SemaphoreType.DMA,
            pltpu.SemaphoreType.DMA,
            pltpu.SemaphoreType.DMA,
            pltpu.SemaphoreType.DMA,
            pltpu.SemaphoreType.DMA,
        ],
    )
    def agg_kernel(hs_hbm, src_hbm, dst_hbm, zeros_hbm, out_hbm,
                   src_v, dst_v, rows0, rows1, acc,
                   semg0, semg1, sems0, sems1, semz):
        c = lax.axis_index("c")
        s = lax.axis_index("s")
        w = c * NS + s
        pltpu.async_copy(zeros_hbm, acc.at[pl.ds(s * RPT, RPT)], semz)
        pltpu.sync_copy(src_hbm.at[w, pl.ds(0, CH)], src_v)
        pltpu.sync_copy(dst_hbm.at[w, pl.ds(0, CH)], dst_v)
        pltpu.async_copy(hs_hbm.at[src_v.at[0]], rows0, semg0)
        pltpu.make_async_copy(zeros_hbm,
                              acc.at[pl.ds(s * RPT, RPT)], semz).wait()
        plsc.subcore_barrier()

        rows = (rows0, rows1)
        semg = (semg0, semg1)
        sems = (sems0, sems1)

        def step(i, carry):
            for b in range(2):
                j = 2 * i + b
                jl = j % CH

                @pl.when(j > 0)
                def _():
                    pltpu.make_async_copy(rows[1 - b],
                                          acc.at[dst_v.at[(j - 1) % CH]],
                                          sems[1 - b]).wait()

                @pl.when(jnp.logical_and(jl == 0, j > 0))
                def _():
                    k0 = (j // CH) * CH
                    pltpu.sync_copy(src_hbm.at[w, pl.ds(k0, CH)], src_v)
                    pltpu.sync_copy(dst_hbm.at[w, pl.ds(k0, CH)], dst_v)
                    pltpu.async_copy(hs_hbm.at[src_v.at[0]],
                                     rows[b], semg[b])

                @pl.when(jnp.logical_and(j + 1 < pb, jl + 1 < CH))
                def _():
                    pltpu.async_copy(hs_hbm.at[src_v.at[jl + 1]],
                                     rows[1 - b], semg[1 - b])

                pltpu.make_async_copy(hs_hbm.at[src_v.at[jl]],
                                      rows[b], semg[b]).wait()
                pltpu.async_copy(rows[b], acc.at[dst_v.at[jl]],
                                 sems[b], add=True)
            return carry

        lax.fori_loop(0, pb // 2, step, 0)
        pltpu.make_async_copy(rows[1], acc.at[dst_v.at[(pb - 1) % CH]],
                              sems[1]).wait()
        plsc.subcore_barrier()
        r0 = jnp.minimum(s * CPT, N - CPT)
        pltpu.sync_copy(acc.at[pl.ds(r0, CPT)],
                        out_hbm.at[c, pl.ds(r0, CPT)])

    return agg_kernel



def _mm_body(x_ref, w_ref, h_ref):
    h_ref[...] = jnp.dot(x_ref[...], w_ref[...],
                         preferred_element_type=jnp.float32)


def _mm(x, W1):
    return pl.pallas_call(
        _mm_body,
        grid=(GRID,),
        in_specs=[
            pl.BlockSpec((RB, D), lambda i: (i, 0)),
            pl.BlockSpec((D, D), lambda i: (0, 0)),
        ],
        out_specs=pl.BlockSpec((RB, D), lambda i: (i, 0)),
        out_shape=jax.ShapeDtypeStruct((N, D), jnp.float32),
    )(x, W1)


def _scale_body(h_ref, d_ref, hs_ref, dis_ref):
    dis = lax.rsqrt(d_ref[...] + 1.0)
    hs_ref[...] = h_ref[...] * dis.reshape(RB, 1)
    dis_ref[...] = dis


def _scale(h, dsum):
    return pl.pallas_call(
        _scale_body,
        grid=(GRID,),
        in_specs=[
            pl.BlockSpec((RB, D), lambda i: (i, 0)),
            pl.BlockSpec((1, 1, RB), lambda i: (i, 0, 0)),
        ],
        out_specs=[
            pl.BlockSpec((RB, D), lambda i: (i, 0)),
            pl.BlockSpec((1, 1, RB), lambda i: (i, 0, 0)),
        ],
        out_shape=[
            jax.ShapeDtypeStruct((N, D), jnp.float32),
            jax.ShapeDtypeStruct((GRID, 1, RB), jnp.float32),
        ],
    )(h, dsum)


def _mid_body(a0_ref, a1_ref, hp_ref, dis_ref, b_ref, w_ref, hs_ref):
    dis = dis_ref[...].reshape(RB, 1)
    t = dis * (a0_ref[0] + a1_ref[0] + hp_ref[...]) + b_ref[...]
    t = jnp.where(t > 0.0, t, jnp.exp(t) - 1.0)
    hs_ref[...] = jnp.dot(
        t, w_ref[...], preferred_element_type=jnp.float32) * dis


def _mid(a, hs_prev, dis, bias, W):
    return pl.pallas_call(
        _mid_body,
        grid=(GRID,),
        in_specs=[
            pl.BlockSpec((1, RB, D), lambda i: (0, i, 0)),
            pl.BlockSpec((1, RB, D), lambda i: (1, i, 0)),
            pl.BlockSpec((RB, D), lambda i: (i, 0)),
            pl.BlockSpec((1, 1, RB), lambda i: (i, 0, 0)),
            pl.BlockSpec((1, D), lambda i: (0, 0)),
            pl.BlockSpec((D, D), lambda i: (0, 0)),
        ],
        out_specs=pl.BlockSpec((RB, D), lambda i: (i, 0)),
        out_shape=jax.ShapeDtypeStruct((N, D), jnp.float32),
    )(a, a, hs_prev, dis, bias, W)


def _fin_body(a0_ref, a1_ref, hp_ref, dis_ref, b_ref, o_ref):
    dis = dis_ref[...].reshape(RB, 1)
    o_ref[...] = (dis * (a0_ref[0] + a1_ref[0] + hp_ref[...])
                  + b_ref[...])


def _fin(a, hs_prev, dis, bias):
    return pl.pallas_call(
        _fin_body,
        grid=(GRID,),
        in_specs=[
            pl.BlockSpec((1, RB, D), lambda i: (0, i, 0)),
            pl.BlockSpec((1, RB, D), lambda i: (1, i, 0)),
            pl.BlockSpec((RB, D), lambda i: (i, 0)),
            pl.BlockSpec((1, 1, RB), lambda i: (i, 0, 0)),
            pl.BlockSpec((1, D), lambda i: (0, 0)),
        ],
        out_specs=pl.BlockSpec((RB, D), lambda i: (i, 0)),
        out_shape=jax.ShapeDtypeStruct((N, D), jnp.float32),
    )(a, a, hs_prev, dis, bias)



def kernel(x, edge_index, W1, b1, W2, b2, W3, b3):
    e = edge_index.shape[1]
    pb = _pb(e)
    epad = NW * B * pb
    npad = epad - e

    pad_ar = lax.iota(jnp.int32, npad)
    srcp = jnp.concatenate([edge_index[0], pad_ar % N])
    dstp = jnp.concatenate([edge_index[1], N + (pad_ar % 16)])
    pbs = -(-pb // CH) * CH
    src3 = jnp.pad(srcp.reshape(NW, pb, B), ((0, 0), (0, pbs - pb), (0, 0)))
    dpad = N + (lax.iota(jnp.int32, B) % 16)
    dst3 = jnp.concatenate(
        [dstp.reshape(NW, pb, B),
         jnp.broadcast_to(dpad, (NW, pbs - pb, B))], axis=1)

    zcol = jnp.zeros((ACC_ROWS,), jnp.float32)
    zrows = jnp.zeros((RPT, D), jnp.float32)

    h1 = _mm(x, W1)
    degp = _make_deg_kernel(pb, pbs)(dst3, zcol)
    dsum = (degp[0, :N] + degp[1, :N]).reshape(GRID, 1, RB)

    agg = _make_agg_kernel(pb)
    hs1, dis = _scale(h1, dsum)
    a1 = agg(hs1, src3, dst3, zrows)
    hs2 = _mid(a1, hs1, dis, b1.reshape(1, D), W2)
    a2 = agg(hs2, src3, dst3, zrows)
    hs3 = _mid(a2, hs2, dis, b2.reshape(1, D), W3)
    a3 = agg(hs3, src3, dst3, zrows)
    return _fin(a3, hs3, dis, b3.reshape(1, D))

# --- scband reference (transcript-rebuilt; emitter-appended) ---
"""Pipeline reference for scband-gcnemb-17291538334379 (READ-ONLY COPY).

The authoritative reference and input builder live on the scoring server;
editing this copy changes nothing except your own understanding.
"""

import jax, jax.numpy as jnp
import numpy as np

N = 10000
E = 320000
D_IN = 128
H = 128


def _gcn_layer(x, src, dst, norm, W, b):
    h = x @ W
    msg = h[src] * norm[:, None]
    out = jax.ops.segment_sum(msg, dst, num_segments=N)
    return out + b


def setup_inputs(seed: int = 0) -> dict:
    key = jax.random.key(seed)
    ks = jax.random.split(key, 8)
    x = jax.random.normal(ks[0], (N, D_IN), dtype=jnp.float32)
    edge_index = jax.random.randint(ks[1], (2, E), 0, N, dtype=jnp.int32)
    W1 = jax.random.normal(ks[2], (D_IN, H), dtype=jnp.float32) * (1.0 / np.sqrt(D_IN))
    b1 = jnp.zeros((H,), dtype=jnp.float32)
    W2 = jax.random.normal(ks[3], (H, H), dtype=jnp.float32) * (1.0 / np.sqrt(H))
    b2 = jnp.zeros((H,), dtype=jnp.float32)
    W3 = jax.random.normal(ks[4], (H, H), dtype=jnp.float32) * (1.0 / np.sqrt(H))
    b3 = jnp.zeros((H,), dtype=jnp.float32)
    return {"x": x, "edge_index": edge_index, "W1": W1, "b1": b1, "W2": W2, "b2": b2, "W3": W3, "b3": b3}


def reference(x, edge_index, W1, b1, W2, b2, W3, b3):
    # GCNConv with added self-loops and symmetric normalization (PyG defaults).
    src = edge_index[0]
    dst = edge_index[1]
    loop = jnp.arange(N, dtype=src.dtype)
    src = jnp.concatenate([src, loop])
    dst = jnp.concatenate([dst, loop])
    deg = jnp.zeros((N,), dtype=jnp.float32).at[dst].add(1.0)
    deg_inv_sqrt = jnp.where(deg > 0, jax.lax.rsqrt(jnp.maximum(deg, 1e-12)), 0.0)
    norm = deg_inv_sqrt[src] * deg_inv_sqrt[dst]

    h = _gcn_layer(x, src, dst, norm, W1, b1)
    h = jax.nn.elu(h)
    # dropout is identity in eval mode (training=False)
    h = _gcn_layer(h, src, dst, norm, W2, b2)
    h = jax.nn.elu(h)
    h = _gcn_layer(h, src, dst, norm, W3, b3)
    return h

if __name__ == "__main__":
    import jax
    _d = setup_inputs()
    print(jax.jit(kernel)(*tuple(_d.values())))

</pallas_src>

<mosaic_0001>
#map = affine_map<(d0, d1) -> (0, 0)>
#map1 = affine_map<(d0, d1) -> (0, 0, 0)>
module attributes {stable_mosaic.version = 14 : i64} {
  func.func @agg_kernel(%arg0: i32, %arg1: i32, %arg2: memref<10000x128xf32, #tpu.memory_space<hbm>>, %arg3: memref<32x96x128xi32, #tpu.memory_space<hbm>>, %arg4: memref<32x96x128xi32, #tpu.memory_space<hbm>>, %arg5: memref<640x128xf32, #tpu.memory_space<hbm>>, %arg6: memref<2x10000x128xf32, #tpu.memory_space<hbm>>, %arg7: memref<48x128xi32, #tpu.memory_space<vmem>>, %arg8: memref<48x128xi32, #tpu.memory_space<vmem>>, %arg9: memref<128x128xf32, #tpu.memory_space<vmem>>, %arg10: memref<128x128xf32, #tpu.memory_space<vmem>>, %arg11: memref<10240x128xf32, #tpu.memory_space<vmem_shared>>, %arg12: memref<!tpu.dma_semaphore, #tpu.memory_space<semaphore_mem>>, %arg13: memref<!tpu.dma_semaphore, #tpu.memory_space<semaphore_mem>>, %arg14: memref<!tpu.dma_semaphore, #tpu.memory_space<semaphore_mem>>, %arg15: memref<!tpu.dma_semaphore, #tpu.memory_space<semaphore_mem>>, %arg16: memref<!tpu.dma_semaphore, #tpu.memory_space<semaphore_mem>>) attributes {dimension_semantics = [#tpu.dimension_semantics<core_parallel>, #tpu.dimension_semantics<subcore_parallel>], iteration_bounds = array<i64: 2, 16>, scalar_prefetch = 0 : i64, scratch_operands = 10 : i64, tpu.core_type = #tpu.core_type<sc_vector_subcore>, window_params = [{transform_indices = #map}, {transform_indices = #map1}, {transform_indices = #map1}, {transform_indices = #map}, {transform_indices = #map1}]} {
    %mul3A = arith.constant 16 : i32
    %mul3A_0 = arith.muli %arg0, %mul3A : i32
    %add3A = arith.addi %mul3A_0, %arg1 : i32
    %mul3A_1 = arith.constant 640 : i32
    %mul3A_2 = arith.muli %arg1, %mul3A_1 : i32
    %dma_start3A = arith.constant 0 : i32
    %dma_start3A_3 = tpu.memref_slice %arg11[%mul3A_2, %dma_start3A] : memref<10240x128xf32, #tpu.memory_space<vmem_shared>> -> memref<640x128xf32, #tpu.memory_space<vmem_shared>>
    tpu.enqueue_dma source(%arg5 : memref<640x128xf32, #tpu.memory_space<hbm>>) target(%dma_start3A_3 : memref<640x128xf32, #tpu.memory_space<vmem_shared>>) target_semaphore(%arg16 : memref<!tpu.dma_semaphore, #tpu.memory_space<semaphore_mem>>)
    "tpu.region"() ({
      %run_scoped3A = tpu.sem_alloc : memref<!tpu.dma_semaphore, #tpu.memory_space<semaphore_mem>>
      %dma_start3A_30 = arith.constant 0 : i32
      %dma_start3A_31 = arith.constant 0 : i32
      %dma_start3A_32 = tpu.memref_slice %arg3[%add3A, %dma_start3A_30, %dma_start3A_31] : memref<32x96x128xi32, #tpu.memory_space<hbm>> -> memref<1x48x128xi32, #tpu.memory_space<hbm>>
      %dma_start3A_33 = tpu.memref_squeeze %dma_start3A_32 : memref<1x48x128xi32, #tpu.memory_space<hbm>> -> memref<48x128xi32, #tpu.memory_space<hbm>>
      %dma_start3A_34 = arith.constant 0 : i32
      %dma_start3A_35 = arith.constant 0 : i32
      %dma_start3A_36 = tpu.memref_slice %arg3[%add3A, %dma_start3A_34, %dma_start3A_35] : memref<32x96x128xi32, #tpu.memory_space<hbm>> -> memref<1x48x128xi32, #tpu.memory_space<hbm>>
      %dma_start3A_37 = tpu.memref_squeeze %dma_start3A_36 : memref<1x48x128xi32, #tpu.memory_space<hbm>> -> memref<48x128xi32, #tpu.memory_space<hbm>>
      tpu.enqueue_dma source(%dma_start3A_37 : memref<48x128xi32, #tpu.memory_space<hbm>>) target(%arg7 : memref<48x128xi32, #tpu.memory_space<vmem>>) target_semaphore(%run_scoped3A : memref<!tpu.dma_semaphore, #tpu.memory_space<semaphore_mem>>)
      %dma_wait3A_38 = arith.constant 0 : i32
      %dma_wait3A_39 = arith.constant 0 : i32
      %dma_wait3A_40 = tpu.memref_slice %arg3[%add3A, %dma_wait3A_38, %dma_wait3A_39] : memref<32x96x128xi32, #tpu.memory_space<hbm>> -> memref<1x48x128xi32, #tpu.memory_space<hbm>>
      %dma_wait3A_41 = tpu.memref_squeeze %dma_wait3A_40 : memref<1x48x128xi32, #tpu.memory_space<hbm>> -> memref<48x128xi32, #tpu.memory_space<hbm>>
      %dma_wait3A_42 = arith.constant 0 : i32
      %dma_wait3A_43 = arith.constant 0 : i32
      %dma_wait3A_44 = tpu.memref_slice %arg3[%add3A, %dma_wait3A_42, %dma_wait3A_43] : memref<32x96x128xi32, #tpu.memory_space<hbm>> -> memref<1x48x128xi32, #tpu.memory_space<hbm>>
      %dma_wait3A_45 = tpu.memref_squeeze %dma_wait3A_44 : memref<1x48x128xi32, #tpu.memory_space<hbm>> -> memref<48x128xi32, #tpu.memory_space<hbm>>
      tpu.wait_dma2 semaphore(%run_scoped3A : memref<!tpu.dma_semaphore, #tpu.memory_space<semaphore_mem>>) src(%dma_wait3A_45 : memref<48x128xi32, #tpu.memory_space<hbm>>) dst(%arg7 : memref<48x128xi32, #tpu.memory_space<vmem>>)
      tpu.yield
    }) : () -> ()
    "tpu.region"() ({
      %run_scoped3A = tpu.sem_alloc : memref<!tpu.dma_semaphore, #tpu.memory_space<semaphore_mem>>
      %dma_start3A_30 = arith.constant 0 : i32
      %dma_start3A_31 = arith.constant 0 : i32
      %dma_start3A_32 = tpu.memref_slice %arg4[%add3A, %dma_start3A_30, %dma_start3A_31] : memref<32x96x128xi32, #tpu.memory_space<hbm>> -> memref<1x48x128xi32, #tpu.memory_space<hbm>>
      %dma_start3A_33 = tpu.memref_squeeze %dma_start3A_32 : memref<1x48x128xi32, #tpu.memory_space<hbm>> -> memref<48x128xi32, #tpu.memory_space<hbm>>
      %dma_start3A_34 = arith.constant 0 : i32
      %dma_start3A_35 = arith.constant 0 : i32
      %dma_start3A_36 = tpu.memref_slice %arg4[%add3A, %dma_start3A_34, %dma_start3A_35] : memref<32x96x128xi32, #tpu.memory_space<hbm>> -> memref<1x48x128xi32, #tpu.memory_space<hbm>>
      %dma_start3A_37 = tpu.memref_squeeze %dma_start3A_36 : memref<1x48x128xi32, #tpu.memory_space<hbm>> -> memref<48x128xi32, #tpu.memory_space<hbm>>
      tpu.enqueue_dma source(%dma_start3A_37 : memref<48x128xi32, #tpu.memory_space<hbm>>) target(%arg8 : memref<48x128xi32, #tpu.memory_space<vmem>>) target_semaphore(%run_scoped3A : memref<!tpu.dma_semaphore, #tpu.memory_space<semaphore_mem>>)
      %dma_wait3A_38 = arith.constant 0 : i32
      %dma_wait3A_39 = arith.constant 0 : i32
      %dma_wait3A_40 = tpu.memref_slice %arg4[%add3A, %dma_wait3A_38, %dma_wait3A_39] : memref<32x96x128xi32, #tpu.memory_space<hbm>> -> memref<1x48x128xi32, #tpu.memory_space<hbm>>
      %dma_wait3A_41 = tpu.memref_squeeze %dma_wait3A_40 : memref<1x48x128xi32, #tpu.memory_space<hbm>> -> memref<48x128xi32, #tpu.memory_space<hbm>>
      %dma_wait3A_42 = arith.constant 0 : i32
      %dma_wait3A_43 = arith.constant 0 : i32
      %dma_wait3A_44 = tpu.memref_slice %arg4[%add3A, %dma_wait3A_42, %dma_wait3A_43] : memref<32x96x128xi32, #tpu.memory_space<hbm>> -> memref<1x48x128xi32, #tpu.memory_space<hbm>>
      %dma_wait3A_45 = tpu.memref_squeeze %dma_wait3A_44 : memref<1x48x128xi32, #tpu.memory_space<hbm>> -> memref<48x128xi32, #tpu.memory_space<hbm>>
      tpu.wait_dma2 semaphore(%run_scoped3A : memref<!tpu.dma_semaphore, #tpu.memory_space<semaphore_mem>>) src(%dma_wait3A_45 : memref<48x128xi32, #tpu.memory_space<hbm>>) dst(%arg8 : memref<48x128xi32, #tpu.memory_space<vmem>>)
      tpu.yield
    }) : () -> ()
    %dma_start3A_4 = arith.constant 0 : i32
    %dma_start3A_5 = arith.constant 0 : i32
    %dma_start3A_6 = tpu.memref_slice %arg7[%dma_start3A_4, %dma_start3A_5] : memref<48x128xi32, #tpu.memory_space<vmem>> -> memref<1x128xi32, #tpu.memory_space<vmem>>
    %dma_start3A_7 = tpu.memref_squeeze %dma_start3A_6 : memref<1x128xi32, #tpu.memory_space<vmem>> -> memref<128xi32, #tpu.memory_space<vmem>>
    %dma_start3A_8 = arith.constant 0 : i32
    %dma_start3A_9 = arith.constant 0 : i32
    %dma_start3A_10 = tpu.memref_slice %arg2[%dma_start3A_8, %dma_start3A_9] : memref<10000x128xf32, #tpu.memory_space<hbm>> -> memref<10000x128xf32, #tpu.memory_space<hbm>>
    tpu.enqueue_indirect_dma source(%dma_start3A_10 : memref<10000x128xf32, #tpu.memory_space<hbm>>) target(%arg9 : memref<128x128xf32, #tpu.memory_space<vmem>>) offsets(%dma_start3A_7 : memref<128xi32, #tpu.memory_space<vmem>>) semaphore(%arg12 : memref<!tpu.dma_semaphore, #tpu.memory_space<semaphore_mem>>)
    %mul3A_11 = arith.constant 640 : i32
    %mul3A_12 = arith.muli %arg1, %mul3A_11 : i32
    %dma_wait3A = arith.constant 0 : i32
    %dma_wait3A_13 = tpu.memref_slice %arg11[%mul3A_12, %dma_wait3A] : memref<10240x128xf32, #tpu.memory_space<vmem_shared>> -> memref<640x128xf32, #tpu.memory_space<vmem_shared>>
    tpu.wait_dma2 semaphore(%arg16 : memref<!tpu.dma_semaphore, #tpu.memory_space<semaphore_mem>>) src(%arg5 : memref<640x128xf32, #tpu.memory_space<hbm>>) dst(%dma_wait3A_13 : memref<640x128xf32, #tpu.memory_space<vmem_shared>>)
    %barrier3A = arith.constant 0 : index
    tpu.barrier barrier_id(%barrier3A)
    %scan3A = arith.constant 0 : i32
    %scan3A_14 = arith.constant 0 : i32
    %scan3A_15 = arith.constant 40 : i32
    %scan3A_16 = arith.addi %scan3A_14, %scan3A_15 : i32
    %scan3A_17 = arith.constant 1 : i32
    scf.for %scan3A_30 = %scan3A_14 to %scan3A_16 step %scan3A_17  : i32 {
      %mul3A_31 = arith.constant 2 : i32
      %mul3A_32 = arith.muli %mul3A_31, %scan3A_30 : i32
      %add3A_33 = arith.constant 0 : i32
      %add3A_34 = arith.addi %mul3A_32, %add3A_33 : i32
      %jit3A = arith.constant 48 : i32
      %eq3A = arith.constant 0 : i32
      %eq3A_35 = arith.cmpi eq, %jit3A, %eq3A : i32
      %jit3A_36 = arith.constant 1 : i32
      %select_n3A = arith.select %eq3A_35, %jit3A_36, %jit3A : i32
      %rem3A = arith.remsi %add3A_34, %select_n3A : i32
      %ne3A = arith.constant 0 : i32
      %ne3A_37 = arith.cmpi ne, %rem3A, %ne3A : i32
      %lt3A = arith.constant 0 : i32
      %lt3A_38 = arith.cmpi slt, %rem3A, %lt3A : i32
      %lt3A_39 = arith.constant 0 : i32
      %lt3A_40 = arith.cmpi slt, %select_n3A, %lt3A_39 : i32
      %ne3A_41 = arith.xori %lt3A_38, %lt3A_40 : i1
      %and3A = arith.andi %ne3A_41, %ne3A_37 : i1
      %add3A_42 = arith.addi %rem3A, %select_n3A : i32
      %select_n3A_43 = arith.select %and3A, %add3A_42, %rem3A : i32
      %gt3A = arith.constant 0 : i32
      %gt3A_44 = arith.cmpi sgt, %add3A_34, %gt3A : i32
      %convert_element_type3A = arith.extui %gt3A_44 : i1 to i32
      %cond3A = arith.constant 0 : i32
      %cond3A_45 = arith.cmpi ne, %convert_element_type3A, %cond3A : i32
      scf.if %cond3A_45 {
        %sub3A = arith.constant 1 : i32
        %sub3A_135 = arith.subi %add3A_34, %sub3A : i32
        %jit3A_136 = arith.constant 48 : i32
        %eq3A_137 = arith.constant 0 : i32
        %eq3A_138 = arith.cmpi eq, %jit3A_136, %eq3A_137 : i32
        %jit3A_139 = arith.constant 1 : i32
        %select_n3A_140 = arith.select %eq3A_138, %jit3A_139, %jit3A_136 : i32
        %rem3A_141 = arith.remsi %sub3A_135, %select_n3A_140 : i32
        %ne3A_142 = arith.constant 0 : i32
        %ne3A_143 = arith.cmpi ne, %rem3A_141, %ne3A_142 : i32
        %lt3A_144 = arith.constant 0 : i32
        %lt3A_145 = arith.cmpi slt, %rem3A_141, %lt3A_144 : i32
        %lt3A_146 = arith.constant 0 : i32
        %lt3A_147 = arith.cmpi slt, %select_n3A_140, %lt3A_146 : i32
        %ne3A_148 = arith.xori %lt3A_145, %lt3A_147 : i1
        %and3A_149 = arith.andi %ne3A_148, %ne3A_143 : i1
        %add3A_150 = arith.addi %rem3A_141, %select_n3A_140 : i32
        %select_n3A_151 = arith.select %and3A_149, %add3A_150, %rem3A_141 : i32
        %dma_wait3A_152 = arith.constant 0 : i32
        %dma_wait3A_153 = tpu.memref_slice %arg8[%select_n3A_151, %dma_wait3A_152] : memref<48x128xi32, #tpu.memory_space<vmem>> -> memref<1x128xi32, #tpu.memory_space<vmem>>
        %dma_wait3A_154 = tpu.memref_squeeze %dma_wait3A_153 : memref<1x128xi32, #tpu.memory_space<vmem>> -> memref<128xi32, #tpu.memory_space<vmem>>
        %dma_wait3A_155 = arith.constant 0 : i32
        %dma_wait3A_156 = arith.constant 0 : i32
        %dma_wait3A_157 = tpu.memref_slice %arg11[%dma_wait3A_155, %dma_wait3A_156] : memref<10240x128xf32, #tpu.memory_space<vmem_shared>> -> memref<10240x128xf32, #tpu.memory_space<vmem_shared>>
        tpu.wait_indirect_dma semaphore(%arg15 : memref<!tpu.dma_semaphore, #tpu.memory_space<semaphore_mem>>) src(%arg10 : memref<128x128xf32, #tpu.memory_space<vmem>>) dst(%dma_wait3A_157 : memref<10240x128xf32, #tpu.memory_space<vmem_shared>>)
      } else {
      }
      %eq3A_46 = arith.constant 0 : i32
      %eq3A_47 = arith.cmpi eq, %select_n3A_43, %eq3A_46 : i32
      %gt3A_48 = arith.constant 0 : i32
      %gt3A_49 = arith.cmpi sgt, %add3A_34, %gt3A_48 : i32
      %and3A_50 = arith.andi %eq3A_47, %gt3A_49 : i1
      %convert_element_type3A_51 = arith.extui %and3A_50 : i1 to i32
      %cond3A_52 = arith.constant 0 : i32
      %cond3A_53 = arith.cmpi ne, %convert_element_type3A_51, %cond3A_52 : i32
      scf.if %cond3A_53 {
        %jit3A_135 = arith.constant 48 : i32
        %div3A = arith.divsi %add3A_34, %jit3A_135 : i32
        %sign3A = arith.constant 0 : i32
        %sign3A_136 = arith.cmpi sgt, %add3A_34, %sign3A : i32
        %sign3A_137 = arith.extui %sign3A_136 : i1 to i32
        %sign3A_138 = arith.constant 0 : i32
        %sign3A_139 = arith.cmpi slt, %add3A_34, %sign3A_138 : i32
        %sign3A_140 = arith.extui %sign3A_139 : i1 to i32
        %sign3A_141 = arith.subi %sign3A_137, %sign3A_140 : i32
        %sign3A_142 = arith.constant 0 : i32
        %sign3A_143 = arith.cmpi sgt, %jit3A_135, %sign3A_142 : i32
        %sign3A_144 = arith.extui %sign3A_143 : i1 to i32
        %sign3A_145 = arith.constant 0 : i32
        %sign3A_146 = arith.cmpi slt, %jit3A_135, %sign3A_145 : i32
        %sign3A_147 = arith.extui %sign3A_146 : i1 to i32
        %sign3A_148 = arith.subi %sign3A_144, %sign3A_147 : i32
        %ne3A_149 = arith.cmpi ne, %sign3A_141, %sign3A_148 : i32
        %rem3A_150 = arith.remsi %add3A_34, %jit3A_135 : i32
        %ne3A_151 = arith.constant 0 : i32
        %ne3A_152 = arith.cmpi ne, %rem3A_150, %ne3A_151 : i32
        %and3A_153 = arith.andi %ne3A_149, %ne3A_152 : i1
        %sub3A = arith.constant 1 : i32
        %sub3A_154 = arith.subi %div3A, %sub3A : i32
        %select_n3A_155 = arith.select %and3A_153, %sub3A_154, %div3A : i32
        %mul3A_156 = arith.constant 48 : i32
        %mul3A_157 = arith.muli %select_n3A_155, %mul3A_156 : i32
        "tpu.region"() ({
          %run_scoped3A = tpu.sem_alloc : memref<!tpu.dma_semaphore, #tpu.memory_space<semaphore_mem>>
          %dma_start3A_165 = arith.constant 0 : i32
          %dma_start3A_166 = tpu.memref_slice %arg3[%add3A, %mul3A_157, %dma_start3A_165] : memref<32x96x128xi32, #tpu.memory_space<hbm>> -> memref<1x48x128xi32, #tpu.memory_space<hbm>>
          %dma_start3A_167 = tpu.memref_squeeze %dma_start3A_166 : memref<1x48x128xi32, #tpu.memory_space<hbm>> -> memref<48x128xi32, #tpu.memory_space<hbm>>
          %dma_start3A_168 = arith.constant 0 : i32
          %dma_start3A_169 = tpu.memref_slice %arg3[%add3A, %mul3A_157, %dma_start3A_168] : memref<32x96x128xi32, #tpu.memory_space<hbm>> -> memref<1x48x128xi32, #tpu.memory_space<hbm>>
          %dma_start3A_170 = tpu.memref_squeeze %dma_start3A_169 : memref<1x48x128xi32, #tpu.memory_space<hbm>> -> memref<48x128xi32, #tpu.memory_space<hbm>>
          tpu.enqueue_dma source(%dma_start3A_170 : memref<48x128xi32, #tpu.memory_space<hbm>>) target(%arg7 : memref<48x128xi32, #tpu.memory_space<vmem>>) target_semaphore(%run_scoped3A : memref<!tpu.dma_semaphore, #tpu.memory_space<semaphore_mem>>)
          %dma_wait3A_171 = arith.constant 0 : i32
          %dma_wait3A_172 = tpu.memref_slice %arg3[%add3A, %mul3A_157, %dma_wait3A_171] : memref<32x96x128xi32, #tpu.memory_space<hbm>> -> memref<1x48x128xi32, #tpu.memory_space<hbm>>
          %dma_wait3A_173 = tpu.memref_squeeze %dma_wait3A_172 : memref<1x48x128xi32, #tpu.memory_space<hbm>> -> memref<48x128xi32, #tpu.memory_space<hbm>>
          %dma_wait3A_174 = arith.constant 0 : i32
          %dma_wait3A_175 = tpu.memref_slice %arg3[%add3A, %mul3A_157, %dma_wait3A_174] : memref<32x96x128xi32, #tpu.memory_space<hbm>> -> memref<1x48x128xi32, #tpu.memory_space<hbm>>
          %dma_wait3A_176 = tpu.memref_squeeze %dma_wait3A_175 : memref<1x48x128xi32, #tpu.memory_space<hbm>> -> memref<48x128xi32, #tpu.memory_space<hbm>>
          tpu.wait_dma2 semaphore(%run_scoped3A : memref<!tpu.dma_semaphore, #tpu.memory_space<semaphore_mem>>) src(%dma_wait3A_176 : memref<48x128xi32, #tpu.memory_space<hbm>>) dst(%arg7 : memref<48x128xi32, #tpu.memory_space<vmem>>)
          tpu.yield
        }) : () -> ()
        "tpu.region"() ({
          %run_scoped3A = tpu.sem_alloc : memref<!tpu.dma_semaphore, #tpu.memory_space<semaphore_mem>>
          %dma_start3A_165 = arith.constant 0 : i32
          %dma_start3A_166 = tpu.memref_slice %arg4[%add3A, %mul3A_157, %dma_start3A_165] : memref<32x96x128xi32, #tpu.memory_space<hbm>> -> memref<1x48x128xi32, #tpu.memory_space<hbm>>
          %dma_start3A_167 = tpu.memref_squeeze %dma_start3A_166 : memref<1x48x128xi32, #tpu.memory_space<hbm>> -> memref<48x128xi32, #tpu.memory_space<hbm>>
          %dma_start3A_168 = arith.constant 0 : i32
          %dma_start3A_169 = tpu.memref_slice %arg4[%add3A, %mul3A_157, %dma_start3A_168] : memref<32x96x128xi32, #tpu.memory_space<hbm>> -> memref<1x48x128xi32, #tpu.memory_space<hbm>>
          %dma_start3A_170 = tpu.memref_squeeze %dma_start3A_169 : memref<1x48x128xi32, #tpu.memory_space<hbm>> -> memref<48x128xi32, #tpu.memory_space<hbm>>
          tpu.enqueue_dma source(%dma_start3A_170 : memref<48x128xi32, #tpu.memory_space<hbm>>) target(%arg8 : memref<48x128xi32, #tpu.memory_space<vmem>>) target_semaphore(%run_scoped3A : memref<!tpu.dma_semaphore, #tpu.memory_space<semaphore_mem>>)
          %dma_wait3A_171 = arith.constant 0 : i32
          %dma_wait3A_172 = tpu.memref_slice %arg4[%add3A, %mul3A_157, %dma_wait3A_171] : memref<32x96x128xi32, #tpu.memory_space<hbm>> -> memref<1x48x128xi32, #tpu.memory_space<hbm>>
          %dma_wait3A_173 = tpu.memref_squeeze %dma_wait3A_172 : memref<1x48x128xi32, #tpu.memory_space<hbm>> -> memref<48x128xi32, #tpu.memory_space<hbm>>
          %dma_wait3A_174 = arith.constant 0 : i32
          %dma_wait3A_175 = tpu.memref_slice %arg4[%add3A, %mul3A_157, %dma_wait3A_174] : memref<32x96x128xi32, #tpu.memory_space<hbm>> -> memref<1x48x128xi32, #tpu.memory_space<hbm>>
          %dma_wait3A_176 = tpu.memref_squeeze %dma_wait3A_175 : memref<1x48x128xi32, #tpu.memory_space<hbm>> -> memref<48x128xi32, #tpu.memory_space<hbm>>
          tpu.wait_dma2 semaphore(%run_scoped3A : memref<!tpu.dma_semaphore, #tpu.memory_space<semaphore_mem>>) src(%dma_wait3A_176 : memref<48x128xi32, #tpu.memory_space<hbm>>) dst(%arg8 : memref<48x128xi32, #tpu.memory_space<vmem>>)
          tpu.yield
        }) : () -> ()
        %dma_start3A_158 = arith.constant 0 : i32
        %dma_start3A_159 = arith.constant 0 : i32
        %dma_start3A_160 = tpu.memref_slice %arg7[%dma_start3A_158, %dma_start3A_159] : memref<48x128xi32, #tpu.memory_space<vmem>> -> memref<1x128xi32, #tpu.memory_space<vmem>>
        %dma_start3A_161 = tpu.memref_squeeze %dma_start3A_160 : memref<1x128xi32, #tpu.memory_space<vmem>> -> memref<128xi32, #tpu.memory_space<vmem>>
        %dma_start3A_162 = arith.constant 0 : i32
        %dma_start3A_163 = arith.constant 0 : i32
        %dma_start3A_164 = tpu.memref_slice %arg2[%dma_start3A_162, %dma_start3A_163] : memref<10000x128xf32, #tpu.memory_space<hbm>> -> memref<10000x128xf32, #tpu.memory_space<hbm>>
        tpu.enqueue_indirect_dma source(%dma_start3A_164 : memref<10000x128xf32, #tpu.memory_space<hbm>>) target(%arg9 : memref<128x128xf32, #tpu.memory_space<vmem>>) offsets(%dma_start3A_161 : memref<128xi32, #tpu.memory_space<vmem>>) semaphore(%arg12 : memref<!tpu.dma_semaphore, #tpu.memory_space<semaphore_mem>>)
      } else {
      }
      %add3A_54 = arith.constant 1 : i32
      %add3A_55 = arith.addi %add3A_34, %add3A_54 : i32
      %lt3A_56 = arith.constant 80 : i32
      %lt3A_57 = arith.cmpi slt, %add3A_55, %lt3A_56 : i32
      %add3A_58 = arith.constant 1 : i32
      %add3A_59 = arith.addi %select_n3A_43, %add3A_58 : i32
      %lt3A_60 = arith.constant 48 : i32
      %lt3A_61 = arith.cmpi slt, %add3A_59, %lt3A_60 : i32
      %and3A_62 = arith.andi %lt3A_57, %lt3A_61 : i1
      %convert_element_type3A_63 = arith.extui %and3A_62 : i1 to i32
      %cond3A_64 = arith.constant 0 : i32
      %cond3A_65 = arith.cmpi ne, %convert_element_type3A_63, %cond3A_64 : i32
      scf.if %cond3A_65 {
        %add3A_135 = arith.constant 1 : i32
        %add3A_136 = arith.addi %select_n3A_43, %add3A_135 : i32
        %dma_start3A_137 = arith.constant 0 : i32
        %dma_start3A_138 = tpu.memref_slice %arg7[%add3A_136, %dma_start3A_137] : memref<48x128xi32, #tpu.memory_space<vmem>> -> memref<1x128xi32, #tpu.memory_space<vmem>>
        %dma_start3A_139 = tpu.memref_squeeze %dma_start3A_138 : memref<1x128xi32, #tpu.memory_space<vmem>> -> memref<128xi32, #tpu.memory_space<vmem>>
        %dma_start3A_140 = arith.constant 0 : i32
        %dma_start3A_141 = arith.constant 0 : i32
        %dma_start3A_142 = tpu.memref_slice %arg2[%dma_start3A_140, %dma_start3A_141] : memref<10000x128xf32, #tpu.memory_space<hbm>> -> memref<10000x128xf32, #tpu.memory_space<hbm>>
        tpu.enqueue_indirect_dma source(%dma_start3A_142 : memref<10000x128xf32, #tpu.memory_space<hbm>>) target(%arg10 : memref<128x128xf32, #tpu.memory_space<vmem>>) offsets(%dma_start3A_139 : memref<128xi32, #tpu.memory_space<vmem>>) semaphore(%arg13 : memref<!tpu.dma_semaphore, #tpu.memory_space<semaphore_mem>>)
      } else {
      }
      %dma_wait3A_66 = arith.constant 0 : i32
      %dma_wait3A_67 = tpu.memref_slice %arg7[%select_n3A_43, %dma_wait3A_66] : memref<48x128xi32, #tpu.memory_space<vmem>> -> memref<1x128xi32, #tpu.memory_space<vmem>>
      %dma_wait3A_68 = tpu.memref_squeeze %dma_wait3A_67 : memref<1x128xi32, #tpu.memory_space<vmem>> -> memref<128xi32, #tpu.memory_space<vmem>>
      %dma_wait3A_69 = arith.constant 0 : i32
      %dma_wait3A_70 = arith.constant 0 : i32
      %dma_wait3A_71 = tpu.memref_slice %arg2[%dma_wait3A_69, %dma_wait3A_70] : memref<10000x128xf32, #tpu.memory_space<hbm>> -> memref<10000x128xf32, #tpu.memory_space<hbm>>
      tpu.wait_indirect_dma semaphore(%arg12 : memref<!tpu.dma_semaphore, #tpu.memory_space<semaphore_mem>>) src(%dma_wait3A_71 : memref<10000x128xf32, #tpu.memory_space<hbm>>) dst(%arg9 : memref<128x128xf32, #tpu.memory_space<vmem>>)
      %dma_start3A_72 = arith.constant 0 : i32
      %dma_start3A_73 = tpu.memref_slice %arg8[%select_n3A_43, %dma_start3A_72] : memref<48x128xi32, #tpu.memory_space<vmem>> -> memref<1x128xi32, #tpu.memory_space<vmem>>
      %dma_start3A_74 = tpu.memref_squeeze %dma_start3A_73 : memref<1x128xi32, #tpu.memory_space<vmem>> -> memref<128xi32, #tpu.memory_space<vmem>>
      %dma_start3A_75 = arith.constant 0 : i32
      %dma_start3A_76 = arith.constant 0 : i32
      %dma_start3A_77 = tpu.memref_slice %arg11[%dma_start3A_75, %dma_start3A_76] : memref<10240x128xf32, #tpu.memory_space<vmem_shared>> -> memref<10240x128xf32, #tpu.memory_space<vmem_shared>>
      tpu.enqueue_indirect_dma source(%arg9 : memref<128x128xf32, #tpu.memory_space<vmem>>) target(%dma_start3A_77 : memref<10240x128xf32, #tpu.memory_space<vmem_shared>>) offsets(%dma_start3A_74 : memref<128xi32, #tpu.memory_space<vmem>>) semaphore(%arg14 : memref<!tpu.dma_semaphore, #tpu.memory_space<semaphore_mem>>) {add = true}
      %mul3A_78 = arith.constant 2 : i32
      %mul3A_79 = arith.muli %mul3A_78, %scan3A_30 : i32
      %add3A_80 = arith.constant 1 : i32
      %add3A_81 = arith.addi %mul3A_79, %add3A_80 : i32
      %jit3A_82 = arith.constant 48 : i32
      %eq3A_83 = arith.constant 0 : i32
      %eq3A_84 = arith.cmpi eq, %jit3A_82, %eq3A_83 : i32
      %jit3A_85 = arith.constant 1 : i32
      %select_n3A_86 = arith.select %eq3A_84, %jit3A_85, %jit3A_82 : i32
      %rem3A_87 = arith.remsi %add3A_81, %select_n3A_86 : i32
      %ne3A_88 = arith.constant 0 : i32
      %ne3A_89 = arith.cmpi ne, %rem3A_87, %ne3A_88 : i32
      %lt3A_90 = arith.constant 0 : i32
      %lt3A_91 = arith.cmpi slt, %rem3A_87, %lt3A_90 : i32
      %lt3A_92 = arith.constant 0 : i32
      %lt3A_93 = arith.cmpi slt, %select_n3A_86, %lt3A_92 : i32
      %ne3A_94 = arith.xori %lt3A_91, %lt3A_93 : i1
      %and3A_95 = arith.andi %ne3A_94, %ne3A_89 : i1
      %add3A_96 = arith.addi %rem3A_87, %select_n3A_86 : i32
      %select_n3A_97 = arith.select %and3A_95, %add3A_96, %rem3A_87 : i32
      %gt3A_98 = arith.constant 0 : i32
      %gt3A_99 = arith.cmpi sgt, %add3A_81, %gt3A_98 : i32
      %convert_element_type3A_100 = arith.extui %gt3A_99 : i1 to i32
      %cond3A_101 = arith.constant 0 : i32
      %cond3A_102 = arith.cmpi ne, %convert_element_type3A_100, %cond3A_101 : i32
      scf.if %cond3A_102 {
        %sub3A = arith.constant 1 : i32
        %sub3A_135 = arith.subi %add3A_81, %sub3A : i32
        %jit3A_136 = arith.constant 48 : i32
        %eq3A_137 = arith.constant 0 : i32
        %eq3A_138 = arith.cmpi eq, %jit3A_136, %eq3A_137 : i32
        %jit3A_139 = arith.constant 1 : i32
        %select_n3A_140 = arith.select %eq3A_138, %jit3A_139, %jit3A_136 : i32
        %rem3A_141 = arith.remsi %sub3A_135, %select_n3A_140 : i32
        %ne3A_142 = arith.constant 0 : i32
        %ne3A_143 = arith.cmpi ne, %rem3A_141, %ne3A_142 : i32
        %lt3A_144 = arith.constant 0 : i32
        %lt3A_145 = arith.cmpi slt, %rem3A_141, %lt3A_144 : i32
        %lt3A_146 = arith.constant 0 : i32
        %lt3A_147 = arith.cmpi slt, %select_n3A_140, %lt3A_146 : i32
        %ne3A_148 = arith.xori %lt3A_145, %lt3A_147 : i1
        %and3A_149 = arith.andi %ne3A_148, %ne3A_143 : i1
        %add3A_150 = arith.addi %rem3A_141, %select_n3A_140 : i32
        %select_n3A_151 = arith.select %and3A_149, %add3A_150, %rem3A_141 : i32
        %dma_wait3A_152 = arith.constant 0 : i32
        %dma_wait3A_153 = tpu.memref_slice %arg8[%select_n3A_151, %dma_wait3A_152] : memref<48x128xi32, #tpu.memory_space<vmem>> -> memref<1x128xi32, #tpu.memory_space<vmem>>
        %dma_wait3A_154 = tpu.memref_squeeze %dma_wait3A_153 : memref<1x128xi32, #tpu.memory_space<vmem>> -> memref<128xi32, #tpu.memory_space<vmem>>
        %dma_wait3A_155 = arith.constant 0 : i32
        %dma_wait3A_156 = arith.constant 0 : i32
        %dma_wait3A_157 = tpu.memref_slice %arg11[%dma_wait3A_155, %dma_wait3A_156] : memref<10240x128xf32, #tpu.memory_space<vmem_shared>> -> memref<10240x128xf32, #tpu.memory_space<vmem_shared>>
        tpu.wait_indirect_dma semaphore(%arg14 : memref<!tpu.dma_semaphore, #tpu.memory_space<semaphore_mem>>) src(%arg9 : memref<128x128xf32, #tpu.memory_space<vmem>>) dst(%dma_wait3A_157 : memref<10240x128xf32, #tpu.memory_space<vmem_shared>>)
      } else {
      }
      %eq3A_103 = arith.constant 0 : i32
      %eq3A_104 = arith.cmpi eq, %select_n3A_97, %eq3A_103 : i32
      %gt3A_105 = arith.constant 0 : i32
      %gt3A_106 = arith.cmpi sgt, %add3A_81, %gt3A_105 : i32
      %and3A_107 = arith.andi %eq3A_104, %gt3A_106 : i1
      %convert_element_type3A_108 = arith.extui %and3A_107 : i1 to i32
      %cond3A_109 = arith.constant 0 : i32
      %cond3A_110 = arith.cmpi ne, %convert_element_type3A_108, %cond3A_109 : i32
      scf.if %cond3A_110 {
        %jit3A_135 = arith.constant 48 : i32
        %div3A = arith.divsi %add3A_81, %jit3A_135 : i32
        %sign3A = arith.constant 0 : i32
        %sign3A_136 = arith.cmpi sgt, %add3A_81, %sign3A : i32
        %sign3A_137 = arith.extui %sign3A_136 : i1 to i32
        %sign3A_138 = arith.constant 0 : i32
        %sign3A_139 = arith.cmpi slt, %add3A_81, %sign3A_138 : i32
        %sign3A_140 = arith.extui %sign3A_139 : i1 to i32
        %sign3A_141 = arith.subi %sign3A_137, %sign3A_140 : i32
        %sign3A_142 = arith.constant 0 : i32
        %sign3A_143 = arith.cmpi sgt, %jit3A_135, %sign3A_142 : i32
        %sign3A_144 = arith.extui %sign3A_143 : i1 to i32
        %sign3A_145 = arith.constant 0 : i32
        %sign3A_146 = arith.cmpi slt, %jit3A_135, %sign3A_145 : i32
        %sign3A_147 = arith.extui %sign3A_146 : i1 to i32
        %sign3A_148 = arith.subi %sign3A_144, %sign3A_147 : i32
        %ne3A_149 = arith.cmpi ne, %sign3A_141, %sign3A_148 : i32
        %rem3A_150 = arith.remsi %add3A_81, %jit3A_135 : i32
        %ne3A_151 = arith.constant 0 : i32
        %ne3A_152 = arith.cmpi ne, %rem3A_150, %ne3A_151 : i32
        %and3A_153 = arith.andi %ne3A_149, %ne3A_152 : i1
        %sub3A = arith.constant 1 : i32
        %sub3A_154 = arith.subi %div3A, %sub3A : i32
        %select_n3A_155 = arith.select %and3A_153, %sub3A_154, %div3A : i32
        %mul3A_156 = arith.constant 48 : i32
        %mul3A_157 = arith.muli %select_n3A_155, %mul3A_156 : i32
        "tpu.region"() ({
          %run_scoped3A = tpu.sem_alloc : memref<!tpu.dma_semaphore, #tpu.memory_space<semaphore_mem>>
          %dma_start3A_165 = arith.constant 0 : i32
          %dma_start3A_166 = tpu.memref_slice %arg3[%add3A, %mul3A_157, %dma_start3A_165] : memref<32x96x128xi32, #tpu.memory_space<hbm>> -> memref<1x48x128xi32, #tpu.memory_space<hbm>>
          %dma_start3A_167 = tpu.memref_squeeze %dma_start3A_166 : memref<1x48x128xi32, #tpu.memory_space<hbm>> -> memref<48x128xi32, #tpu.memory_space<hbm>>
          %dma_start3A_168 = arith.constant 0 : i32
          %dma_start3A_169 = tpu.memref_slice %arg3[%add3A, %mul3A_157, %dma_start3A_168] : memref<32x96x128xi32, #tpu.memory_space<hbm>> -> memref<1x48x128xi32, #tpu.memory_space<hbm>>
          %dma_start3A_170 = tpu.memref_squeeze %dma_start3A_169 : memref<1x48x128xi32, #tpu.memory_space<hbm>> -> memref<48x128xi32, #tpu.memory_space<hbm>>
          tpu.enqueue_dma source(%dma_start3A_170 : memref<48x128xi32, #tpu.memory_space<hbm>>) target(%arg7 : memref<48x128xi32, #tpu.memory_space<vmem>>) target_semaphore(%run_scoped3A : memref<!tpu.dma_semaphore, #tpu.memory_space<semaphore_mem>>)
          %dma_wait3A_171 = arith.constant 0 : i32
          %dma_wait3A_172 = tpu.memref_slice %arg3[%add3A, %mul3A_157, %dma_wait3A_171] : memref<32x96x128xi32, #tpu.memory_space<hbm>> -> memref<1x48x128xi32, #tpu.memory_space<hbm>>
          %dma_wait3A_173 = tpu.memref_squeeze %dma_wait3A_172 : memref<1x48x128xi32, #tpu.memory_space<hbm>> -> memref<48x128xi32, #tpu.memory_space<hbm>>
          %dma_wait3A_174 = arith.constant 0 : i32
          %dma_wait3A_175 = tpu.memref_slice %arg3[%add3A, %mul3A_157, %dma_wait3A_174] : memref<32x96x128xi32, #tpu.memory_space<hbm>> -> memref<1x48x128xi32, #tpu.memory_space<hbm>>
          %dma_wait3A_176 = tpu.memref_squeeze %dma_wait3A_175 : memref<1x48x128xi32, #tpu.memory_space<hbm>> -> memref<48x128xi32, #tpu.memory_space<hbm>>
          tpu.wait_dma2 semaphore(%run_scoped3A : memref<!tpu.dma_semaphore, #tpu.memory_space<semaphore_mem>>) src(%dma_wait3A_176 : memref<48x128xi32, #tpu.memory_space<hbm>>) dst(%arg7 : memref<48x128xi32, #tpu.memory_space<vmem>>)
          tpu.yield
        }) : () -> ()
        "tpu.region"() ({
          %run_scoped3A = tpu.sem_alloc : memref<!tpu.dma_semaphore, #tpu.memory_space<semaphore_mem>>
          %dma_start3A_165 = arith.constant 0 : i32
          %dma_start3A_166 = tpu.memref_slice %arg4[%add3A, %mul3A_157, %dma_start3A_165] : memref<32x96x128xi32, #tpu.memory_space<hbm>> -> memref<1x48x128xi32, #tpu.memory_space<hbm>>
          %dma_start3A_167 = tpu.memref_squeeze %dma_start3A_166 : memref<1x48x128xi32, #tpu.memory_space<hbm>> -> memref<48x128xi32, #tpu.memory_space<hbm>>
          %dma_start3A_168 = arith.constant 0 : i32
          %dma_start3A_169 = tpu.memref_slice %arg4[%add3A, %mul3A_157, %dma_start3A_168] : memref<32x96x128xi32, #tpu.memory_space<hbm>> -> memref<1x48x128xi32, #tpu.memory_space<hbm>>
          %dma_start3A_170 = tpu.memref_squeeze %dma_start3A_169 : memref<1x48x128xi32, #tpu.memory_space<hbm>> -> memref<48x128xi32, #tpu.memory_space<hbm>>
          tpu.enqueue_dma source(%dma_start3A_170 : memref<48x128xi32, #tpu.memory_space<hbm>>) target(%arg8 : memref<48x128xi32, #tpu.memory_space<vmem>>) target_semaphore(%run_scoped3A : memref<!tpu.dma_semaphore, #tpu.memory_space<semaphore_mem>>)
          %dma_wait3A_171 = arith.constant 0 : i32
          %dma_wait3A_172 = tpu.memref_slice %arg4[%add3A, %mul3A_157, %dma_wait3A_171] : memref<32x96x128xi32, #tpu.memory_space<hbm>> -> memref<1x48x128xi32, #tpu.memory_space<hbm>>
          %dma_wait3A_173 = tpu.memref_squeeze %dma_wait3A_172 : memref<1x48x128xi32, #tpu.memory_space<hbm>> -> memref<48x128xi32, #tpu.memory_space<hbm>>
          %dma_wait3A_174 = arith.constant 0 : i32
          %dma_wait3A_175 = tpu.memref_slice %arg4[%add3A, %mul3A_157, %dma_wait3A_174] : memref<32x96x128xi32, #tpu.memory_space<hbm>> -> memref<1x48x128xi32, #tpu.memory_space<hbm>>
          %dma_wait3A_176 = tpu.memref_squeeze %dma_wait3A_175 : memref<1x48x128xi32, #tpu.memory_space<hbm>> -> memref<48x128xi32, #tpu.memory_space<hbm>>
          tpu.wait_dma2 semaphore(%run_scoped3A : memref<!tpu.dma_semaphore, #tpu.memory_space<semaphore_mem>>) src(%dma_wait3A_176 : memref<48x128xi32, #tpu.memory_space<hbm>>) dst(%arg8 : memref<48x128xi32, #tpu.memory_space<vmem>>)
          tpu.yield
        }) : () -> ()
        %dma_start3A_158 = arith.constant 0 : i32
        %dma_start3A_159 = arith.constant 0 : i32
        %dma_start3A_160 = tpu.memref_slice %arg7[%dma_start3A_158, %dma_start3A_159] : memref<48x128xi32, #tpu.memory_space<vmem>> -> memref<1x128xi32, #tpu.memory_space<vmem>>
        %dma_start3A_161 = tpu.memref_squeeze %dma_start3A_160 : memref<1x128xi32, #tpu.memory_space<vmem>> -> memref<128xi32, #tpu.memory_space<vmem>>
        %dma_start3A_162 = arith.constant 0 : i32
        %dma_start3A_163 = arith.constant 0 : i32
        %dma_start3A_164 = tpu.memref_slice %arg2[%dma_start3A_162, %dma_start3A_163] : memref<10000x128xf32, #tpu.memory_space<hbm>> -> memref<10000x128xf32, #tpu.memory_space<hbm>>
        tpu.enqueue_indirect_dma source(%dma_start3A_164 : memref<10000x128xf32, #tpu.memory_space<hbm>>) target(%arg10 : memref<128x128xf32, #tpu.memory_space<vmem>>) offsets(%dma_start3A_161 : memref<128xi32, #tpu.memory_space<vmem>>) semaphore(%arg13 : memref<!tpu.dma_semaphore, #tpu.memory_space<semaphore_mem>>)
      } else {
      }
      %add3A_111 = arith.constant 1 : i32
      %add3A_112 = arith.addi %add3A_81, %add3A_111 : i32
      %lt3A_113 = arith.constant 80 : i32
      %lt3A_114 = arith.cmpi slt, %add3A_112, %lt3A_113 : i32
      %add3A_115 = arith.constant 1 : i32
      %add3A_116 = arith.addi %select_n3A_97, %add3A_115 : i32
      %lt3A_117 = arith.constant 48 : i32
      %lt3A_118 = arith.cmpi slt, %add3A_116, %lt3A_117 : i32
      %and3A_119 = arith.andi %lt3A_114, %lt3A_118 : i1
      %convert_element_type3A_120 = arith.extui %and3A_119 : i1 to i32
      %cond3A_121 = arith.constant 0 : i32
      %cond3A_122 = arith.cmpi ne, %convert_element_type3A_120, %cond3A_121 : i32
      scf.if %cond3A_122 {
        %add3A_135 = arith.constant 1 : i32
        %add3A_136 = arith.addi %select_n3A_97, %add3A_135 : i32
        %dma_start3A_137 = arith.constant 0 : i32
        %dma_start3A_138 = tpu.memref_slice %arg7[%add3A_136, %dma_start3A_137] : memref<48x128xi32, #tpu.memory_space<vmem>> -> memref<1x128xi32, #tpu.memory_space<vmem>>
        %dma_start3A_139 = tpu.memref_squeeze %dma_start3A_138 : memref<1x128xi32, #tpu.memory_space<vmem>> -> memref<128xi32, #tpu.memory_space<vmem>>
        %dma_start3A_140 = arith.constant 0 : i32
        %dma_start3A_141 = arith.constant 0 : i32
        %dma_start3A_142 = tpu.memref_slice %arg2[%dma_start3A_140, %dma_start3A_141] : memref<10000x128xf32, #tpu.memory_space<hbm>> -> memref<10000x128xf32, #tpu.memory_space<hbm>>
        tpu.enqueue_indirect_dma source(%dma_start3A_142 : memref<10000x128xf32, #tpu.memory_space<hbm>>) target(%arg9 : memref<128x128xf32, #tpu.memory_space<vmem>>) offsets(%dma_start3A_139 : memref<128xi32, #tpu.memory_space<vmem>>) semaphore(%arg12 : memref<!tpu.dma_semaphore, #tpu.memory_space<semaphore_mem>>)
      } else {
      }
      %dma_wait3A_123 = arith.constant 0 : i32
      %dma_wait3A_124 = tpu.memref_slice %arg7[%select_n3A_97, %dma_wait3A_123] : memref<48x128xi32, #tpu.memory_space<vmem>> -> memref<1x128xi32, #tpu.memory_space<vmem>>
      %dma_wait3A_125 = tpu.memref_squeeze %dma_wait3A_124 : memref<1x128xi32, #tpu.memory_space<vmem>> -> memref<128xi32, #tpu.memory_space<vmem>>
      %dma_wait3A_126 = arith.constant 0 : i32
      %dma_wait3A_127 = arith.constant 0 : i32
      %dma_wait3A_128 = tpu.memref_slice %arg2[%dma_wait3A_126, %dma_wait3A_127] : memref<10000x128xf32, #tpu.memory_space<hbm>> -> memref<10000x128xf32, #tpu.memory_space<hbm>>
      tpu.wait_indirect_dma semaphore(%arg13 : memref<!tpu.dma_semaphore, #tpu.memory_space<semaphore_mem>>) src(%dma_wait3A_128 : memref<10000x128xf32, #tpu.memory_space<hbm>>) dst(%arg10 : memref<128x128xf32, #tpu.memory_space<vmem>>)
      %dma_start3A_129 = arith.constant 0 : i32
      %dma_start3A_130 = tpu.memref_slice %arg8[%select_n3A_97, %dma_start3A_129] : memref<48x128xi32, #tpu.memory_space<vmem>> -> memref<1x128xi32, #tpu.memory_space<vmem>>
      %dma_start3A_131 = tpu.memref_squeeze %dma_start3A_130 : memref<1x128xi32, #tpu.memory_space<vmem>> -> memref<128xi32, #tpu.memory_space<vmem>>
      %dma_start3A_132 = arith.constant 0 : i32
      %dma_start3A_133 = arith.constant 0 : i32
      %dma_start3A_134 = tpu.memref_slice %arg11[%dma_start3A_132, %dma_start3A_133] : memref<10240x128xf32, #tpu.memory_space<vmem_shared>> -> memref<10240x128xf32, #tpu.memory_space<vmem_shared>>
      tpu.enqueue_indirect_dma source(%arg10 : memref<128x128xf32, #tpu.memory_space<vmem>>) target(%dma_start3A_134 : memref<10240x128xf32, #tpu.memory_space<vmem_shared>>) offsets(%dma_start3A_131 : memref<128xi32, #tpu.memory_space<vmem>>) semaphore(%arg15 : memref<!tpu.dma_semaphore, #tpu.memory_space<semaphore_mem>>) {add = true}
    }
    %scan3A_18 = arith.constant 40 : i32
    %dma_wait3A_19 = arith.constant 31 : i32
    %dma_wait3A_20 = arith.constant 0 : i32
    %dma_wait3A_21 = tpu.memref_slice %arg8[%dma_wait3A_19, %dma_wait3A_20] : memref<48x128xi32, #tpu.memory_space<vmem>> -> memref<1x128xi32, #tpu.memory_space<vmem>>
    %dma_wait3A_22 = tpu.memref_squeeze %dma_wait3A_21 : memref<1x128xi32, #tpu.memory_space<vmem>> -> memref<128xi32, #tpu.memory_space<vmem>>
    %dma_wait3A_23 = arith.constant 0 : i32
    %dma_wait3A_24 = arith.constant 0 : i32
    %dma_wait3A_25 = tpu.memref_slice %arg11[%dma_wait3A_23, %dma_wait3A_24] : memref<10240x128xf32, #tpu.memory_space<vmem_shared>> -> memref<10240x128xf32, #tpu.memory_space<vmem_shared>>
    tpu.wait_indirect_dma semaphore(%arg15 : memref<!tpu.dma_semaphore, #tpu.memory_space<semaphore_mem>>) src(%arg10 : memref<128x128xf32, #tpu.memory_space<vmem>>) dst(%dma_wait3A_25 : memref<10240x128xf32, #tpu.memory_space<vmem_shared>>)
    %barrier3A_26 = arith.constant 0 : index
    tpu.barrier barrier_id(%barrier3A_26)
    %mul3A_27 = arith.constant 632 : i32
    %mul3A_28 = arith.muli %arg1, %mul3A_27 : i32
    %min3A = arith.constant 9368 : i32
    %min3A_29 = arith.minsi %mul3A_28, %min3A : i32
    "tpu.region"() ({
      %run_scoped3A = tpu.sem_alloc : memref<!tpu.dma_semaphore, #tpu.memory_space<semaphore_mem>>
      %dma_start3A_30 = arith.constant 0 : i32
      %dma_start3A_31 = tpu.memref_slice %arg6[%arg0, %min3A_29, %dma_start3A_30] : memref<2x10000x128xf32, #tpu.memory_space<hbm>> -> memref<1x632x128xf32, #tpu.memory_space<hbm>>
      %dma_start3A_32 = tpu.memref_squeeze %dma_start3A_31 : memref<1x632x128xf32, #tpu.memory_space<hbm>> -> memref<632x128xf32, #tpu.memory_space<hbm>>
      %dma_start3A_33 = arith.constant 0 : i32
      %dma_start3A_34 = tpu.memref_slice %arg11[%min3A_29, %dma_start3A_33] : memref<10240x128xf32, #tpu.memory_space<vmem_shared>> -> memref<632x128xf32, #tpu.memory_space<vmem_shared>>
      tpu.enqueue_dma source(%dma_start3A_34 : memref<632x128xf32, #tpu.memory_space<vmem_shared>>) target(%dma_start3A_32 : memref<632x128xf32, #tpu.memory_space<hbm>>) target_semaphore(%run_scoped3A : memref<!tpu.dma_semaphore, #tpu.memory_space<semaphore_mem>>)
      %dma_wait3A_35 = arith.constant 0 : i32
      %dma_wait3A_36 = tpu.memref_slice %arg6[%arg0, %min3A_29, %dma_wait3A_35] : memref<2x10000x128xf32, #tpu.memory_space<hbm>> -> memref<1x632x128xf32, #tpu.memory_space<hbm>>
      %dma_wait3A_37 = tpu.memref_squeeze %dma_wait3A_36 : memref<1x632x128xf32, #tpu.memory_space<hbm>> -> memref<632x128xf32, #tpu.memory_space<hbm>>
      %dma_wait3A_38 = arith.constant 0 : i32
      %dma_wait3A_39 = tpu.memref_slice %arg11[%min3A_29, %dma_wait3A_38] : memref<10240x128xf32, #tpu.memory_space<vmem_shared>> -> memref<632x128xf32, #tpu.memory_space<vmem_shared>>
      tpu.wait_dma2 semaphore(%run_scoped3A : memref<!tpu.dma_semaphore, #tpu.memory_space<semaphore_mem>>) src(%dma_wait3A_39 : memref<632x128xf32, #tpu.memory_space<vmem_shared>>) dst(%dma_wait3A_37 : memref<632x128xf32, #tpu.memory_space<hbm>>)
      tpu.yield
    }) : () -> ()
    return
  }
}

#map = affine_map<(d0, d1) -> (0, 0, 0)>
#map1 = affine_map<(d0, d1) -> (0)>
#map2 = affine_map<(d0, d1) -> (0, 0)>
module attributes {stable_mosaic.version = 14 : i64} {
  func.func @deg_kernel(%arg0: i32, %arg1: i32, %arg2: memref<32x96x128xi32, #tpu.memory_space<hbm>>, %arg3: memref<10240xf32, #tpu.memory_space<hbm>>, %arg4: memref<2x10240xf32, #tpu.memory_space<hbm>>, %arg5: memref<96x128xi32, #tpu.memory_space<vmem>>, %arg6: memref<128xf32, #tpu.memory_space<vmem>>, %arg7: memref<10240xf32, #tpu.memory_space<vmem_shared>>) attributes {dimension_semantics = [#tpu.dimension_semantics<core_parallel>, #tpu.dimension_semantics<subcore_parallel>], iteration_bounds = array<i64: 2, 16>, scalar_prefetch = 0 : i64, scratch_operands = 3 : i64, tpu.core_type = #tpu.core_type<sc_vector_subcore>, window_params = [{transform_indices = #map}, {transform_indices = #map1}, {transform_indices = #map2}]} {
    %mul3A = arith.constant 16 : i32
    %mul3A_0 = arith.muli %arg0, %mul3A : i32
    %add3A = arith.addi %mul3A_0, %arg1 : i32
    "tpu.region"() ({
      %run_scoped3A = tpu.sem_alloc : memref<!tpu.dma_semaphore, #tpu.memory_space<semaphore_mem>>
      %dma_start3A = arith.constant 0 : i32
      %dma_start3A_61 = arith.constant 0 : i32
      %dma_start3A_62 = tpu.memref_slice %arg2[%add3A, %dma_start3A, %dma_start3A_61] : memref<32x96x128xi32, #tpu.memory_space<hbm>> -> memref<1x96x128xi32, #tpu.memory_space<hbm>>
      %dma_start3A_63 = tpu.memref_squeeze %dma_start3A_62 : memref<1x96x128xi32, #tpu.memory_space<hbm>> -> memref<96x128xi32, #tpu.memory_space<hbm>>
      %dma_start3A_64 = arith.constant 0 : i32
      %dma_start3A_65 = arith.constant 0 : i32
      %dma_start3A_66 = tpu.memref_slice %arg2[%add3A, %dma_start3A_64, %dma_start3A_65] : memref<32x96x128xi32, #tpu.memory_space<hbm>> -> memref<1x96x128xi32, #tpu.memory_space<hbm>>
      %dma_start3A_67 = tpu.memref_squeeze %dma_start3A_66 : memref<1x96x128xi32, #tpu.memory_space<hbm>> -> memref<96x128xi32, #tpu.memory_space<hbm>>
      tpu.enqueue_dma source(%dma_start3A_67 : memref<96x128xi32, #tpu.memory_space<hbm>>) target(%arg5 : memref<96x128xi32, #tpu.memory_space<vmem>>) target_semaphore(%run_scoped3A : memref<!tpu.dma_semaphore, #tpu.memory_space<semaphore_mem>>)
      %dma_wait3A = arith.constant 0 : i32
      %dma_wait3A_68 = arith.constant 0 : i32
      %dma_wait3A_69 = tpu.memref_slice %arg2[%add3A, %dma_wait3A, %dma_wait3A_68] : memref<32x96x128xi32, #tpu.memory_space<hbm>> -> memref<1x96x128xi32, #tpu.memory_space<hbm>>
      %dma_wait3A_70 = tpu.memref_squeeze %dma_wait3A_69 : memref<1x96x128xi32, #tpu.memory_space<hbm>> -> memref<96x128xi32, #tpu.memory_space<hbm>>
      %dma_wait3A_71 = arith.constant 0 : i32
      %dma_wait3A_72 = arith.constant 0 : i32
      %dma_wait3A_73 = tpu.memref_slice %arg2[%add3A, %dma_wait3A_71, %dma_wait3A_72] : memref<32x96x128xi32, #tpu.memory_space<hbm>> -> memref<1x96x128xi32, #tpu.memory_space<hbm>>
      %dma_wait3A_74 = tpu.memref_squeeze %dma_wait3A_73 : memref<1x96x128xi32, #tpu.memory_space<hbm>> -> memref<96x128xi32, #tpu.memory_space<hbm>>
      tpu.wait_dma2 semaphore(%run_scoped3A : memref<!tpu.dma_semaphore, #tpu.memory_space<semaphore_mem>>) src(%dma_wait3A_74 : memref<96x128xi32, #tpu.memory_space<hbm>>) dst(%arg5 : memref<96x128xi32, #tpu.memory_space<vmem>>)
      tpu.yield
    }) : () -> ()
    %mul3A_1 = arith.constant 640 : i32
    %mul3A_2 = arith.muli %arg1, %mul3A_1 : i32
    %mul3A_3 = arith.constant 640 : i32
    %mul3A_4 = arith.muli %arg1, %mul3A_3 : i32
    "tpu.region"() ({
      %run_scoped3A = tpu.sem_alloc : memref<!tpu.dma_semaphore, #tpu.memory_space<semaphore_mem>>
      %dma_start3A = tpu.memref_slice %arg7[%mul3A_4] : memref<10240xf32, #tpu.memory_space<vmem_shared>> -> memref<640xf32, #tpu.memory_space<vmem_shared>>
      %dma_start3A_61 = tpu.memref_slice %arg3[%mul3A_2] : memref<10240xf32, #tpu.memory_space<hbm>> -> memref<640xf32, #tpu.memory_space<hbm>>
      tpu.enqueue_dma source(%dma_start3A_61 : memref<640xf32, #tpu.memory_space<hbm>>) target(%dma_start3A : memref<640xf32, #tpu.memory_space<vmem_shared>>) target_semaphore(%run_scoped3A : memref<!tpu.dma_semaphore, #tpu.memory_space<semaphore_mem>>)
      %dma_wait3A = tpu.memref_slice %arg7[%mul3A_4] : memref<10240xf32, #tpu.memory_space<vmem_shared>> -> memref<640xf32, #tpu.memory_space<vmem_shared>>
      %dma_wait3A_62 = tpu.memref_slice %arg3[%mul3A_2] : memref<10240xf32, #tpu.memory_space<hbm>> -> memref<640xf32, #tpu.memory_space<hbm>>
      tpu.wait_dma2 semaphore(%run_scoped3A : memref<!tpu.dma_semaphore, #tpu.memory_space<semaphore_mem>>) src(%dma_wait3A_62 : memref<640xf32, #tpu.memory_space<hbm>>) dst(%dma_wait3A : memref<640xf32, #tpu.memory_space<vmem_shared>>)
      tpu.yield
    }) : () -> ()
    %broadcast_in_dim3A = arith.constant 1.000000e+00 : f32
    %broadcast_in_dim3A_5 = vector.broadcast %broadcast_in_dim3A : f32 to vector<16xf32>
    %swap3A = arith.constant 0 : index
    %swap3A_6 = tpu.vector_load %arg6[%swap3A] {strides = array<i32>} : memref<128xf32, #tpu.memory_space<vmem>>, vector<16xf32>,
    %swap3A_7 = vector.shape_cast %swap3A_6 : vector<16xf32> to vector<16xf32>
    %swap3A_8 = vector.shape_cast %broadcast_in_dim3A_5 : vector<16xf32> to vector<16xf32>
    tpu.vector_store %arg6[%swap3A], %swap3A_8 {strides = array<i32>} : memref<128xf32, #tpu.memory_space<vmem>>, vector<16xf32>,
    %broadcast_in_dim3A_9 = arith.constant 1.000000e+00 : f32
    %broadcast_in_dim3A_10 = vector.broadcast %broadcast_in_dim3A_9 : f32 to vector<16xf32>
    %swap3A_11 = arith.constant 16 : index
    %swap3A_12 = tpu.vector_load %arg6[%swap3A_11] {strides = array<i32>} : memref<128xf32, #tpu.memory_space<vmem>>, vector<16xf32>,
    %swap3A_13 = vector.shape_cast %swap3A_12 : vector<16xf32> to vector<16xf32>
    %swap3A_14 = vector.shape_cast %broadcast_in_dim3A_10 : vector<16xf32> to vector<16xf32>
    tpu.vector_store %arg6[%swap3A_11], %swap3A_14 {strides = array<i32>} : memref<128xf32, #tpu.memory_space<vmem>>, vector<16xf32>,
    %broadcast_in_dim3A_15 = arith.constant 1.000000e+00 : f32
    %broadcast_in_dim3A_16 = vector.broadcast %broadcast_in_dim3A_15 : f32 to vector<16xf32>
    %swap3A_17 = arith.constant 32 : index
    %swap3A_18 = tpu.vector_load %arg6[%swap3A_17] {strides = array<i32>} : memref<128xf32, #tpu.memory_space<vmem>>, vector<16xf32>,
    %swap3A_19 = vector.shape_cast %swap3A_18 : vector<16xf32> to vector<16xf32>
    %swap3A_20 = vector.shape_cast %broadcast_in_dim3A_16 : vector<16xf32> to vector<16xf32>
    tpu.vector_store %arg6[%swap3A_17], %swap3A_20 {strides = array<i32>} : memref<128xf32, #tpu.memory_space<vmem>>, vector<16xf32>,
    %broadcast_in_dim3A_21 = arith.constant 1.000000e+00 : f32
    %broadcast_in_dim3A_22 = vector.broadcast %broadcast_in_dim3A_21 : f32 to vector<16xf32>
    %swap3A_23 = arith.constant 48 : index
    %swap3A_24 = tpu.vector_load %arg6[%swap3A_23] {strides = array<i32>} : memref<128xf32, #tpu.memory_space<vmem>>, vector<16xf32>,
    %swap3A_25 = vector.shape_cast %swap3A_24 : vector<16xf32> to vector<16xf32>
    %swap3A_26 = vector.shape_cast %broadcast_in_dim3A_22 : vector<16xf32> to vector<16xf32>
    tpu.vector_store %arg6[%swap3A_23], %swap3A_26 {strides = array<i32>} : memref<128xf32, #tpu.memory_space<vmem>>, vector<16xf32>,
    %broadcast_in_dim3A_27 = arith.constant 1.000000e+00 : f32
    %broadcast_in_dim3A_28 = vector.broadcast %broadcast_in_dim3A_27 : f32 to vector<16xf32>
    %swap3A_29 = arith.constant 64 : index
    %swap3A_30 = tpu.vector_load %arg6[%swap3A_29] {strides = array<i32>} : memref<128xf32, #tpu.memory_space<vmem>>, vector<16xf32>,
    %swap3A_31 = vector.shape_cast %swap3A_30 : vector<16xf32> to vector<16xf32>
    %swap3A_32 = vector.shape_cast %broadcast_in_dim3A_28 : vector<16xf32> to vector<16xf32>
    tpu.vector_store %arg6[%swap3A_29], %swap3A_32 {strides = array<i32>} : memref<128xf32, #tpu.memory_space<vmem>>, vector<16xf32>,
    %broadcast_in_dim3A_33 = arith.constant 1.000000e+00 : f32
    %broadcast_in_dim3A_34 = vector.broadcast %broadcast_in_dim3A_33 : f32 to vector<16xf32>
    %swap3A_35 = arith.constant 80 : index
    %swap3A_36 = tpu.vector_load %arg6[%swap3A_35] {strides = array<i32>} : memref<128xf32, #tpu.memory_space<vmem>>, vector<16xf32>,
    %swap3A_37 = vector.shape_cast %swap3A_36 : vector<16xf32> to vector<16xf32>
    %swap3A_38 = vector.shape_cast %broadcast_in_dim3A_34 : vector<16xf32> to vector<16xf32>
    tpu.vector_store %arg6[%swap3A_35], %swap3A_38 {strides = array<i32>} : memref<128xf32, #tpu.memory_space<vmem>>, vector<16xf32>,
    %broadcast_in_dim3A_39 = arith.constant 1.000000e+00 : f32
    %broadcast_in_dim3A_40 = vector.broadcast %broadcast_in_dim3A_39 : f32 to vector<16xf32>
    %swap3A_41 = arith.constant 96 : index
    %swap3A_42 = tpu.vector_load %arg6[%swap3A_41] {strides = array<i32>} : memref<128xf32, #tpu.memory_space<vmem>>, vector<16xf32>,
    %swap3A_43 = vector.shape_cast %swap3A_42 : vector<16xf32> to vector<16xf32>
    %swap3A_44 = vector.shape_cast %broadcast_in_dim3A_40 : vector<16xf32> to vector<16xf32>
    tpu.vector_store %arg6[%swap3A_41], %swap3A_44 {strides = array<i32>} : memref<128xf32, #tpu.memory_space<vmem>>, vector<16xf32>,
    %broadcast_in_dim3A_45 = arith.constant 1.000000e+00 : f32
    %broadcast_in_dim3A_46 = vector.broadcast %broadcast_in_dim3A_45 : f32 to vector<16xf32>
    %swap3A_47 = arith.constant 112 : index
    %swap3A_48 = tpu.vector_load %arg6[%swap3A_47] {strides = array<i32>} : memref<128xf32, #tpu.memory_space<vmem>>, vector<16xf32>,
    %swap3A_49 = vector.shape_cast %swap3A_48 : vector<16xf32> to vector<16xf32>
    %swap3A_50 = vector.shape_cast %broadcast_in_dim3A_46 : vector<16xf32> to vector<16xf32>
    tpu.vector_store %arg6[%swap3A_47], %swap3A_50 {strides = array<i32>} : memref<128xf32, #tpu.memory_space<vmem>>, vector<16xf32>,
    %barrier3A = arith.constant 0 : index
    tpu.barrier barrier_id(%barrier3A)
    %scan3A = arith.constant 0 : i32
    %scan3A_51 = arith.constant 0 : i32
    %scan3A_52 = arith.constant 80 : i32
    %scan3A_53 = arith.addi %scan3A_51, %scan3A_52 : i32
    %scan3A_54 = arith.constant 1 : i32
    scf.for %scan3A_61 = %scan3A_51 to %scan3A_53 step %scan3A_54  : i32 {
      "tpu.region"() ({
        %run_scoped3A = tpu.sem_alloc : memref<!tpu.dma_semaphore, #tpu.memory_space<semaphore_mem>>
        %dma_start3A = arith.constant 0 : i32
        %dma_start3A_62 = tpu.memref_slice %arg5[%scan3A_61, %dma_start3A] : memref<96x128xi32, #tpu.memory_space<vmem>> -> memref<1x128xi32, #tpu.memory_space<vmem>>
        %dma_start3A_63 = tpu.memref_squeeze %dma_start3A_62 : memref<1x128xi32, #tpu.memory_space<vmem>> -> memref<128xi32, #tpu.memory_space<vmem>>
        %dma_start3A_64 = arith.constant 0 : i32
        %dma_start3A_65 = tpu.memref_slice %arg7[%dma_start3A_64] : memref<10240xf32, #tpu.memory_space<vmem_shared>> -> memref<10240xf32, #tpu.memory_space<vmem_shared>>
        tpu.enqueue_indirect_dma source(%arg6 : memref<128xf32, #tpu.memory_space<vmem>>) target(%dma_start3A_65 : memref<10240xf32, #tpu.memory_space<vmem_shared>>) offsets(%dma_start3A_63 : memref<128xi32, #tpu.memory_space<vmem>>) semaphore(%run_scoped3A : memref<!tpu.dma_semaphore, #tpu.memory_space<semaphore_mem>>) {add = true}
        %dma_wait3A = arith.constant 0 : i32
        %dma_wait3A_66 = tpu.memref_slice %arg5[%scan3A_61, %dma_wait3A] : memref<96x128xi32, #tpu.memory_space<vmem>> -> memref<1x128xi32, #tpu.memory_space<vmem>>
        %dma_wait3A_67 = tpu.memref_squeeze %dma_wait3A_66 : memref<1x128xi32, #tpu.memory_space<vmem>> -> memref<128xi32, #tpu.memory_space<vmem>>
        %dma_wait3A_68 = arith.constant 0 : i32
        %dma_wait3A_69 = tpu.memref_slice %arg7[%dma_wait3A_68] : memref<10240xf32, #tpu.memory_space<vmem_shared>> -> memref<10240xf32, #tpu.memory_space<vmem_shared>>
        tpu.wait_indirect_dma semaphore(%run_scoped3A : memref<!tpu.dma_semaphore, #tpu.memory_space<semaphore_mem>>) src(%arg6 : memref<128xf32, #tpu.memory_space<vmem>>) dst(%dma_wait3A_69 : memref<10240xf32, #tpu.memory_space<vmem_shared>>)
        tpu.yield
      }) : () -> ()
    }
    %scan3A_55 = arith.constant 80 : i32
    %barrier3A_56 = arith.constant 0 : index
    tpu.barrier barrier_id(%barrier3A_56)
    %mul3A_57 = arith.constant 640 : i32
    %mul3A_58 = arith.muli %arg1, %mul3A_57 : i32
    %mul3A_59 = arith.constant 640 : i32
    %mul3A_60 = arith.muli %arg1, %mul3A_59 : i32
    "tpu.region"() ({
      %run_scoped3A = tpu.sem_alloc : memref<!tpu.dma_semaphore, #tpu.memory_space<semaphore_mem>>
      %dma_start3A = tpu.memref_slice %arg4[%arg0, %mul3A_60] : memref<2x10240xf32, #tpu.memory_space<hbm>> -> memref<1x640xf32, #tpu.memory_space<hbm>>
      %dma_start3A_61 = tpu.memref_squeeze %dma_start3A : memref<1x640xf32, #tpu.memory_space<hbm>> -> memref<640xf32, #tpu.memory_space<hbm>>
      %dma_start3A_62 = tpu.memref_slice %arg7[%mul3A_58] : memref<10240xf32, #tpu.memory_space<vmem_shared>> -> memref<640xf32, #tpu.memory_space<vmem_shared>>
      tpu.enqueue_dma source(%dma_start3A_62 : memref<640xf32, #tpu.memory_space<vmem_shared>>) target(%dma_start3A_61 : memref<640xf32, #tpu.memory_space<hbm>>) target_semaphore(%run_scoped3A : memref<!tpu.dma_semaphore, #tpu.memory_space<semaphore_mem>>)
      %dma_wait3A = tpu.memref_slice %arg4[%arg0, %mul3A_60] : memref<2x10240xf32, #tpu.memory_space<hbm>> -> memref<1x640xf32, #tpu.memory_space<hbm>>
      %dma_wait3A_63 = tpu.memref_squeeze %dma_wait3A : memref<1x640xf32, #tpu.memory_space<hbm>> -> memref<640xf32, #tpu.memory_space<hbm>>
      %dma_wait3A_64 = tpu.memref_slice %arg7[%mul3A_58] : memref<10240xf32, #tpu.memory_space<vmem_shared>> -> memref<640xf32, #tpu.memory_space<vmem_shared>>
      tpu.wait_dma2 semaphore(%run_scoped3A : memref<!tpu.dma_semaphore, #tpu.memory_space<semaphore_mem>>) src(%dma_wait3A_64 : memref<640xf32, #tpu.memory_space<vmem_shared>>) dst(%dma_wait3A_63 : memref<640xf32, #tpu.memory_space<hbm>>)
      tpu.yield
    }) : () -> ()
    return
  }
}

#map = affine_map<(d0, d1) -> (0, 0)>
#map1 = affine_map<(d0, d1) -> (0, 0, 0)>
module attributes {stable_mosaic.version = 14 : i64} {
  func.func @agg_kernel(%arg0: i32, %arg1: i32, %arg2: memref<10000x128xf32, #tpu.memory_space<hbm>>, %arg3: memref<32x96x128xi32, #tpu.memory_space<hbm>>, %arg4: memref<32x96x128xi32, #tpu.memory_space<hbm>>, %arg5: memref<640x128xf32, #tpu.memory_space<hbm>>, %arg6: memref<2x10000x128xf32, #tpu.memory_space<hbm>>, %arg7: memref<48x128xi32, #tpu.memory_space<vmem>>, %arg8: memref<48x128xi32, #tpu.memory_space<vmem>>, %arg9: memref<128x128xf32, #tpu.memory_space<vmem>>, %arg10: memref<128x128xf32, #tpu.memory_space<vmem>>, %arg11: memref<10240x128xf32, #tpu.memory_space<vmem_shared>>, %arg12: memref<!tpu.dma_semaphore, #tpu.memory_space<semaphore_mem>>, %arg13: memref<!tpu.dma_semaphore, #tpu.memory_space<semaphore_mem>>, %arg14: memref<!tpu.dma_semaphore, #tpu.memory_space<semaphore_mem>>, %arg15: memref<!tpu.dma_semaphore, #tpu.memory_space<semaphore_mem>>, %arg16: memref<!tpu.dma_semaphore, #tpu.memory_space<semaphore_mem>>) attributes {dimension_semantics = [#tpu.dimension_semantics<core_parallel>, #tpu.dimension_semantics<subcore_parallel>], iteration_bounds = array<i64: 2, 16>, scalar_prefetch = 0 : i64, scratch_operands = 10 : i64, tpu.core_type = #tpu.core_type<sc_vector_subcore>, window_params = [{transform_indices = #map}, {transform_indices = #map1}, {transform_indices = #map1}, {transform_indices = #map}, {transform_indices = #map1}]} {
    %mul3A = arith.constant 16 : i32
    %mul3A_0 = arith.muli %arg0, %mul3A : i32
    %add3A = arith.addi %mul3A_0, %arg1 : i32
    %mul3A_1 = arith.constant 640 : i32
    %mul3A_2 = arith.muli %arg1, %mul3A_1 : i32
    %dma_start3A = arith.constant 0 : i32
    %dma_start3A_3 = tpu.memref_slice %arg11[%mul3A_2, %dma_start3A] : memref<10240x128xf32, #tpu.memory_space<vmem_shared>> -> memref<640x128xf32, #tpu.memory_space<vmem_shared>>
    tpu.enqueue_dma source(%arg5 : memref<640x128xf32, #tpu.memory_space<hbm>>) target(%dma_start3A_3 : memref<640x128xf32, #tpu.memory_space<vmem_shared>>) target_semaphore(%arg16 : memref<!tpu.dma_semaphore, #tpu.memory_space<semaphore_mem>>)
    "tpu.region"() ({
      %run_scoped3A = tpu.sem_alloc : memref<!tpu.dma_semaphore, #tpu.memory_space<semaphore_mem>>
      %dma_start3A_30 = arith.constant 0 : i32
      %dma_start3A_31 = arith.constant 0 : i32
      %dma_start3A_32 = tpu.memref_slice %arg3[%add3A, %dma_start3A_30, %dma_start3A_31] : memref<32x96x128xi32, #tpu.memory_space<hbm>> -> memref<1x48x128xi32, #tpu.memory_space<hbm>>
      %dma_start3A_33 = tpu.memref_squeeze %dma_start3A_32 : memref<1x48x128xi32, #tpu.memory_space<hbm>> -> memref<48x128xi32, #tpu.memory_space<hbm>>
      %dma_start3A_34 = arith.constant 0 : i32
      %dma_start3A_35 = arith.constant 0 : i32
      %dma_start3A_36 = tpu.memref_slice %arg3[%add3A, %dma_start3A_34, %dma_start3A_35] : memref<32x96x128xi32, #tpu.memory_space<hbm>> -> memref<1x48x128xi32, #tpu.memory_space<hbm>>
      %dma_start3A_37 = tpu.memref_squeeze %dma_start3A_36 : memref<1x48x128xi32, #tpu.memory_space<hbm>> -> memref<48x128xi32, #tpu.memory_space<hbm>>
      tpu.enqueue_dma source(%dma_start3A_37 : memref<48x128xi32, #tpu.memory_space<hbm>>) target(%arg7 : memref<48x128xi32, #tpu.memory_space<vmem>>) target_semaphore(%run_scoped3A : memref<!tpu.dma_semaphore, #tpu.memory_space<semaphore_mem>>)
      %dma_wait3A_38 = arith.constant 0 : i32
      %dma_wait3A_39 = arith.constant 0 : i32
      %dma_wait3A_40 = tpu.memref_slice %arg3[%add3A, %dma_wait3A_38, %dma_wait3A_39] : memref<32x96x128xi32, #tpu.memory_space<hbm>> -> memref<1x48x128xi32, #tpu.memory_space<hbm>>
      %dma_wait3A_41 = tpu.memref_squeeze %dma_wait3A_40 : memref<1x48x128xi32, #tpu.memory_space<hbm>> -> memref<48x128xi32, #tpu.memory_space<hbm>>
      %dma_wait3A_42 = arith.constant 0 : i32
      %dma_wait3A_43 = arith.constant 0 : i32
      %dma_wait3A_44 = tpu.memref_slice %arg3[%add3A, %dma_wait3A_42, %dma_wait3A_43] : memref<32x96x128xi32, #tpu.memory_space<hbm>> -> memref<1x48x128xi32, #tpu.memory_space<hbm>>
      %dma_wait3A_45 = tpu.memref_squeeze %dma_wait3A_44 : memref<1x48x128xi32, #tpu.memory_space<hbm>> -> memref<48x128xi32, #tpu.memory_space<hbm>>
      tpu.wait_dma2 semaphore(%run_scoped3A : memref<!tpu.dma_semaphore, #tpu.memory_space<semaphore_mem>>) src(%dma_wait3A_45 : memref<48x128xi32, #tpu.memory_space<hbm>>) dst(%arg7 : memref<48x128xi32, #tpu.memory_space<vmem>>)
      tpu.yield
    }) : () -> ()
    "tpu.region"() ({
      %run_scoped3A = tpu.sem_alloc : memref<!tpu.dma_semaphore, #tpu.memory_space<semaphore_mem>>
      %dma_start3A_30 = arith.constant 0 : i32
      %dma_start3A_31 = arith.constant 0 : i32
      %dma_start3A_32 = tpu.memref_slice %arg4[%add3A, %dma_start3A_30, %dma_start3A_31] : memref<32x96x128xi32, #tpu.memory_space<hbm>> -> memref<1x48x128xi32, #tpu.memory_space<hbm>>
      %dma_start3A_33 = tpu.memref_squeeze %dma_start3A_32 : memref<1x48x128xi32, #tpu.memory_space<hbm>> -> memref<48x128xi32, #tpu.memory_space<hbm>>
      %dma_start3A_34 = arith.constant 0 : i32
      %dma_start3A_35 = arith.constant 0 : i32
      %dma_start3A_36 = tpu.memref_slice %arg4[%add3A, %dma_start3A_34, %dma_start3A_35] : memref<32x96x128xi32, #tpu.memory_space<hbm>> -> memref<1x48x128xi32, #tpu.memory_space<hbm>>
      %dma_start3A_37 = tpu.memref_squeeze %dma_start3A_36 : memref<1x48x128xi32, #tpu.memory_space<hbm>> -> memref<48x128xi32, #tpu.memory_space<hbm>>
      tpu.enqueue_dma source(%dma_start3A_37 : memref<48x128xi32, #tpu.memory_space<hbm>>) target(%arg8 : memref<48x128xi32, #tpu.memory_space<vmem>>) target_semaphore(%run_scoped3A : memref<!tpu.dma_semaphore, #tpu.memory_space<semaphore_mem>>)
      %dma_wait3A_38 = arith.constant 0 : i32
      %dma_wait3A_39 = arith.constant 0 : i32
      %dma_wait3A_40 = tpu.memref_slice %arg4[%add3A, %dma_wait3A_38, %dma_wait3A_39] : memref<32x96x128xi32, #tpu.memory_space<hbm>> -> memref<1x48x128xi32, #tpu.memory_space<hbm>>
      %dma_wait3A_41 = tpu.memref_squeeze %dma_wait3A_40 : memref<1x48x128xi32, #tpu.memory_space<hbm>> -> memref<48x128xi32, #tpu.memory_space<hbm>>
      %dma_wait3A_42 = arith.constant 0 : i32
      %dma_wait3A_43 = arith.constant 0 : i32
      %dma_wait3A_44 = tpu.memref_slice %arg4[%add3A, %dma_wait3A_42, %dma_wait3A_43] : memref<32x96x128xi32, #tpu.memory_space<hbm>> -> memref<1x48x128xi32, #tpu.memory_space<hbm>>
      %dma_wait3A_45 = tpu.memref_squeeze %dma_wait3A_44 : memref<1x48x128xi32, #tpu.memory_space<hbm>> -> memref<48x128xi32, #tpu.memory_space<hbm>>
      tpu.wait_dma2 semaphore(%run_scoped3A : memref<!tpu.dma_semaphore, #tpu.memory_space<semaphore_mem>>) src(%dma_wait3A_45 : memref<48x128xi32, #tpu.memory_space<hbm>>) dst(%arg8 : memref<48x128xi32, #tpu.memory_space<vmem>>)
      tpu.yield
    }) : () -> ()
    %dma_start3A_4 = arith.constant 0 : i32
    %dma_start3A_5 = arith.constant 0 : i32
    %dma_start3A_6 = tpu.memref_slice %arg7[%dma_start3A_4, %dma_start3A_5] : memref<48x128xi32, #tpu.memory_space<vmem>> -> memref<1x128xi32, #tpu.memory_space<vmem>>
    %dma_start3A_7 = tpu.memref_squeeze %dma_start3A_6 : memref<1x128xi32, #tpu.memory_space<vmem>> -> memref<128xi32, #tpu.memory_space<vmem>>
    %dma_start3A_8 = arith.constant 0 : i32
    %dma_start3A_9 = arith.constant 0 : i32
    %dma_start3A_10 = tpu.memref_slice %arg2[%dma_start3A_8, %dma_start3A_9] : memref<10000x128xf32, #tpu.memory_space<hbm>> -> memref<10000x128xf32, #tpu.memory_space<hbm>>
    tpu.enqueue_indirect_dma source(%dma_start3A_10 : memref<10000x128xf32, #tpu.memory_space<hbm>>) target(%arg9 : memref<128x128xf32, #tpu.memory_space<vmem>>) offsets(%dma_start3A_7 : memref<128xi32, #tpu.memory_space<vmem>>) semaphore(%arg12 : memref<!tpu.dma_semaphore, #tpu.memory_space<semaphore_mem>>)
    %mul3A_11 = arith.constant 640 : i32
    %mul3A_12 = arith.muli %arg1, %mul3A_11 : i32
    %dma_wait3A = arith.constant 0 : i32
    %dma_wait3A_13 = tpu.memref_slice %arg11[%mul3A_12, %dma_wait3A] : memref<10240x128xf32, #tpu.memory_space<vmem_shared>> -> memref<640x128xf32, #tpu.memory_space<vmem_shared>>
    tpu.wait_dma2 semaphore(%arg16 : memref<!tpu.dma_semaphore, #tpu.memory_space<semaphore_mem>>) src(%arg5 : memref<640x128xf32, #tpu.memory_space<hbm>>) dst(%dma_wait3A_13 : memref<640x128xf32, #tpu.memory_space<vmem_shared>>)
    %barrier3A = arith.constant 0 : index
    tpu.barrier barrier_id(%barrier3A)
    %scan3A = arith.constant 0 : i32
    %scan3A_14 = arith.constant 0 : i32
    %scan3A_15 = arith.constant 40 : i32
    %scan3A_16 = arith.addi %scan3A_14, %scan3A_15 : i32
    %scan3A_17 = arith.constant 1 : i32
    scf.for %scan3A_30 = %scan3A_14 to %scan3A_16 step %scan3A_17  : i32 {
      %mul3A_31 = arith.constant 2 : i32
      %mul3A_32 = arith.muli %mul3A_31, %scan3A_30 : i32
      %add3A_33 = arith.constant 0 : i32
      %add3A_34 = arith.addi %mul3A_32, %add3A_33 : i32
      %jit3A = arith.constant 48 : i32
      %eq3A = arith.constant 0 : i32
      %eq3A_35 = arith.cmpi eq, %jit3A, %eq3A : i32
      %jit3A_36 = arith.constant 1 : i32
      %select_n3A = arith.select %eq3A_35, %jit3A_36, %jit3A : i32
      %rem3A = arith.remsi %add3A_34, %select_n3A : i32
      %ne3A = arith.constant 0 : i32
      %ne3A_37 = arith.cmpi ne, %rem3A, %ne3A : i32
      %lt3A = arith.constant 0 : i32
      %lt3A_38 = arith.cmpi slt, %rem3A, %lt3A : i32
      %lt3A_39 = arith.constant 0 : i32
      %lt3A_40 = arith.cmpi slt, %select_n3A, %lt3A_39 : i32
      %ne3A_41 = arith.xori %lt3A_38, %lt3A_40 : i1
      %and3A = arith.andi %ne3A_41, %ne3A_37 : i1
      %add3A_42 = arith.addi %rem3A, %select_n3A : i32
      %select_n3A_43 = arith.select %and3A, %add3A_42, %rem3A : i32
      %gt3A = arith.constant 0 : i32
      %gt3A_44 = arith.cmpi sgt, %add3A_34, %gt3A : i32
      %convert_element_type3A = arith.extui %gt3A_44 : i1 to i32
      %cond3A = arith.constant 0 : i32
      %cond3A_45 = arith.cmpi ne, %convert_element_type3A, %cond3A : i32
      scf.if %cond3A_45 {
        %sub3A = arith.constant 1 : i32
        %sub3A_135 = arith.subi %add3A_34, %sub3A : i32
        %jit3A_136 = arith.constant 48 : i32
        %eq3A_137 = arith.constant 0 : i32
        %eq3A_138 = arith.cmpi eq, %jit3A_136, %eq3A_137 : i32
        %jit3A_139 = arith.constant 1 : i32
        %select_n3A_140 = arith.select %eq3A_138, %jit3A_139, %jit3A_136 : i32
        %rem3A_141 = arith.remsi %sub3A_135, %select_n3A_140 : i32
        %ne3A_142 = arith.constant 0 : i32
        %ne3A_143 = arith.cmpi ne, %rem3A_141, %ne3A_142 : i32
        %lt3A_144 = arith.constant 0 : i32
        %lt3A_145 = arith.cmpi slt, %rem3A_141, %lt3A_144 : i32
        %lt3A_146 = arith.constant 0 : i32
        %lt3A_147 = arith.cmpi slt, %select_n3A_140, %lt3A_146 : i32
        %ne3A_148 = arith.xori %lt3A_145, %lt3A_147 : i1
        %and3A_149 = arith.andi %ne3A_148, %ne3A_143 : i1
        %add3A_150 = arith.addi %rem3A_141, %select_n3A_140 : i32
        %select_n3A_151 = arith.select %and3A_149, %add3A_150, %rem3A_141 : i32
        %dma_wait3A_152 = arith.constant 0 : i32
        %dma_wait3A_153 = tpu.memref_slice %arg8[%select_n3A_151, %dma_wait3A_152] : memref<48x128xi32, #tpu.memory_space<vmem>> -> memref<1x128xi32, #tpu.memory_space<vmem>>
        %dma_wait3A_154 = tpu.memref_squeeze %dma_wait3A_153 : memref<1x128xi32, #tpu.memory_space<vmem>> -> memref<128xi32, #tpu.memory_space<vmem>>
        %dma_wait3A_155 = arith.constant 0 : i32
        %dma_wait3A_156 = arith.constant 0 : i32
        %dma_wait3A_157 = tpu.memref_slice %arg11[%dma_wait3A_155, %dma_wait3A_156] : memref<10240x128xf32, #tpu.memory_space<vmem_shared>> -> memref<10240x128xf32, #tpu.memory_space<vmem_shared>>
        tpu.wait_indirect_dma semaphore(%arg15 : memref<!tpu.dma_semaphore, #tpu.memory_space<semaphore_mem>>) src(%arg10 : memref<128x128xf32, #tpu.memory_space<vmem>>) dst(%dma_wait3A_157 : memref<10240x128xf32, #tpu.memory_space<vmem_shared>>)
      } else {
      }
      %eq3A_46 = arith.constant 0 : i32
      %eq3A_47 = arith.cmpi eq, %select_n3A_43, %eq3A_46 : i32
      %gt3A_48 = arith.constant 0 : i32
      %gt3A_49 = arith.cmpi sgt, %add3A_34, %gt3A_48 : i32
      %and3A_50 = arith.andi %eq3A_47, %gt3A_49 : i1
      %convert_element_type3A_51 = arith.extui %and3A_50 : i1 to i32
      %cond3A_52 = arith.constant 0 : i32
      %cond3A_53 = arith.cmpi ne, %convert_element_type3A_51, %cond3A_52 : i32
      scf.if %cond3A_53 {
        %jit3A_135 = arith.constant 48 : i32
        %div3A = arith.divsi %add3A_34, %jit3A_135 : i32
        %sign3A = arith.constant 0 : i32
        %sign3A_136 = arith.cmpi sgt, %add3A_34, %sign3A : i32
        %sign3A_137 = arith.extui %sign3A_136 : i1 to i32
        %sign3A_138 = arith.constant 0 : i32
        %sign3A_139 = arith.cmpi slt, %add3A_34, %sign3A_138 : i32
        %sign3A_140 = arith.extui %sign3A_139 : i1 to i32
        %sign3A_141 = arith.subi %sign3A_137, %sign3A_140 : i32
        %sign3A_142 = arith.constant 0 : i32
        %sign3A_143 = arith.cmpi sgt, %jit3A_135, %sign3A_142 : i32
        %sign3A_144 = arith.extui %sign3A_143 : i1 to i32
        %sign3A_145 = arith.constant 0 : i32
        %sign3A_146 = arith.cmpi slt, %jit3A_135, %sign3A_145 : i32
        %sign3A_147 = arith.extui %sign3A_146 : i1 to i32
        %sign3A_148 = arith.subi %sign3A_144, %sign3A_147 : i32
        %ne3A_149 = arith.cmpi ne, %sign3A_141, %sign3A_148 : i32
        %rem3A_150 = arith.remsi %add3A_34, %jit3A_135 : i32
        %ne3A_151 = arith.constant 0 : i32
        %ne3A_152 = arith.cmpi ne, %rem3A_150, %ne3A_151 : i32
        %and3A_153 = arith.andi %ne3A_149, %ne3A_152 : i1
        %sub3A = arith.constant 1 : i32
        %sub3A_154 = arith.subi %div3A, %sub3A : i32
        %select_n3A_155 = arith.select %and3A_153, %sub3A_154, %div3A : i32
        %mul3A_156 = arith.constant 48 : i32
        %mul3A_157 = arith.muli %select_n3A_155, %mul3A_156 : i32
        "tpu.region"() ({
          %run_scoped3A = tpu.sem_alloc : memref<!tpu.dma_semaphore, #tpu.memory_space<semaphore_mem>>
          %dma_start3A_165 = arith.constant 0 : i32
          %dma_start3A_166 = tpu.memref_slice %arg3[%add3A, %mul3A_157, %dma_start3A_165] : memref<32x96x128xi32, #tpu.memory_space<hbm>> -> memref<1x48x128xi32, #tpu.memory_space<hbm>>
          %dma_start3A_167 = tpu.memref_squeeze %dma_start3A_166 : memref<1x48x128xi32, #tpu.memory_space<hbm>> -> memref<48x128xi32, #tpu.memory_space<hbm>>
          %dma_start3A_168 = arith.constant 0 : i32
          %dma_start3A_169 = tpu.memref_slice %arg3[%add3A, %mul3A_157, %dma_start3A_168] : memref<32x96x128xi32, #tpu.memory_space<hbm>> -> memref<1x48x128xi32, #tpu.memory_space<hbm>>
          %dma_start3A_170 = tpu.memref_squeeze %dma_start3A_169 : memref<1x48x128xi32, #tpu.memory_space<hbm>> -> memref<48x128xi32, #tpu.memory_space<hbm>>
          tpu.enqueue_dma source(%dma_start3A_170 : memref<48x128xi32, #tpu.memory_space<hbm>>) target(%arg7 : memref<48x128xi32, #tpu.memory_space<vmem>>) target_semaphore(%run_scoped3A : memref<!tpu.dma_semaphore, #tpu.memory_space<semaphore_mem>>)
          %dma_wait3A_171 = arith.constant 0 : i32
          %dma_wait3A_172 = tpu.memref_slice %arg3[%add3A, %mul3A_157, %dma_wait3A_171] : memref<32x96x128xi32, #tpu.memory_space<hbm>> -> memref<1x48x128xi32, #tpu.memory_space<hbm>>
          %dma_wait3A_173 = tpu.memref_squeeze %dma_wait3A_172 : memref<1x48x128xi32, #tpu.memory_space<hbm>> -> memref<48x128xi32, #tpu.memory_space<hbm>>
          %dma_wait3A_174 = arith.constant 0 : i32
          %dma_wait3A_175 = tpu.memref_slice %arg3[%add3A, %mul3A_157, %dma_wait3A_174] : memref<32x96x128xi32, #tpu.memory_space<hbm>> -> memref<1x48x128xi32, #tpu.memory_space<hbm>>
          %dma_wait3A_176 = tpu.memref_squeeze %dma_wait3A_175 : memref<1x48x128xi32, #tpu.memory_space<hbm>> -> memref<48x128xi32, #tpu.memory_space<hbm>>
          tpu.wait_dma2 semaphore(%run_scoped3A : memref<!tpu.dma_semaphore, #tpu.memory_space<semaphore_mem>>) src(%dma_wait3A_176 : memref<48x128xi32, #tpu.memory_space<hbm>>) dst(%arg7 : memref<48x128xi32, #tpu.memory_space<vmem>>)
          tpu.yield
        }) : () -> ()
        "tpu.region"() ({
          %run_scoped3A = tpu.sem_alloc : memref<!tpu.dma_semaphore, #tpu.memory_space<semaphore_mem>>
          %dma_start3A_165 = arith.constant 0 : i32
          %dma_start3A_166 = tpu.memref_slice %arg4[%add3A, %mul3A_157, %dma_start3A_165] : memref<32x96x128xi32, #tpu.memory_space<hbm>> -> memref<1x48x128xi32, #tpu.memory_space<hbm>>
          %dma_start3A_167 = tpu.memref_squeeze %dma_start3A_166 : memref<1x48x128xi32, #tpu.memory_space<hbm>> -> memref<48x128xi32, #tpu.memory_space<hbm>>
          %dma_start3A_168 = arith.constant 0 : i32
          %dma_start3A_169 = tpu.memref_slice %arg4[%add3A, %mul3A_157, %dma_start3A_168] : memref<32x96x128xi32, #tpu.memory_space<hbm>> -> memref<1x48x128xi32, #tpu.memory_space<hbm>>
          %dma_start3A_170 = tpu.memref_squeeze %dma_start3A_169 : memref<1x48x128xi32, #tpu.memory_space<hbm>> -> memref<48x128xi32, #tpu.memory_space<hbm>>
          tpu.enqueue_dma source(%dma_start3A_170 : memref<48x128xi32, #tpu.memory_space<hbm>>) target(%arg8 : memref<48x128xi32, #tpu.memory_space<vmem>>) target_semaphore(%run_scoped3A : memref<!tpu.dma_semaphore, #tpu.memory_space<semaphore_mem>>)
          %dma_wait3A_171 = arith.constant 0 : i32
          %dma_wait3A_172 = tpu.memref_slice %arg4[%add3A, %mul3A_157, %dma_wait3A_171] : memref<32x96x128xi32, #tpu.memory_space<hbm>> -> memref<1x48x128xi32, #tpu.memory_space<hbm>>
          %dma_wait3A_173 = tpu.memref_squeeze %dma_wait3A_172 : memref<1x48x128xi32, #tpu.memory_space<hbm>> -> memref<48x128xi32, #tpu.memory_space<hbm>>
          %dma_wait3A_174 = arith.constant 0 : i32
          %dma_wait3A_175 = tpu.memref_slice %arg4[%add3A, %mul3A_157, %dma_wait3A_174] : memref<32x96x128xi32, #tpu.memory_space<hbm>> -> memref<1x48x128xi32, #tpu.memory_space<hbm>>
          %dma_wait3A_176 = tpu.memref_squeeze %dma_wait3A_175 : memref<1x48x128xi32, #tpu.memory_space<hbm>> -> memref<48x128xi32, #tpu.memory_space<hbm>>
          tpu.wait_dma2 semaphore(%run_scoped3A : memref<!tpu.dma_semaphore, #tpu.memory_space<semaphore_mem>>) src(%dma_wait3A_176 : memref<48x128xi32, #tpu.memory_space<hbm>>) dst(%arg8 : memref<48x128xi32, #tpu.memory_space<vmem>>)
          tpu.yield
        }) : () -> ()
        %dma_start3A_158 = arith.constant 0 : i32
        %dma_start3A_159 = arith.constant 0 : i32
        %dma_start3A_160 = tpu.memref_slice %arg7[%dma_start3A_158, %dma_start3A_159] : memref<48x128xi32, #tpu.memory_space<vmem>> -> memref<1x128xi32, #tpu.memory_space<vmem>>
        %dma_start3A_161 = tpu.memref_squeeze %dma_start3A_160 : memref<1x128xi32, #tpu.memory_space<vmem>> -> memref<128xi32, #tpu.memory_space<vmem>>
        %dma_start3A_162 = arith.constant 0 : i32
        %dma_start3A_163 = arith.constant 0 : i32
        %dma_start3A_164 = tpu.memref_slice %arg2[%dma_start3A_162, %dma_start3A_163] : memref<10000x128xf32, #tpu.memory_space<hbm>> -> memref<10000x128xf32, #tpu.memory_space<hbm>>
        tpu.enqueue_indirect_dma source(%dma_start3A_164 : memref<10000x128xf32, #tpu.memory_space<hbm>>) target(%arg9 : memref<128x128xf32, #tpu.memory_space<vmem>>) offsets(%dma_start3A_161 : memref<128xi32, #tpu.memory_space<vmem>>) semaphore(%arg12 : memref<!tpu.dma_semaphore, #tpu.memory_space<semaphore_mem>>)
      } else {
      }
      %add3A_54 = arith.constant 1 : i32
      %add3A_55 = arith.addi %add3A_34, %add3A_54 : i32
      %lt3A_56 = arith.constant 80 : i32
      %lt3A_57 = arith.cmpi slt, %add3A_55, %lt3A_56 : i32
      %add3A_58 = arith.constant 1 : i32
      %add3A_59 = arith.addi %select_n3A_43, %add3A_58 : i32
      %lt3A_60 = arith.constant 48 : i32
      %lt3A_61 = arith.cmpi slt, %add3A_59, %lt3A_60 : i32
      %and3A_62 = arith.andi %lt3A_57, %lt3A_61 : i1
      %convert_element_type3A_63 = arith.extui %and3A_62 : i1 to i32
      %cond3A_64 = arith.constant 0 : i32
      %cond3A_65 = arith.cmpi ne, %convert_element_type3A_63, %cond3A_64 : i32
      scf.if %cond3A_65 {
        %add3A_135 = arith.constant 1 : i32
        %add3A_136 = arith.addi %select_n3A_43, %add3A_135 : i32
        %dma_start3A_137 = arith.constant 0 : i32
        %dma_start3A_138 = tpu.memref_slice %arg7[%add3A_136, %dma_start3A_137] : memref<48x128xi32, #tpu.memory_space<vmem>> -> memref<1x128xi32, #tpu.memory_space<vmem>>
        %dma_start3A_139 = tpu.memref_squeeze %dma_start3A_138 : memref<1x128xi32, #tpu.memory_space<vmem>> -> memref<128xi32, #tpu.memory_space<vmem>>
        %dma_start3A_140 = arith.constant 0 : i32
        %dma_start3A_141 = arith.constant 0 : i32
        %dma_start3A_142 = tpu.memref_slice %arg2[%dma_start3A_140, %dma_start3A_141] : memref<10000x128xf32, #tpu.memory_space<hbm>> -> memref<10000x128xf32, #tpu.memory_space<hbm>>
        tpu.enqueue_indirect_dma source(%dma_start3A_142 : memref<10000x128xf32, #tpu.memory_space<hbm>>) target(%arg10 : memref<128x128xf32, #tpu.memory_space<vmem>>) offsets(%dma_start3A_139 : memref<128xi32, #tpu.memory_space<vmem>>) semaphore(%arg13 : memref<!tpu.dma_semaphore, #tpu.memory_space<semaphore_mem>>)
      } else {
      }
      %dma_wait3A_66 = arith.constant 0 : i32
      %dma_wait3A_67 = tpu.memref_slice %arg7[%select_n3A_43, %dma_wait3A_66] : memref<48x128xi32, #tpu.memory_space<vmem>> -> memref<1x128xi32, #tpu.memory_space<vmem>>
      %dma_wait3A_68 = tpu.memref_squeeze %dma_wait3A_67 : memref<1x128xi32, #tpu.memory_space<vmem>> -> memref<128xi32, #tpu.memory_space<vmem>>
      %dma_wait3A_69 = arith.constant 0 : i32
      %dma_wait3A_70 = arith.constant 0 : i32
      %dma_wait3A_71 = tpu.memref_slice %arg2[%dma_wait3A_69, %dma_wait3A_70] : memref<10000x128xf32, #tpu.memory_space<hbm>> -> memref<10000x128xf32, #tpu.memory_space<hbm>>
      tpu.wait_indirect_dma semaphore(%arg12 : memref<!tpu.dma_semaphore, #tpu.memory_space<semaphore_mem>>) src(%dma_wait3A_71 : memref<10000x128xf32, #tpu.memory_space<hbm>>) dst(%arg9 : memref<128x128xf32, #tpu.memory_space<vmem>>)
      %dma_start3A_72 = arith.constant 0 : i32
      %dma_start3A_73 = tpu.memref_slice %arg8[%select_n3A_43, %dma_start3A_72] : memref<48x128xi32, #tpu.memory_space<vmem>> -> memref<1x128xi32, #tpu.memory_space<vmem>>
      %dma_start3A_74 = tpu.memref_squeeze %dma_start3A_73 : memref<1x128xi32, #tpu.memory_space<vmem>> -> memref<128xi32, #tpu.memory_space<vmem>>
      %dma_start3A_75 = arith.constant 0 : i32
      %dma_start3A_76 = arith.constant 0 : i32
      %dma_start3A_77 = tpu.memref_slice %arg11[%dma_start3A_75, %dma_start3A_76] : memref<10240x128xf32, #tpu.memory_space<vmem_shared>> -> memref<10240x128xf32, #tpu.memory_space<vmem_shared>>
      tpu.enqueue_indirect_dma source(%arg9 : memref<128x128xf32, #tpu.memory_space<vmem>>) target(%dma_start3A_77 : memref<10240x128xf32, #tpu.memory_space<vmem_shared>>) offsets(%dma_start3A_74 : memref<128xi32, #tpu.memory_space<vmem>>) semaphore(%arg14 : memref<!tpu.dma_semaphore, #tpu.memory_space<semaphore_mem>>) {add = true}
      %mul3A_78 = arith.constant 2 : i32
      %mul3A_79 = arith.muli %mul3A_78, %scan3A_30 : i32
      %add3A_80 = arith.constant 1 : i32
      %add3A_81 = arith.addi %mul3A_79, %add3A_80 : i32
      %jit3A_82 = arith.constant 48 : i32
      %eq3A_83 = arith.constant 0 : i32
      %eq3A_84 = arith.cmpi eq, %jit3A_82, %eq3A_83 : i32
      %jit3A_85 = arith.constant 1 : i32
      %select_n3A_86 = arith.select %eq3A_84, %jit3A_85, %jit3A_82 : i32
      %rem3A_87 = arith.remsi %add3A_81, %select_n3A_86 : i32
      %ne3A_88 = arith.constant 0 : i32
      %ne3A_89 = arith.cmpi ne, %rem3A_87, %ne3A_88 : i32
      %lt3A_90 = arith.constant 0 : i32
      %lt3A_91 = arith.cmpi slt, %rem3A_87, %lt3A_90 : i32
      %lt3A_92 = arith.constant 0 : i32
      %lt3A_93 = arith.cmpi slt, %select_n3A_86, %lt3A_92 : i32
      %ne3A_94 = arith.xori %lt3A_91, %lt3A_93 : i1
      %and3A_95 = arith.andi %ne3A_94, %ne3A_89 : i1
      %add3A_96 = arith.addi %rem3A_87, %select_n3A_86 : i32
      %select_n3A_97 = arith.select %and3A_95, %add3A_96, %rem3A_87 : i32
      %gt3A_98 = arith.constant 0 : i32
      %gt3A_99 = arith.cmpi sgt, %add3A_81, %gt3A_98 : i32
      %convert_element_type3A_100 = arith.extui %gt3A_99 : i1 to i32
      %cond3A_101 = arith.constant 0 : i32
      %cond3A_102 = arith.cmpi ne, %convert_element_type3A_100, %cond3A_101 : i32
      scf.if %cond3A_102 {
        %sub3A = arith.constant 1 : i32
        %sub3A_135 = arith.subi %add3A_81, %sub3A : i32
        %jit3A_136 = arith.constant 48 : i32
        %eq3A_137 = arith.constant 0 : i32
        %eq3A_138 = arith.cmpi eq, %jit3A_136, %eq3A_137 : i32
        %jit3A_139 = arith.constant 1 : i32
        %select_n3A_140 = arith.select %eq3A_138, %jit3A_139, %jit3A_136 : i32
        %rem3A_141 = arith.remsi %sub3A_135, %select_n3A_140 : i32
        %ne3A_142 = arith.constant 0 : i32
        %ne3A_143 = arith.cmpi ne, %rem3A_141, %ne3A_142 : i32
        %lt3A_144 = arith.constant 0 : i32
        %lt3A_145 = arith.cmpi slt, %rem3A_141, %lt3A_144 : i32
        %lt3A_146 = arith.constant 0 : i32
        %lt3A_147 = arith.cmpi slt, %select_n3A_140, %lt3A_146 : i32
        %ne3A_148 = arith.xori %lt3A_145, %lt3A_147 : i1
        %and3A_149 = arith.andi %ne3A_148, %ne3A_143 : i1
        %add3A_150 = arith.addi %rem3A_141, %select_n3A_140 : i32
        %select_n3A_151 = arith.select %and3A_149, %add3A_150, %rem3A_141 : i32
        %dma_wait3A_152 = arith.constant 0 : i32
        %dma_wait3A_153 = tpu.memref_slice %arg8[%select_n3A_151, %dma_wait3A_152] : memref<48x128xi32, #tpu.memory_space<vmem>> -> memref<1x128xi32, #tpu.memory_space<vmem>>
        %dma_wait3A_154 = tpu.memref_squeeze %dma_wait3A_153 : memref<1x128xi32, #tpu.memory_space<vmem>> -> memref<128xi32, #tpu.memory_space<vmem>>
        %dma_wait3A_155 = arith.constant 0 : i32
        %dma_wait3A_156 = arith.constant 0 : i32
        %dma_wait3A_157 = tpu.memref_slice %arg11[%dma_wait3A_155, %dma_wait3A_156] : memref<10240x128xf32, #tpu.memory_space<vmem_shared>> -> memref<10240x128xf32, #tpu.memory_space<vmem_shared>>
        tpu.wait_indirect_dma semaphore(%arg14 : memref<!tpu.dma_semaphore, #tpu.memory_space<semaphore_mem>>) src(%arg9 : memref<128x128xf32, #tpu.memory_space<vmem>>) dst(%dma_wait3A_157 : memref<10240x128xf32, #tpu.memory_space<vmem_shared>>)
      } else {
      }
      %eq3A_103 = arith.constant 0 : i32
      %eq3A_104 = arith.cmpi eq, %select_n3A_97, %eq3A_103 : i32
      %gt3A_105 = arith.constant 0 : i32
      %gt3A_106 = arith.cmpi sgt, %add3A_81, %gt3A_105 : i32
      %and3A_107 = arith.andi %eq3A_104, %gt3A_106 : i1
      %convert_element_type3A_108 = arith.extui %and3A_107 : i1 to i32
      %cond3A_109 = arith.constant 0 : i32
      %cond3A_110 = arith.cmpi ne, %convert_element_type3A_108, %cond3A_109 : i32
      scf.if %cond3A_110 {
        %jit3A_135 = arith.constant 48 : i32
        %div3A = arith.divsi %add3A_81, %jit3A_135 : i32
        %sign3A = arith.constant 0 : i32
        %sign3A_136 = arith.cmpi sgt, %add3A_81, %sign3A : i32
        %sign3A_137 = arith.extui %sign3A_136 : i1 to i32
        %sign3A_138 = arith.constant 0 : i32
        %sign3A_139 = arith.cmpi slt, %add3A_81, %sign3A_138 : i32
        %sign3A_140 = arith.extui %sign3A_139 : i1 to i32
        %sign3A_141 = arith.subi %sign3A_137, %sign3A_140 : i32
        %sign3A_142 = arith.constant 0 : i32
        %sign3A_143 = arith.cmpi sgt, %jit3A_135, %sign3A_142 : i32
        %sign3A_144 = arith.extui %sign3A_143 : i1 to i32
        %sign3A_145 = arith.constant 0 : i32
        %sign3A_146 = arith.cmpi slt, %jit3A_135, %sign3A_145 : i32
        %sign3A_147 = arith.extui %sign3A_146 : i1 to i32
        %sign3A_148 = arith.subi %sign3A_144, %sign3A_147 : i32
        %ne3A_149 = arith.cmpi ne, %sign3A_141, %sign3A_148 : i32
        %rem3A_150 = arith.remsi %add3A_81, %jit3A_135 : i32
        %ne3A_151 = arith.constant 0 : i32
        %ne3A_152 = arith.cmpi ne, %rem3A_150, %ne3A_151 : i32
        %and3A_153 = arith.andi %ne3A_149, %ne3A_152 : i1
        %sub3A = arith.constant 1 : i32
        %sub3A_154 = arith.subi %div3A, %sub3A : i32
        %select_n3A_155 = arith.select %and3A_153, %sub3A_154, %div3A : i32
        %mul3A_156 = arith.constant 48 : i32
        %mul3A_157 = arith.muli %select_n3A_155, %mul3A_156 : i32
        "tpu.region"() ({
          %run_scoped3A = tpu.sem_alloc : memref<!tpu.dma_semaphore, #tpu.memory_space<semaphore_mem>>
          %dma_start3A_165 = arith.constant 0 : i32
          %dma_start3A_166 = tpu.memref_slice %arg3[%add3A, %mul3A_157, %dma_start3A_165] : memref<32x96x128xi32, #tpu.memory_space<hbm>> -> memref<1x48x128xi32, #tpu.memory_space<hbm>>
          %dma_start3A_167 = tpu.memref_squeeze %dma_start3A_166 : memref<1x48x128xi32, #tpu.memory_space<hbm>> -> memref<48x128xi32, #tpu.memory_space<hbm>>
          %dma_start3A_168 = arith.constant 0 : i32
          %dma_start3A_169 = tpu.memref_slice %arg3[%add3A, %mul3A_157, %dma_start3A_168] : memref<32x96x128xi32, #tpu.memory_space<hbm>> -> memref<1x48x128xi32, #tpu.memory_space<hbm>>
          %dma_start3A_170 = tpu.memref_squeeze %dma_start3A_169 : memref<1x48x128xi32, #tpu.memory_space<hbm>> -> memref<48x128xi32, #tpu.memory_space<hbm>>
          tpu.enqueue_dma source(%dma_start3A_170 : memref<48x128xi32, #tpu.memory_space<hbm>>) target(%arg7 : memref<48x128xi32, #tpu.memory_space<vmem>>) target_semaphore(%run_scoped3A : memref<!tpu.dma_semaphore, #tpu.memory_space<semaphore_mem>>)
          %dma_wait3A_171 = arith.constant 0 : i32
          %dma_wait3A_172 = tpu.memref_slice %arg3[%add3A, %mul3A_157, %dma_wait3A_171] : memref<32x96x128xi32, #tpu.memory_space<hbm>> -> memref<1x48x128xi32, #tpu.memory_space<hbm>>
          %dma_wait3A_173 = tpu.memref_squeeze %dma_wait3A_172 : memref<1x48x128xi32, #tpu.memory_space<hbm>> -> memref<48x128xi32, #tpu.memory_space<hbm>>
          %dma_wait3A_174 = arith.constant 0 : i32
          %dma_wait3A_175 = tpu.memref_slice %arg3[%add3A, %mul3A_157, %dma_wait3A_174] : memref<32x96x128xi32, #tpu.memory_space<hbm>> -> memref<1x48x128xi32, #tpu.memory_space<hbm>>
          %dma_wait3A_176 = tpu.memref_squeeze %dma_wait3A_175 : memref<1x48x128xi32, #tpu.memory_space<hbm>> -> memref<48x128xi32, #tpu.memory_space<hbm>>
          tpu.wait_dma2 semaphore(%run_scoped3A : memref<!tpu.dma_semaphore, #tpu.memory_space<semaphore_mem>>) src(%dma_wait3A_176 : memref<48x128xi32, #tpu.memory_space<hbm>>) dst(%arg7 : memref<48x128xi32, #tpu.memory_space<vmem>>)
          tpu.yield
        }) : () -> ()
        "tpu.region"() ({
          %run_scoped3A = tpu.sem_alloc : memref<!tpu.dma_semaphore, #tpu.memory_space<semaphore_mem>>
          %dma_start3A_165 = arith.constant 0 : i32
          %dma_start3A_166 = tpu.memref_slice %arg4[%add3A, %mul3A_157, %dma_start3A_165] : memref<32x96x128xi32, #tpu.memory_space<hbm>> -> memref<1x48x128xi32, #tpu.memory_space<hbm>>
          %dma_start3A_167 = tpu.memref_squeeze %dma_start3A_166 : memref<1x48x128xi32, #tpu.memory_space<hbm>> -> memref<48x128xi32, #tpu.memory_space<hbm>>
          %dma_start3A_168 = arith.constant 0 : i32
          %dma_start3A_169 = tpu.memref_slice %arg4[%add3A, %mul3A_157, %dma_start3A_168] : memref<32x96x128xi32, #tpu.memory_space<hbm>> -> memref<1x48x128xi32, #tpu.memory_space<hbm>>
          %dma_start3A_170 = tpu.memref_squeeze %dma_start3A_169 : memref<1x48x128xi32, #tpu.memory_space<hbm>> -> memref<48x128xi32, #tpu.memory_space<hbm>>
          tpu.enqueue_dma source(%dma_start3A_170 : memref<48x128xi32, #tpu.memory_space<hbm>>) target(%arg8 : memref<48x128xi32, #tpu.memory_space<vmem>>) target_semaphore(%run_scoped3A : memref<!tpu.dma_semaphore, #tpu.memory_space<semaphore_mem>>)
          %dma_wait3A_171 = arith.constant 0 : i32
          %dma_wait3A_172 = tpu.memref_slice %arg4[%add3A, %mul3A_157, %dma_wait3A_171] : memref<32x96x128xi32, #tpu.memory_space<hbm>> -> memref<1x48x128xi32, #tpu.memory_space<hbm>>
          %dma_wait3A_173 = tpu.memref_squeeze %dma_wait3A_172 : memref<1x48x128xi32, #tpu.memory_space<hbm>> -> memref<48x128xi32, #tpu.memory_space<hbm>>
          %dma_wait3A_174 = arith.constant 0 : i32
          %dma_wait3A_175 = tpu.memref_slice %arg4[%add3A, %mul3A_157, %dma_wait3A_174] : memref<32x96x128xi32, #tpu.memory_space<hbm>> -> memref<1x48x128xi32, #tpu.memory_space<hbm>>
          %dma_wait3A_176 = tpu.memref_squeeze %dma_wait3A_175 : memref<1x48x128xi32, #tpu.memory_space<hbm>> -> memref<48x128xi32, #tpu.memory_space<hbm>>
          tpu.wait_dma2 semaphore(%run_scoped3A : memref<!tpu.dma_semaphore, #tpu.memory_space<semaphore_mem>>) src(%dma_wait3A_176 : memref<48x128xi32, #tpu.memory_space<hbm>>) dst(%arg8 : memref<48x128xi32, #tpu.memory_space<vmem>>)
          tpu.yield
        }) : () -> ()
        %dma_start3A_158 = arith.constant 0 : i32
        %dma_start3A_159 = arith.constant 0 : i32
        %dma_start3A_160 = tpu.memref_slice %arg7[%dma_start3A_158, %dma_start3A_159] : memref<48x128xi32, #tpu.memory_space<vmem>> -> memref<1x128xi32, #tpu.memory_space<vmem>>
        %dma_start3A_161 = tpu.memref_squeeze %dma_start3A_160 : memref<1x128xi32, #tpu.memory_space<vmem>> -> memref<128xi32, #tpu.memory_space<vmem>>
        %dma_start3A_162 = arith.constant 0 : i32
        %dma_start3A_163 = arith.constant 0 : i32
        %dma_start3A_164 = tpu.memref_slice %arg2[%dma_start3A_162, %dma_start3A_163] : memref<10000x128xf32, #tpu.memory_space<hbm>> -> memref<10000x128xf32, #tpu.memory_space<hbm>>
        tpu.enqueue_indirect_dma source(%dma_start3A_164 : memref<10000x128xf32, #tpu.memory_space<hbm>>) target(%arg10 : memref<128x128xf32, #tpu.memory_space<vmem>>) offsets(%dma_start3A_161 : memref<128xi32, #tpu.memory_space<vmem>>) semaphore(%arg13 : memref<!tpu.dma_semaphore, #tpu.memory_space<semaphore_mem>>)
      } else {
      }
      %add3A_111 = arith.constant 1 : i32
      %add3A_112 = arith.addi %add3A_81, %add3A_111 : i32
      %lt3A_113 = arith.constant 80 : i32
      %lt3A_114 = arith.cmpi slt, %add3A_112, %lt3A_113 : i32
      %add3A_115 = arith.constant 1 : i32
      %add3A_116 = arith.addi %select_n3A_97, %add3A_115 : i32
      %lt3A_117 = arith.constant 48 : i32
      %lt3A_118 = arith.cmpi slt, %add3A_116, %lt3A_117 : i32
      %and3A_119 = arith.andi %lt3A_114, %lt3A_118 : i1
      %convert_element_type3A_120 = arith.extui %and3A_119 : i1 to i32
      %cond3A_121 = arith.constant 0 : i32
      %cond3A_122 = arith.cmpi ne, %convert_element_type3A_120, %cond3A_121 : i32
      scf.if %cond3A_122 {
        %add3A_135 = arith.constant 1 : i32
        %add3A_136 = arith.addi %select_n3A_97, %add3A_135 : i32
        %dma_start3A_137 = arith.constant 0 : i32
        %dma_start3A_138 = tpu.memref_slice %arg7[%add3A_136, %dma_start3A_137] : memref<48x128xi32, #tpu.memory_space<vmem>> -> memref<1x128xi32, #tpu.memory_space<vmem>>
        %dma_start3A_139 = tpu.memref_squeeze %dma_start3A_138 : memref<1x128xi32, #tpu.memory_space<vmem>> -> memref<128xi32, #tpu.memory_space<vmem>>
        %dma_start3A_140 = arith.constant 0 : i32
        %dma_start3A_141 = arith.constant 0 : i32
        %dma_start3A_142 = tpu.memref_slice %arg2[%dma_start3A_140, %dma_start3A_141] : memref<10000x128xf32, #tpu.memory_space<hbm>> -> memref<10000x128xf32, #tpu.memory_space<hbm>>
        tpu.enqueue_indirect_dma source(%dma_start3A_142 : memref<10000x128xf32, #tpu.memory_space<hbm>>) target(%arg9 : memref<128x128xf32, #tpu.memory_space<vmem>>) offsets(%dma_start3A_139 : memref<128xi32, #tpu.memory_space<vmem>>) semaphore(%arg12 : memref<!tpu.dma_semaphore, #tpu.memory_space<semaphore_mem>>)
      } else {
      }
      %dma_wait3A_123 = arith.constant 0 : i32
      %dma_wait3A_124 = tpu.memref_slice %arg7[%select_n3A_97, %dma_wait3A_123] : memref<48x128xi32, #tpu.memory_space<vmem>> -> memref<1x128xi32, #tpu.memory_space<vmem>>
      %dma_wait3A_125 = tpu.memref_squeeze %dma_wait3A_124 : memref<1x128xi32, #tpu.memory_space<vmem>> -> memref<128xi32, #tpu.memory_space<vmem>>
      %dma_wait3A_126 = arith.constant 0 : i32
      %dma_wait3A_127 = arith.constant 0 : i32
      %dma_wait3A_128 = tpu.memref_slice %arg2[%dma_wait3A_126, %dma_wait3A_127] : memref<10000x128xf32, #tpu.memory_space<hbm>> -> memref<10000x128xf32, #tpu.memory_space<hbm>>
      tpu.wait_indirect_dma semaphore(%arg13 : memref<!tpu.dma_semaphore, #tpu.memory_space<semaphore_mem>>) src(%dma_wait3A_128 : memref<10000x128xf32, #tpu.memory_space<hbm>>) dst(%arg10 : memref<128x128xf32, #tpu.memory_space<vmem>>)
      %dma_start3A_129 = arith.constant 0 : i32
      %dma_start3A_130 = tpu.memref_slice %arg8[%select_n3A_97, %dma_start3A_129] : memref<48x128xi32, #tpu.memory_space<vmem>> -> memref<1x128xi32, #tpu.memory_space<vmem>>
      %dma_start3A_131 = tpu.memref_squeeze %dma_start3A_130 : memref<1x128xi32, #tpu.memory_space<vmem>> -> memref<128xi32, #tpu.memory_space<vmem>>
      %dma_start3A_132 = arith.constant 0 : i32
      %dma_start3A_133 = arith.constant 0 : i32
      %dma_start3A_134 = tpu.memref_slice %arg11[%dma_start3A_132, %dma_start3A_133] : memref<10240x128xf32, #tpu.memory_space<vmem_shared>> -> memref<10240x128xf32, #tpu.memory_space<vmem_shared>>
      tpu.enqueue_indirect_dma source(%arg10 : memref<128x128xf32, #tpu.memory_space<vmem>>) target(%dma_start3A_134 : memref<10240x128xf32, #tpu.memory_space<vmem_shared>>) offsets(%dma_start3A_131 : memref<128xi32, #tpu.memory_space<vmem>>) semaphore(%arg15 : memref<!tpu.dma_semaphore, #tpu.memory_space<semaphore_mem>>) {add = true}
    }
    %scan3A_18 = arith.constant 40 : i32
    %dma_wait3A_19 = arith.constant 31 : i32
    %dma_wait3A_20 = arith.constant 0 : i32
    %dma_wait3A_21 = tpu.memref_slice %arg8[%dma_wait3A_19, %dma_wait3A_20] : memref<48x128xi32, #tpu.memory_space<vmem>> -> memref<1x128xi32, #tpu.memory_space<vmem>>
    %dma_wait3A_22 = tpu.memref_squeeze %dma_wait3A_21 : memref<1x128xi32, #tpu.memory_space<vmem>> -> memref<128xi32, #tpu.memory_space<vmem>>
    %dma_wait3A_23 = arith.constant 0 : i32
    %dma_wait3A_24 = arith.constant 0 : i32
    %dma_wait3A_25 = tpu.memref_slice %arg11[%dma_wait3A_23, %dma_wait3A_24] : memref<10240x128xf32, #tpu.memory_space<vmem_shared>> -> memref<10240x128xf32, #tpu.memory_space<vmem_shared>>
    tpu.wait_indirect_dma semaphore(%arg15 : memref<!tpu.dma_semaphore, #tpu.memory_space<semaphore_mem>>) src(%arg10 : memref<128x128xf32, #tpu.memory_space<vmem>>) dst(%dma_wait3A_25 : memref<10240x128xf32, #tpu.memory_space<vmem_shared>>)
    %barrier3A_26 = arith.constant 0 : index
    tpu.barrier barrier_id(%barrier3A_26)
    %mul3A_27 = arith.constant 632 : i32
    %mul3A_28 = arith.muli %arg1, %mul3A_27 : i32
    %min3A = arith.constant 9368 : i32
    %min3A_29 = arith.minsi %mul3A_28, %min3A : i32
    "tpu.region"() ({
      %run_scoped3A = tpu.sem_alloc : memref<!tpu.dma_semaphore, #tpu.memory_space<semaphore_mem>>
      %dma_start3A_30 = arith.constant 0 : i32
      %dma_start3A_31 = tpu.memref_slice %arg6[%arg0, %min3A_29, %dma_start3A_30] : memref<2x10000x128xf32, #tpu.memory_space<hbm>> -> memref<1x632x128xf32, #tpu.memory_space<hbm>>
      %dma_start3A_32 = tpu.memref_squeeze %dma_start3A_31 : memref<1x632x128xf32, #tpu.memory_space<hbm>> -> memref<632x128xf32, #tpu.memory_space<hbm>>
      %dma_start3A_33 = arith.constant 0 : i32
      %dma_start3A_34 = tpu.memref_slice %arg11[%min3A_29, %dma_start3A_33] : memref<10240x128xf32, #tpu.memory_space<vmem_shared>> -> memref<632x128xf32, #tpu.memory_space<vmem_shared>>
      tpu.enqueue_dma source(%dma_start3A_34 : memref<632x128xf32, #tpu.memory_space<vmem_shared>>) target(%dma_start3A_32 : memref<632x128xf32, #tpu.memory_space<hbm>>) target_semaphore(%run_scoped3A : memref<!tpu.dma_semaphore, #tpu.memory_space<semaphore_mem>>)
      %dma_wait3A_35 = arith.constant 0 : i32
      %dma_wait3A_36 = tpu.memref_slice %arg6[%arg0, %min3A_29, %dma_wait3A_35] : memref<2x10000x128xf32, #tpu.memory_space<hbm>> -> memref<1x632x128xf32, #tpu.memory_space<hbm>>
      %dma_wait3A_37 = tpu.memref_squeeze %dma_wait3A_36 : memref<1x632x128xf32, #tpu.memory_space<hbm>> -> memref<632x128xf32, #tpu.memory_space<hbm>>
      %dma_wait3A_38 = arith.constant 0 : i32
      %dma_wait3A_39 = tpu.memref_slice %arg11[%min3A_29, %dma_wait3A_38] : memref<10240x128xf32, #tpu.memory_space<vmem_shared>> -> memref<632x128xf32, #tpu.memory_space<vmem_shared>>
      tpu.wait_dma2 semaphore(%run_scoped3A : memref<!tpu.dma_semaphore, #tpu.memory_space<semaphore_mem>>) src(%dma_wait3A_39 : memref<632x128xf32, #tpu.memory_space<vmem_shared>>) dst(%dma_wait3A_37 : memref<632x128xf32, #tpu.memory_space<hbm>>)
      tpu.yield
    }) : () -> ()
    return
  }
}

#map = affine_map<(d0, d1) -> (0, 0)>
#map1 = affine_map<(d0, d1) -> (0, 0, 0)>
module attributes {stable_mosaic.version = 14 : i64} {
  func.func @agg_kernel(%arg0: i32, %arg1: i32, %arg2: memref<10000x128xf32, #tpu.memory_space<hbm>>, %arg3: memref<32x96x128xi32, #tpu.memory_space<hbm>>, %arg4: memref<32x96x128xi32, #tpu.memory_space<hbm>>, %arg5: memref<640x128xf32, #tpu.memory_space<hbm>>, %arg6: memref<2x10000x128xf32, #tpu.memory_space<hbm>>, %arg7: memref<48x128xi32, #tpu.memory_space<vmem>>, %arg8: memref<48x128xi32, #tpu.memory_space<vmem>>, %arg9: memref<128x128xf32, #tpu.memory_space<vmem>>, %arg10: memref<128x128xf32, #tpu.memory_space<vmem>>, %arg11: memref<10240x128xf32, #tpu.memory_space<vmem_shared>>, %arg12: memref<!tpu.dma_semaphore, #tpu.memory_space<semaphore_mem>>, %arg13: memref<!tpu.dma_semaphore, #tpu.memory_space<semaphore_mem>>, %arg14: memref<!tpu.dma_semaphore, #tpu.memory_space<semaphore_mem>>, %arg15: memref<!tpu.dma_semaphore, #tpu.memory_space<semaphore_mem>>, %arg16: memref<!tpu.dma_semaphore, #tpu.memory_space<semaphore_mem>>) attributes {dimension_semantics = [#tpu.dimension_semantics<core_parallel>, #tpu.dimension_semantics<subcore_parallel>], iteration_bounds = array<i64: 2, 16>, scalar_prefetch = 0 : i64, scratch_operands = 10 : i64, tpu.core_type = #tpu.core_type<sc_vector_subcore>, window_params = [{transform_indices = #map}, {transform_indices = #map1}, {transform_indices = #map1}, {transform_indices = #map}, {transform_indices = #map1}]} {
    %mul3A = arith.constant 16 : i32
    %mul3A_0 = arith.muli %arg0, %mul3A : i32
    %add3A = arith.addi %mul3A_0, %arg1 : i32
    %mul3A_1 = arith.constant 640 : i32
    %mul3A_2 = arith.muli %arg1, %mul3A_1 : i32
    %dma_start3A = arith.constant 0 : i32
    %dma_start3A_3 = tpu.memref_slice %arg11[%mul3A_2, %dma_start3A] : memref<10240x128xf32, #tpu.memory_space<vmem_shared>> -> memref<640x128xf32, #tpu.memory_space<vmem_shared>>
    tpu.enqueue_dma source(%arg5 : memref<640x128xf32, #tpu.memory_space<hbm>>) target(%dma_start3A_3 : memref<640x128xf32, #tpu.memory_space<vmem_shared>>) target_semaphore(%arg16 : memref<!tpu.dma_semaphore, #tpu.memory_space<semaphore_mem>>)
    "tpu.region"() ({
      %run_scoped3A = tpu.sem_alloc : memref<!tpu.dma_semaphore, #tpu.memory_space<semaphore_mem>>
      %dma_start3A_30 = arith.constant 0 : i32
      %dma_start3A_31 = arith.constant 0 : i32
      %dma_start3A_32 = tpu.memref_slice %arg3[%add3A, %dma_start3A_30, %dma_start3A_31] : memref<32x96x128xi32, #tpu.memory_space<hbm>> -> memref<1x48x128xi32, #tpu.memory_space<hbm>>
      %dma_start3A_33 = tpu.memref_squeeze %dma_start3A_32 : memref<1x48x128xi32, #tpu.memory_space<hbm>> -> memref<48x128xi32, #tpu.memory_space<hbm>>
      %dma_start3A_34 = arith.constant 0 : i32
      %dma_start3A_35 = arith.constant 0 : i32
      %dma_start3A_36 = tpu.memref_slice %arg3[%add3A, %dma_start3A_34, %dma_start3A_35] : memref<32x96x128xi32, #tpu.memory_space<hbm>> -> memref<1x48x128xi32, #tpu.memory_space<hbm>>
      %dma_start3A_37 = tpu.memref_squeeze %dma_start3A_36 : memref<1x48x128xi32, #tpu.memory_space<hbm>> -> memref<48x128xi32, #tpu.memory_space<hbm>>
      tpu.enqueue_dma source(%dma_start3A_37 : memref<48x128xi32, #tpu.memory_space<hbm>>) target(%arg7 : memref<48x128xi32, #tpu.memory_space<vmem>>) target_semaphore(%run_scoped3A : memref<!tpu.dma_semaphore, #tpu.memory_space<semaphore_mem>>)
      %dma_wait3A_38 = arith.constant 0 : i32
      %dma_wait3A_39 = arith.constant 0 : i32
      %dma_wait3A_40 = tpu.memref_slice %arg3[%add3A, %dma_wait3A_38, %dma_wait3A_39] : memref<32x96x128xi32, #tpu.memory_space<hbm>> -> memref<1x48x128xi32, #tpu.memory_space<hbm>>
      %dma_wait3A_41 = tpu.memref_squeeze %dma_wait3A_40 : memref<1x48x128xi32, #tpu.memory_space<hbm>> -> memref<48x128xi32, #tpu.memory_space<hbm>>
      %dma_wait3A_42 = arith.constant 0 : i32
      %dma_wait3A_43 = arith.constant 0 : i32
      %dma_wait3A_44 = tpu.memref_slice %arg3[%add3A, %dma_wait3A_42, %dma_wait3A_43] : memref<32x96x128xi32, #tpu.memory_space<hbm>> -> memref<1x48x128xi32, #tpu.memory_space<hbm>>
      %dma_wait3A_45 = tpu.memref_squeeze %dma_wait3A_44 : memref<1x48x128xi32, #tpu.memory_space<hbm>> -> memref<48x128xi32, #tpu.memory_space<hbm>>
      tpu.wait_dma2 semaphore(%run_scoped3A : memref<!tpu.dma_semaphore, #tpu.memory_space<semaphore_mem>>) src(%dma_wait3A_45 : memref<48x128xi32, #tpu.memory_space<hbm>>) dst(%arg7 : memref<48x128xi32, #tpu.memory_space<vmem>>)
      tpu.yield
    }) : () -> ()
    "tpu.region"() ({
      %run_scoped3A = tpu.sem_alloc : memref<!tpu.dma_semaphore, #tpu.memory_space<semaphore_mem>>
      %dma_start3A_30 = arith.constant 0 : i32
      %dma_start3A_31 = arith.constant 0 : i32
      %dma_start3A_32 = tpu.memref_slice %arg4[%add3A, %dma_start3A_30, %dma_start3A_31] : memref<32x96x128xi32, #tpu.memory_space<hbm>> -> memref<1x48x128xi32, #tpu.memory_space<hbm>>
      %dma_start3A_33 = tpu.memref_squeeze %dma_start3A_32 : memref<1x48x128xi32, #tpu.memory_space<hbm>> -> memref<48x128xi32, #tpu.memory_space<hbm>>
      %dma_start3A_34 = arith.constant 0 : i32
      %dma_start3A_35 = arith.constant 0 : i32
      %dma_start3A_36 = tpu.memref_slice %arg4[%add3A, %dma_start3A_34, %dma_start3A_35] : memref<32x96x128xi32, #tpu.memory_space<hbm>> -> memref<1x48x128xi32, #tpu.memory_space<hbm>>
      %dma_start3A_37 = tpu.memref_squeeze %dma_start3A_36 : memref<1x48x128xi32, #tpu.memory_space<hbm>> -> memref<48x128xi32, #tpu.memory_space<hbm>>
      tpu.enqueue_dma source(%dma_start3A_37 : memref<48x128xi32, #tpu.memory_space<hbm>>) target(%arg8 : memref<48x128xi32, #tpu.memory_space<vmem>>) target_semaphore(%run_scoped3A : memref<!tpu.dma_semaphore, #tpu.memory_space<semaphore_mem>>)
      %dma_wait3A_38 = arith.constant 0 : i32
      %dma_wait3A_39 = arith.constant 0 : i32
      %dma_wait3A_40 = tpu.memref_slice %arg4[%add3A, %dma_wait3A_38, %dma_wait3A_39] : memref<32x96x128xi32, #tpu.memory_space<hbm>> -> memref<1x48x128xi32, #tpu.memory_space<hbm>>
      %dma_wait3A_41 = tpu.memref_squeeze %dma_wait3A_40 : memref<1x48x128xi32, #tpu.memory_space<hbm>> -> memref<48x128xi32, #tpu.memory_space<hbm>>
      %dma_wait3A_42 = arith.constant 0 : i32
      %dma_wait3A_43 = arith.constant 0 : i32
      %dma_wait3A_44 = tpu.memref_slice %arg4[%add3A, %dma_wait3A_42, %dma_wait3A_43] : memref<32x96x128xi32, #tpu.memory_space<hbm>> -> memref<1x48x128xi32, #tpu.memory_space<hbm>>
      %dma_wait3A_45 = tpu.memref_squeeze %dma_wait3A_44 : memref<1x48x128xi32, #tpu.memory_space<hbm>> -> memref<48x128xi32, #tpu.memory_space<hbm>>
      tpu.wait_dma2 semaphore(%run_scoped3A : memref<!tpu.dma_semaphore, #tpu.memory_space<semaphore_mem>>) src(%dma_wait3A_45 : memref<48x128xi32, #tpu.memory_space<hbm>>) dst(%arg8 : memref<48x128xi32, #tpu.memory_space<vmem>>)
      tpu.yield
    }) : () -> ()
    %dma_start3A_4 = arith.constant 0 : i32
    %dma_start3A_5 = arith.constant 0 : i32
    %dma_start3A_6 = tpu.memref_slice %arg7[%dma_start3A_4, %dma_start3A_5] : memref<48x128xi32, #tpu.memory_space<vmem>> -> memref<1x128xi32, #tpu.memory_space<vmem>>
    %dma_start3A_7 = tpu.memref_squeeze %dma_start3A_6 : memref<1x128xi32, #tpu.memory_space<vmem>> -> memref<128xi32, #tpu.memory_space<vmem>>
    %dma_start3A_8 = arith.constant 0 : i32
    %dma_start3A_9 = arith.constant 0 : i32
    %dma_start3A_10 = tpu.memref_slice %arg2[%dma_start3A_8, %dma_start3A_9] : memref<10000x128xf32, #tpu.memory_space<hbm>> -> memref<10000x128xf32, #tpu.memory_space<hbm>>
    tpu.enqueue_indirect_dma source(%dma_start3A_10 : memref<10000x128xf32, #tpu.memory_space<hbm>>) target(%arg9 : memref<128x128xf32, #tpu.memory_space<vmem>>) offsets(%dma_start3A_7 : memref<128xi32, #tpu.memory_space<vmem>>) semaphore(%arg12 : memref<!tpu.dma_semaphore, #tpu.memory_space<semaphore_mem>>)
    %mul3A_11 = arith.constant 640 : i32
    %mul3A_12 = arith.muli %arg1, %mul3A_11 : i32
    %dma_wait3A = arith.constant 0 : i32
    %dma_wait3A_13 = tpu.memref_slice %arg11[%mul3A_12, %dma_wait3A] : memref<10240x128xf32, #tpu.memory_space<vmem_shared>> -> memref<640x128xf32, #tpu.memory_space<vmem_shared>>
    tpu.wait_dma2 semaphore(%arg16 : memref<!tpu.dma_semaphore, #tpu.memory_space<semaphore_mem>>) src(%arg5 : memref<640x128xf32, #tpu.memory_space<hbm>>) dst(%dma_wait3A_13 : memref<640x128xf32, #tpu.memory_space<vmem_shared>>)
    %barrier3A = arith.constant 0 : index
    tpu.barrier barrier_id(%barrier3A)
    %scan3A = arith.constant 0 : i32
    %scan3A_14 = arith.constant 0 : i32
    %scan3A_15 = arith.constant 40 : i32
    %scan3A_16 = arith.addi %scan3A_14, %scan3A_15 : i32
    %scan3A_17 = arith.constant 1 : i32
    scf.for %scan3A_30 = %scan3A_14 to %scan3A_16 step %scan3A_17  : i32 {
      %mul3A_31 = arith.constant 2 : i32
      %mul3A_32 = arith.muli %mul3A_31, %scan3A_30 : i32
      %add3A_33 = arith.constant 0 : i32
      %add3A_34 = arith.addi %mul3A_32, %add3A_33 : i32
      %jit3A = arith.constant 48 : i32
      %eq3A = arith.constant 0 : i32
      %eq3A_35 = arith.cmpi eq, %jit3A, %eq3A : i32
      %jit3A_36 = arith.constant 1 : i32
      %select_n3A = arith.select %eq3A_35, %jit3A_36, %jit3A : i32
      %rem3A = arith.remsi %add3A_34, %select_n3A : i32
      %ne3A = arith.constant 0 : i32
      %ne3A_37 = arith.cmpi ne, %rem3A, %ne3A : i32
      %lt3A = arith.constant 0 : i32
      %lt3A_38 = arith.cmpi slt, %rem3A, %lt3A : i32
      %lt3A_39 = arith.constant 0 : i32
      %lt3A_40 = arith.cmpi slt, %select_n3A, %lt3A_39 : i32
      %ne3A_41 = arith.xori %lt3A_38, %lt3A_40 : i1
      %and3A = arith.andi %ne3A_41, %ne3A_37 : i1
      %add3A_42 = arith.addi %rem3A, %select_n3A : i32
      %select_n3A_43 = arith.select %and3A, %add3A_42, %rem3A : i32
      %gt3A = arith.constant 0 : i32
      %gt3A_44 = arith.cmpi sgt, %add3A_34, %gt3A : i32
      %convert_element_type3A = arith.extui %gt3A_44 : i1 to i32
      %cond3A = arith.constant 0 : i32
      %cond3A_45 = arith.cmpi ne, %convert_element_type3A, %cond3A : i32
      scf.if %cond3A_45 {
        %sub3A = arith.constant 1 : i32
        %sub3A_135 = arith.subi %add3A_34, %sub3A : i32
        %jit3A_136 = arith.constant 48 : i32
        %eq3A_137 = arith.constant 0 : i32
        %eq3A_138 = arith.cmpi eq, %jit3A_136, %eq3A_137 : i32
        %jit3A_139 = arith.constant 1 : i32
        %select_n3A_140 = arith.select %eq3A_138, %jit3A_139, %jit3A_136 : i32
        %rem3A_141 = arith.remsi %sub3A_135, %select_n3A_140 : i32
        %ne3A_142 = arith.constant 0 : i32
        %ne3A_143 = arith.cmpi ne, %rem3A_141, %ne3A_142 : i32
        %lt3A_144 = arith.constant 0 : i32
        %lt3A_145 = arith.cmpi slt, %rem3A_141, %lt3A_144 : i32
        %lt3A_146 = arith.constant 0 : i32
        %lt3A_147 = arith.cmpi slt, %select_n3A_140, %lt3A_146 : i32
        %ne3A_148 = arith.xori %lt3A_145, %lt3A_147 : i1
        %and3A_149 = arith.andi %ne3A_148, %ne3A_143 : i1
        %add3A_150 = arith.addi %rem3A_141, %select_n3A_140 : i32
        %select_n3A_151 = arith.select %and3A_149, %add3A_150, %rem3A_141 : i32
        %dma_wait3A_152 = arith.constant 0 : i32
        %dma_wait3A_153 = tpu.memref_slice %arg8[%select_n3A_151, %dma_wait3A_152] : memref<48x128xi32, #tpu.memory_space<vmem>> -> memref<1x128xi32, #tpu.memory_space<vmem>>
        %dma_wait3A_154 = tpu.memref_squeeze %dma_wait3A_153 : memref<1x128xi32, #tpu.memory_space<vmem>> -> memref<128xi32, #tpu.memory_space<vmem>>
        %dma_wait3A_155 = arith.constant 0 : i32
        %dma_wait3A_156 = arith.constant 0 : i32
        %dma_wait3A_157 = tpu.memref_slice %arg11[%dma_wait3A_155, %dma_wait3A_156] : memref<10240x128xf32, #tpu.memory_space<vmem_shared>> -> memref<10240x128xf32, #tpu.memory_space<vmem_shared>>
        tpu.wait_indirect_dma semaphore(%arg15 : memref<!tpu.dma_semaphore, #tpu.memory_space<semaphore_mem>>) src(%arg10 : memref<128x128xf32, #tpu.memory_space<vmem>>) dst(%dma_wait3A_157 : memref<10240x128xf32, #tpu.memory_space<vmem_shared>>)
      } else {
      }
      %eq3A_46 = arith.constant 0 : i32
      %eq3A_47 = arith.cmpi eq, %select_n3A_43, %eq3A_46 : i32
      %gt3A_48 = arith.constant 0 : i32
      %gt3A_49 = arith.cmpi sgt, %add3A_34, %gt3A_48 : i32
      %and3A_50 = arith.andi %eq3A_47, %gt3A_49 : i1
      %convert_element_type3A_51 = arith.extui %and3A_50 : i1 to i32
      %cond3A_52 = arith.constant 0 : i32
      %cond3A_53 = arith.cmpi ne, %convert_element_type3A_51, %cond3A_52 : i32
      scf.if %cond3A_53 {
        %jit3A_135 = arith.constant 48 : i32
        %div3A = arith.divsi %add3A_34, %jit3A_135 : i32
        %sign3A = arith.constant 0 : i32
        %sign3A_136 = arith.cmpi sgt, %add3A_34, %sign3A : i32
        %sign3A_137 = arith.extui %sign3A_136 : i1 to i32
        %sign3A_138 = arith.constant 0 : i32
        %sign3A_139 = arith.cmpi slt, %add3A_34, %sign3A_138 : i32
        %sign3A_140 = arith.extui %sign3A_139 : i1 to i32
        %sign3A_141 = arith.subi %sign3A_137, %sign3A_140 : i32
        %sign3A_142 = arith.constant 0 : i32
        %sign3A_143 = arith.cmpi sgt, %jit3A_135, %sign3A_142 : i32
        %sign3A_144 = arith.extui %sign3A_143 : i1 to i32
        %sign3A_145 = arith.constant 0 : i32
        %sign3A_146 = arith.cmpi slt, %jit3A_135, %sign3A_145 : i32
        %sign3A_147 = arith.extui %sign3A_146 : i1 to i32
        %sign3A_148 = arith.subi %sign3A_144, %sign3A_147 : i32
        %ne3A_149 = arith.cmpi ne, %sign3A_141, %sign3A_148 : i32
        %rem3A_150 = arith.remsi %add3A_34, %jit3A_135 : i32
        %ne3A_151 = arith.constant 0 : i32
        %ne3A_152 = arith.cmpi ne, %rem3A_150, %ne3A_151 : i32
        %and3A_153 = arith.andi %ne3A_149, %ne3A_152 : i1
        %sub3A = arith.constant 1 : i32
        %sub3A_154 = arith.subi %div3A, %sub3A : i32
        %select_n3A_155 = arith.select %and3A_153, %sub3A_154, %div3A : i32
        %mul3A_156 = arith.constant 48 : i32
        %mul3A_157 = arith.muli %select_n3A_155, %mul3A_156 : i32
        "tpu.region"() ({
          %run_scoped3A = tpu.sem_alloc : memref<!tpu.dma_semaphore, #tpu.memory_space<semaphore_mem>>
          %dma_start3A_165 = arith.constant 0 : i32
          %dma_start3A_166 = tpu.memref_slice %arg3[%add3A, %mul3A_157, %dma_start3A_165] : memref<32x96x128xi32, #tpu.memory_space<hbm>> -> memref<1x48x128xi32, #tpu.memory_space<hbm>>
          %dma_start3A_167 = tpu.memref_squeeze %dma_start3A_166 : memref<1x48x128xi32, #tpu.memory_space<hbm>> -> memref<48x128xi32, #tpu.memory_space<hbm>>
          %dma_start3A_168 = arith.constant 0 : i32
          %dma_start3A_169 = tpu.memref_slice %arg3[%add3A, %mul3A_157, %dma_start3A_168] : memref<32x96x128xi32, #tpu.memory_space<hbm>> -> memref<1x48x128xi32, #tpu.memory_space<hbm>>
          %dma_start3A_170 = tpu.memref_squeeze %dma_start3A_169 : memref<1x48x128xi32, #tpu.memory_space<hbm>> -> memref<48x128xi32, #tpu.memory_space<hbm>>
          tpu.enqueue_dma source(%dma_start3A_170 : memref<48x128xi32, #tpu.memory_space<hbm>>) target(%arg7 : memref<48x128xi32, #tpu.memory_space<vmem>>) target_semaphore(%run_scoped3A : memref<!tpu.dma_semaphore, #tpu.memory_space<semaphore_mem>>)
          %dma_wait3A_171 = arith.constant 0 : i32
          %dma_wait3A_172 = tpu.memref_slice %arg3[%add3A, %mul3A_157, %dma_wait3A_171] : memref<32x96x128xi32, #tpu.memory_space<hbm>> -> memref<1x48x128xi32, #tpu.memory_space<hbm>>
          %dma_wait3A_173 = tpu.memref_squeeze %dma_wait3A_172 : memref<1x48x128xi32, #tpu.memory_space<hbm>> -> memref<48x128xi32, #tpu.memory_space<hbm>>
          %dma_wait3A_174 = arith.constant 0 : i32
          %dma_wait3A_175 = tpu.memref_slice %arg3[%add3A, %mul3A_157, %dma_wait3A_174] : memref<32x96x128xi32, #tpu.memory_space<hbm>> -> memref<1x48x128xi32, #tpu.memory_space<hbm>>
          %dma_wait3A_176 = tpu.memref_squeeze %dma_wait3A_175 : memref<1x48x128xi32, #tpu.memory_space<hbm>> -> memref<48x128xi32, #tpu.memory_space<hbm>>
          tpu.wait_dma2 semaphore(%run_scoped3A : memref<!tpu.dma_semaphore, #tpu.memory_space<semaphore_mem>>) src(%dma_wait3A_176 : memref<48x128xi32, #tpu.memory_space<hbm>>) dst(%arg7 : memref<48x128xi32, #tpu.memory_space<vmem>>)
          tpu.yield
        }) : () -> ()
        "tpu.region"() ({
          %run_scoped3A = tpu.sem_alloc : memref<!tpu.dma_semaphore, #tpu.memory_space<semaphore_mem>>
          %dma_start3A_165 = arith.constant 0 : i32
          %dma_start3A_166 = tpu.memref_slice %arg4[%add3A, %mul3A_157, %dma_start3A_165] : memref<32x96x128xi32, #tpu.memory_space<hbm>> -> memref<1x48x128xi32, #tpu.memory_space<hbm>>
          %dma_start3A_167 = tpu.memref_squeeze %dma_start3A_166 : memref<1x48x128xi32, #tpu.memory_space<hbm>> -> memref<48x128xi32, #tpu.memory_space<hbm>>
          %dma_start3A_168 = arith.constant 0 : i32
          %dma_start3A_169 = tpu.memref_slice %arg4[%add3A, %mul3A_157, %dma_start3A_168] : memref<32x96x128xi32, #tpu.memory_space<hbm>> -> memref<1x48x128xi32, #tpu.memory_space<hbm>>
          %dma_start3A_170 = tpu.memref_squeeze %dma_start3A_169 : memref<1x48x128xi32, #tpu.memory_space<hbm>> -> memref<48x128xi32, #tpu.memory_space<hbm>>
          tpu.enqueue_dma source(%dma_start3A_170 : memref<48x128xi32, #tpu.memory_space<hbm>>) target(%arg8 : memref<48x128xi32, #tpu.memory_space<vmem>>) target_semaphore(%run_scoped3A : memref<!tpu.dma_semaphore, #tpu.memory_space<semaphore_mem>>)
          %dma_wait3A_171 = arith.constant 0 : i32
          %dma_wait3A_172 = tpu.memref_slice %arg4[%add3A, %mul3A_157, %dma_wait3A_171] : memref<32x96x128xi32, #tpu.memory_space<hbm>> -> memref<1x48x128xi32, #tpu.memory_space<hbm>>
          %dma_wait3A_173 = tpu.memref_squeeze %dma_wait3A_172 : memref<1x48x128xi32, #tpu.memory_space<hbm>> -> memref<48x128xi32, #tpu.memory_space<hbm>>
          %dma_wait3A_174 = arith.constant 0 : i32
          %dma_wait3A_175 = tpu.memref_slice %arg4[%add3A, %mul3A_157, %dma_wait3A_174] : memref<32x96x128xi32, #tpu.memory_space<hbm>> -> memref<1x48x128xi32, #tpu.memory_space<hbm>>
          %dma_wait3A_176 = tpu.memref_squeeze %dma_wait3A_175 : memref<1x48x128xi32, #tpu.memory_space<hbm>> -> memref<48x128xi32, #tpu.memory_space<hbm>>
          tpu.wait_dma2 semaphore(%run_scoped3A : memref<!tpu.dma_semaphore, #tpu.memory_space<semaphore_mem>>) src(%dma_wait3A_176 : memref<48x128xi32, #tpu.memory_space<hbm>>) dst(%arg8 : memref<48x128xi32, #tpu.memory_space<vmem>>)
          tpu.yield
        }) : () -> ()
        %dma_start3A_158 = arith.constant 0 : i32
        %dma_start3A_159 = arith.constant 0 : i32
        %dma_start3A_160 = tpu.memref_slice %arg7[%dma_start3A_158, %dma_start3A_159] : memref<48x128xi32, #tpu.memory_space<vmem>> -> memref<1x128xi32, #tpu.memory_space<vmem>>
        %dma_start3A_161 = tpu.memref_squeeze %dma_start3A_160 : memref<1x128xi32, #tpu.memory_space<vmem>> -> memref<128xi32, #tpu.memory_space<vmem>>
        %dma_start3A_162 = arith.constant 0 : i32
        %dma_start3A_163 = arith.constant 0 : i32
        %dma_start3A_164 = tpu.memref_slice %arg2[%dma_start3A_162, %dma_start3A_163] : memref<10000x128xf32, #tpu.memory_space<hbm>> -> memref<10000x128xf32, #tpu.memory_space<hbm>>
        tpu.enqueue_indirect_dma source(%dma_start3A_164 : memref<10000x128xf32, #tpu.memory_space<hbm>>) target(%arg9 : memref<128x128xf32, #tpu.memory_space<vmem>>) offsets(%dma_start3A_161 : memref<128xi32, #tpu.memory_space<vmem>>) semaphore(%arg12 : memref<!tpu.dma_semaphore, #tpu.memory_space<semaphore_mem>>)
      } else {
      }
      %add3A_54 = arith.constant 1 : i32
      %add3A_55 = arith.addi %add3A_34, %add3A_54 : i32
      %lt3A_56 = arith.constant 80 : i32
      %lt3A_57 = arith.cmpi slt, %add3A_55, %lt3A_56 : i32
      %add3A_58 = arith.constant 1 : i32
      %add3A_59 = arith.addi %select_n3A_43, %add3A_58 : i32
      %lt3A_60 = arith.constant 48 : i32
      %lt3A_61 = arith.cmpi slt, %add3A_59, %lt3A_60 : i32
      %and3A_62 = arith.andi %lt3A_57, %lt3A_61 : i1
      %convert_element_type3A_63 = arith.extui %and3A_62 : i1 to i32
      %cond3A_64 = arith.constant 0 : i32
      %cond3A_65 = arith.cmpi ne, %convert_element_type3A_63, %cond3A_64 : i32
      scf.if %cond3A_65 {
        %add3A_135 = arith.constant 1 : i32
        %add3A_136 = arith.addi %select_n3A_43, %add3A_135 : i32
        %dma_start3A_137 = arith.constant 0 : i32
        %dma_start3A_138 = tpu.memref_slice %arg7[%add3A_136, %dma_start3A_137] : memref<48x128xi32, #tpu.memory_space<vmem>> -> memref<1x128xi32, #tpu.memory_space<vmem>>
        %dma_start3A_139 = tpu.memref_squeeze %dma_start3A_138 : memref<1x128xi32, #tpu.memory_space<vmem>> -> memref<128xi32, #tpu.memory_space<vmem>>
        %dma_start3A_140 = arith.constant 0 : i32
        %dma_start3A_141 = arith.constant 0 : i32
        %dma_start3A_142 = tpu.memref_slice %arg2[%dma_start3A_140, %dma_start3A_141] : memref<10000x128xf32, #tpu.memory_space<hbm>> -> memref<10000x128xf32, #tpu.memory_space<hbm>>
        tpu.enqueue_indirect_dma source(%dma_start3A_142 : memref<10000x128xf32, #tpu.memory_space<hbm>>) target(%arg10 : memref<128x128xf32, #tpu.memory_space<vmem>>) offsets(%dma_start3A_139 : memref<128xi32, #tpu.memory_space<vmem>>) semaphore(%arg13 : memref<!tpu.dma_semaphore, #tpu.memory_space<semaphore_mem>>)
      } else {
      }
      %dma_wait3A_66 = arith.constant 0 : i32
      %dma_wait3A_67 = tpu.memref_slice %arg7[%select_n3A_43, %dma_wait3A_66] : memref<48x128xi32, #tpu.memory_space<vmem>> -> memref<1x128xi32, #tpu.memory_space<vmem>>
      %dma_wait3A_68 = tpu.memref_squeeze %dma_wait3A_67 : memref<1x128xi32, #tpu.memory_space<vmem>> -> memref<128xi32, #tpu.memory_space<vmem>>
      %dma_wait3A_69 = arith.constant 0 : i32
      %dma_wait3A_70 = arith.constant 0 : i32
      %dma_wait3A_71 = tpu.memref_slice %arg2[%dma_wait3A_69, %dma_wait3A_70] : memref<10000x128xf32, #tpu.memory_space<hbm>> -> memref<10000x128xf32, #tpu.memory_space<hbm>>
      tpu.wait_indirect_dma semaphore(%arg12 : memref<!tpu.dma_semaphore, #tpu.memory_space<semaphore_mem>>) src(%dma_wait3A_71 : memref<10000x128xf32, #tpu.memory_space<hbm>>) dst(%arg9 : memref<128x128xf32, #tpu.memory_space<vmem>>)
      %dma_start3A_72 = arith.constant 0 : i32
      %dma_start3A_73 = tpu.memref_slice %arg8[%select_n3A_43, %dma_start3A_72] : memref<48x128xi32, #tpu.memory_space<vmem>> -> memref<1x128xi32, #tpu.memory_space<vmem>>
      %dma_start3A_74 = tpu.memref_squeeze %dma_start3A_73 : memref<1x128xi32, #tpu.memory_space<vmem>> -> memref<128xi32, #tpu.memory_space<vmem>>
      %dma_start3A_75 = arith.constant 0 : i32
      %dma_start3A_76 = arith.constant 0 : i32
      %dma_start3A_77 = tpu.memref_slice %arg11[%dma_start3A_75, %dma_start3A_76] : memref<10240x128xf32, #tpu.memory_space<vmem_shared>> -> memref<10240x128xf32, #tpu.memory_space<vmem_shared>>
      tpu.enqueue_indirect_dma source(%arg9 : memref<128x128xf32, #tpu.memory_space<vmem>>) target(%dma_start3A_77 : memref<10240x128xf32, #tpu.memory_space<vmem_shared>>) offsets(%dma_start3A_74 : memref<128xi32, #tpu.memory_space<vmem>>) semaphore(%arg14 : memref<!tpu.dma_semaphore, #tpu.memory_space<semaphore_mem>>) {add = true}
      %mul3A_78 = arith.constant 2 : i32
      %mul3A_79 = arith.muli %mul3A_78, %scan3A_30 : i32
      %add3A_80 = arith.constant 1 : i32
      %add3A_81 = arith.addi %mul3A_79, %add3A_80 : i32
      %jit3A_82 = arith.constant 48 : i32
      %eq3A_83 = arith.constant 0 : i32
      %eq3A_84 = arith.cmpi eq, %jit3A_82, %eq3A_83 : i32
      %jit3A_85 = arith.constant 1 : i32
      %select_n3A_86 = arith.select %eq3A_84, %jit3A_85, %jit3A_82 : i32
      %rem3A_87 = arith.remsi %add3A_81, %select_n3A_86 : i32
      %ne3A_88 = arith.constant 0 : i32
      %ne3A_89 = arith.cmpi ne, %rem3A_87, %ne3A_88 : i32
      %lt3A_90 = arith.constant 0 : i32
      %lt3A_91 = arith.cmpi slt, %rem3A_87, %lt3A_90 : i32
      %lt3A_92 = arith.constant 0 : i32
      %lt3A_93 = arith.cmpi slt, %select_n3A_86, %lt3A_92 : i32
      %ne3A_94 = arith.xori %lt3A_91, %lt3A_93 : i1
      %and3A_95 = arith.andi %ne3A_94, %ne3A_89 : i1
      %add3A_96 = arith.addi %rem3A_87, %select_n3A_86 : i32
      %select_n3A_97 = arith.select %and3A_95, %add3A_96, %rem3A_87 : i32
      %gt3A_98 = arith.constant 0 : i32
      %gt3A_99 = arith.cmpi sgt, %add3A_81, %gt3A_98 : i32
      %convert_element_type3A_100 = arith.extui %gt3A_99 : i1 to i32
      %cond3A_101 = arith.constant 0 : i32
      %cond3A_102 = arith.cmpi ne, %convert_element_type3A_100, %cond3A_101 : i32
      scf.if %cond3A_102 {
        %sub3A = arith.constant 1 : i32
        %sub3A_135 = arith.subi %add3A_81, %sub3A : i32
        %jit3A_136 = arith.constant 48 : i32
        %eq3A_137 = arith.constant 0 : i32
        %eq3A_138 = arith.cmpi eq, %jit3A_136, %eq3A_137 : i32
        %jit3A_139 = arith.constant 1 : i32
        %select_n3A_140 = arith.select %eq3A_138, %jit3A_139, %jit3A_136 : i32
        %rem3A_141 = arith.remsi %sub3A_135, %select_n3A_140 : i32
        %ne3A_142 = arith.constant 0 : i32
        %ne3A_143 = arith.cmpi ne, %rem3A_141, %ne3A_142 : i32
        %lt3A_144 = arith.constant 0 : i32
        %lt3A_145 = arith.cmpi slt, %rem3A_141, %lt3A_144 : i32
        %lt3A_146 = arith.constant 0 : i32
        %lt3A_147 = arith.cmpi slt, %select_n3A_140, %lt3A_146 : i32
        %ne3A_148 = arith.xori %lt3A_145, %lt3A_147 : i1
        %and3A_149 = arith.andi %ne3A_148, %ne3A_143 : i1
        %add3A_150 = arith.addi %rem3A_141, %select_n3A_140 : i32
        %select_n3A_151 = arith.select %and3A_149, %add3A_150, %rem3A_141 : i32
        %dma_wait3A_152 = arith.constant 0 : i32
        %dma_wait3A_153 = tpu.memref_slice %arg8[%select_n3A_151, %dma_wait3A_152] : memref<48x128xi32, #tpu.memory_space<vmem>> -> memref<1x128xi32, #tpu.memory_space<vmem>>
        %dma_wait3A_154 = tpu.memref_squeeze %dma_wait3A_153 : memref<1x128xi32, #tpu.memory_space<vmem>> -> memref<128xi32, #tpu.memory_space<vmem>>
        %dma_wait3A_155 = arith.constant 0 : i32
        %dma_wait3A_156 = arith.constant 0 : i32
        %dma_wait3A_157 = tpu.memref_slice %arg11[%dma_wait3A_155, %dma_wait3A_156] : memref<10240x128xf32, #tpu.memory_space<vmem_shared>> -> memref<10240x128xf32, #tpu.memory_space<vmem_shared>>
        tpu.wait_indirect_dma semaphore(%arg14 : memref<!tpu.dma_semaphore, #tpu.memory_space<semaphore_mem>>) src(%arg9 : memref<128x128xf32, #tpu.memory_space<vmem>>) dst(%dma_wait3A_157 : memref<10240x128xf32, #tpu.memory_space<vmem_shared>>)
      } else {
      }
      %eq3A_103 = arith.constant 0 : i32
      %eq3A_104 = arith.cmpi eq, %select_n3A_97, %eq3A_103 : i32
      %gt3A_105 = arith.constant 0 : i32
      %gt3A_106 = arith.cmpi sgt, %add3A_81, %gt3A_105 : i32
      %and3A_107 = arith.andi %eq3A_104, %gt3A_106 : i1
      %convert_element_type3A_108 = arith.extui %and3A_107 : i1 to i32
      %cond3A_109 = arith.constant 0 : i32
      %cond3A_110 = arith.cmpi ne, %convert_element_type3A_108, %cond3A_109 : i32
      scf.if %cond3A_110 {
        %jit3A_135 = arith.constant 48 : i32
        %div3A = arith.divsi %add3A_81, %jit3A_135 : i32
        %sign3A = arith.constant 0 : i32
        %sign3A_136 = arith.cmpi sgt, %add3A_81, %sign3A : i32
        %sign3A_137 = arith.extui %sign3A_136 : i1 to i32
        %sign3A_138 = arith.constant 0 : i32
        %sign3A_139 = arith.cmpi slt, %add3A_81, %sign3A_138 : i32
        %sign3A_140 = arith.extui %sign3A_139 : i1 to i32
        %sign3A_141 = arith.subi %sign3A_137, %sign3A_140 : i32
        %sign3A_142 = arith.constant 0 : i32
        %sign3A_143 = arith.cmpi sgt, %jit3A_135, %sign3A_142 : i32
        %sign3A_144 = arith.extui %sign3A_143 : i1 to i32
        %sign3A_145 = arith.constant 0 : i32
        %sign3A_146 = arith.cmpi slt, %jit3A_135, %sign3A_145 : i32
        %sign3A_147 = arith.extui %sign3A_146 : i1 to i32
        %sign3A_148 = arith.subi %sign3A_144, %sign3A_147 : i32
        %ne3A_149 = arith.cmpi ne, %sign3A_141, %sign3A_148 : i32
        %rem3A_150 = arith.remsi %add3A_81, %jit3A_135 : i32
        %ne3A_151 = arith.constant 0 : i32
        %ne3A_152 = arith.cmpi ne, %rem3A_150, %ne3A_151 : i32
        %and3A_153 = arith.andi %ne3A_149, %ne3A_152 : i1
        %sub3A = arith.constant 1 : i32
        %sub3A_154 = arith.subi %div3A, %sub3A : i32
        %select_n3A_155 = arith.select %and3A_153, %sub3A_154, %div3A : i32
        %mul3A_156 = arith.constant 48 : i32
        %mul3A_157 = arith.muli %select_n3A_155, %mul3A_156 : i32
        "tpu.region"() ({
          %run_scoped3A = tpu.sem_alloc : memref<!tpu.dma_semaphore, #tpu.memory_space<semaphore_mem>>
          %dma_start3A_165 = arith.constant 0 : i32
          %dma_start3A_166 = tpu.memref_slice %arg3[%add3A, %mul3A_157, %dma_start3A_165] : memref<32x96x128xi32, #tpu.memory_space<hbm>> -> memref<1x48x128xi32, #tpu.memory_space<hbm>>
          %dma_start3A_167 = tpu.memref_squeeze %dma_start3A_166 : memref<1x48x128xi32, #tpu.memory_space<hbm>> -> memref<48x128xi32, #tpu.memory_space<hbm>>
          %dma_start3A_168 = arith.constant 0 : i32
          %dma_start3A_169 = tpu.memref_slice %arg3[%add3A, %mul3A_157, %dma_start3A_168] : memref<32x96x128xi32, #tpu.memory_space<hbm>> -> memref<1x48x128xi32, #tpu.memory_space<hbm>>
          %dma_start3A_170 = tpu.memref_squeeze %dma_start3A_169 : memref<1x48x128xi32, #tpu.memory_space<hbm>> -> memref<48x128xi32, #tpu.memory_space<hbm>>
          tpu.enqueue_dma source(%dma_start3A_170 : memref<48x128xi32, #tpu.memory_space<hbm>>) target(%arg7 : memref<48x128xi32, #tpu.memory_space<vmem>>) target_semaphore(%run_scoped3A : memref<!tpu.dma_semaphore, #tpu.memory_space<semaphore_mem>>)
          %dma_wait3A_171 = arith.constant 0 : i32
          %dma_wait3A_172 = tpu.memref_slice %arg3[%add3A, %mul3A_157, %dma_wait3A_171] : memref<32x96x128xi32, #tpu.memory_space<hbm>> -> memref<1x48x128xi32, #tpu.memory_space<hbm>>
          %dma_wait3A_173 = tpu.memref_squeeze %dma_wait3A_172 : memref<1x48x128xi32, #tpu.memory_space<hbm>> -> memref<48x128xi32, #tpu.memory_space<hbm>>
          %dma_wait3A_174 = arith.constant 0 : i32
          %dma_wait3A_175 = tpu.memref_slice %arg3[%add3A, %mul3A_157, %dma_wait3A_174] : memref<32x96x128xi32, #tpu.memory_space<hbm>> -> memref<1x48x128xi32, #tpu.memory_space<hbm>>
          %dma_wait3A_176 = tpu.memref_squeeze %dma_wait3A_175 : memref<1x48x128xi32, #tpu.memory_space<hbm>> -> memref<48x128xi32, #tpu.memory_space<hbm>>
          tpu.wait_dma2 semaphore(%run_scoped3A : memref<!tpu.dma_semaphore, #tpu.memory_space<semaphore_mem>>) src(%dma_wait3A_176 : memref<48x128xi32, #tpu.memory_space<hbm>>) dst(%arg7 : memref<48x128xi32, #tpu.memory_space<vmem>>)
          tpu.yield
        }) : () -> ()
        "tpu.region"() ({
          %run_scoped3A = tpu.sem_alloc : memref<!tpu.dma_semaphore, #tpu.memory_space<semaphore_mem>>
          %dma_start3A_165 = arith.constant 0 : i32
          %dma_start3A_166 = tpu.memref_slice %arg4[%add3A, %mul3A_157, %dma_start3A_165] : memref<32x96x128xi32, #tpu.memory_space<hbm>> -> memref<1x48x128xi32, #tpu.memory_space<hbm>>
          %dma_start3A_167 = tpu.memref_squeeze %dma_start3A_166 : memref<1x48x128xi32, #tpu.memory_space<hbm>> -> memref<48x128xi32, #tpu.memory_space<hbm>>
          %dma_start3A_168 = arith.constant 0 : i32
          %dma_start3A_169 = tpu.memref_slice %arg4[%add3A, %mul3A_157, %dma_start3A_168] : memref<32x96x128xi32, #tpu.memory_space<hbm>> -> memref<1x48x128xi32, #tpu.memory_space<hbm>>
          %dma_start3A_170 = tpu.memref_squeeze %dma_start3A_169 : memref<1x48x128xi32, #tpu.memory_space<hbm>> -> memref<48x128xi32, #tpu.memory_space<hbm>>
          tpu.enqueue_dma source(%dma_start3A_170 : memref<48x128xi32, #tpu.memory_space<hbm>>) target(%arg8 : memref<48x128xi32, #tpu.memory_space<vmem>>) target_semaphore(%run_scoped3A : memref<!tpu.dma_semaphore, #tpu.memory_space<semaphore_mem>>)
          %dma_wait3A_171 = arith.constant 0 : i32
          %dma_wait3A_172 = tpu.memref_slice %arg4[%add3A, %mul3A_157, %dma_wait3A_171] : memref<32x96x128xi32, #tpu.memory_space<hbm>> -> memref<1x48x128xi32, #tpu.memory_space<hbm>>
          %dma_wait3A_173 = tpu.memref_squeeze %dma_wait3A_172 : memref<1x48x128xi32, #tpu.memory_space<hbm>> -> memref<48x128xi32, #tpu.memory_space<hbm>>
          %dma_wait3A_174 = arith.constant 0 : i32
          %dma_wait3A_175 = tpu.memref_slice %arg4[%add3A, %mul3A_157, %dma_wait3A_174] : memref<32x96x128xi32, #tpu.memory_space<hbm>> -> memref<1x48x128xi32, #tpu.memory_space<hbm>>
          %dma_wait3A_176 = tpu.memref_squeeze %dma_wait3A_175 : memref<1x48x128xi32, #tpu.memory_space<hbm>> -> memref<48x128xi32, #tpu.memory_space<hbm>>
          tpu.wait_dma2 semaphore(%run_scoped3A : memref<!tpu.dma_semaphore, #tpu.memory_space<semaphore_mem>>) src(%dma_wait3A_176 : memref<48x128xi32, #tpu.memory_space<hbm>>) dst(%arg8 : memref<48x128xi32, #tpu.memory_space<vmem>>)
          tpu.yield
        }) : () -> ()
        %dma_start3A_158 = arith.constant 0 : i32
        %dma_start3A_159 = arith.constant 0 : i32
        %dma_start3A_160 = tpu.memref_slice %arg7[%dma_start3A_158, %dma_start3A_159] : memref<48x128xi32, #tpu.memory_space<vmem>> -> memref<1x128xi32, #tpu.memory_space<vmem>>
        %dma_start3A_161 = tpu.memref_squeeze %dma_start3A_160 : memref<1x128xi32, #tpu.memory_space<vmem>> -> memref<128xi32, #tpu.memory_space<vmem>>
        %dma_start3A_162 = arith.constant 0 : i32
        %dma_start3A_163 = arith.constant 0 : i32
        %dma_start3A_164 = tpu.memref_slice %arg2[%dma_start3A_162, %dma_start3A_163] : memref<10000x128xf32, #tpu.memory_space<hbm>> -> memref<10000x128xf32, #tpu.memory_space<hbm>>
        tpu.enqueue_indirect_dma source(%dma_start3A_164 : memref<10000x128xf32, #tpu.memory_space<hbm>>) target(%arg10 : memref<128x128xf32, #tpu.memory_space<vmem>>) offsets(%dma_start3A_161 : memref<128xi32, #tpu.memory_space<vmem>>) semaphore(%arg13 : memref<!tpu.dma_semaphore, #tpu.memory_space<semaphore_mem>>)
      } else {
      }
      %add3A_111 = arith.constant 1 : i32
      %add3A_112 = arith.addi %add3A_81, %add3A_111 : i32
      %lt3A_113 = arith.constant 80 : i32
      %lt3A_114 = arith.cmpi slt, %add3A_112, %lt3A_113 : i32
      %add3A_115 = arith.constant 1 : i32
      %add3A_116 = arith.addi %select_n3A_97, %add3A_115 : i32
      %lt3A_117 = arith.constant 48 : i32
      %lt3A_118 = arith.cmpi slt, %add3A_116, %lt3A_117 : i32
      %and3A_119 = arith.andi %lt3A_114, %lt3A_118 : i1
      %convert_element_type3A_120 = arith.extui %and3A_119 : i1 to i32
      %cond3A_121 = arith.constant 0 : i32
      %cond3A_122 = arith.cmpi ne, %convert_element_type3A_120, %cond3A_121 : i32
      scf.if %cond3A_122 {
        %add3A_135 = arith.constant 1 : i32
        %add3A_136 = arith.addi %select_n3A_97, %add3A_135 : i32
        %dma_start3A_137 = arith.constant 0 : i32
        %dma_start3A_138 = tpu.memref_slice %arg7[%add3A_136, %dma_start3A_137] : memref<48x128xi32, #tpu.memory_space<vmem>> -> memref<1x128xi32, #tpu.memory_space<vmem>>
        %dma_start3A_139 = tpu.memref_squeeze %dma_start3A_138 : memref<1x128xi32, #tpu.memory_space<vmem>> -> memref<128xi32, #tpu.memory_space<vmem>>
        %dma_start3A_140 = arith.constant 0 : i32
        %dma_start3A_141 = arith.constant 0 : i32
        %dma_start3A_142 = tpu.memref_slice %arg2[%dma_start3A_140, %dma_start3A_141] : memref<10000x128xf32, #tpu.memory_space<hbm>> -> memref<10000x128xf32, #tpu.memory_space<hbm>>
        tpu.enqueue_indirect_dma source(%dma_start3A_142 : memref<10000x128xf32, #tpu.memory_space<hbm>>) target(%arg9 : memref<128x128xf32, #tpu.memory_space<vmem>>) offsets(%dma_start3A_139 : memref<128xi32, #tpu.memory_space<vmem>>) semaphore(%arg12 : memref<!tpu.dma_semaphore, #tpu.memory_space<semaphore_mem>>)
      } else {
      }
      %dma_wait3A_123 = arith.constant 0 : i32
      %dma_wait3A_124 = tpu.memref_slice %arg7[%select_n3A_97, %dma_wait3A_123] : memref<48x128xi32, #tpu.memory_space<vmem>> -> memref<1x128xi32, #tpu.memory_space<vmem>>
      %dma_wait3A_125 = tpu.memref_squeeze %dma_wait3A_124 : memref<1x128xi32, #tpu.memory_space<vmem>> -> memref<128xi32, #tpu.memory_space<vmem>>
      %dma_wait3A_126 = arith.constant 0 : i32
      %dma_wait3A_127 = arith.constant 0 : i32
      %dma_wait3A_128 = tpu.memref_slice %arg2[%dma_wait3A_126, %dma_wait3A_127] : memref<10000x128xf32, #tpu.memory_space<hbm>> -> memref<10000x128xf32, #tpu.memory_space<hbm>>
      tpu.wait_indirect_dma semaphore(%arg13 : memref<!tpu.dma_semaphore, #tpu.memory_space<semaphore_mem>>) src(%dma_wait3A_128 : memref<10000x128xf32, #tpu.memory_space<hbm>>) dst(%arg10 : memref<128x128xf32, #tpu.memory_space<vmem>>)
      %dma_start3A_129 = arith.constant 0 : i32
      %dma_start3A_130 = tpu.memref_slice %arg8[%select_n3A_97, %dma_start3A_129] : memref<48x128xi32, #tpu.memory_space<vmem>> -> memref<1x128xi32, #tpu.memory_space<vmem>>
      %dma_start3A_131 = tpu.memref_squeeze %dma_start3A_130 : memref<1x128xi32, #tpu.memory_space<vmem>> -> memref<128xi32, #tpu.memory_space<vmem>>
      %dma_start3A_132 = arith.constant 0 : i32
      %dma_start3A_133 = arith.constant 0 : i32
      %dma_start3A_134 = tpu.memref_slice %arg11[%dma_start3A_132, %dma_start3A_133] : memref<10240x128xf32, #tpu.memory_space<vmem_shared>> -> memref<10240x128xf32, #tpu.memory_space<vmem_shared>>
      tpu.enqueue_indirect_dma source(%arg10 : memref<128x128xf32, #tpu.memory_space<vmem>>) target(%dma_start3A_134 : memref<10240x128xf32, #tpu.memory_space<vmem_shared>>) offsets(%dma_start3A_131 : memref<128xi32, #tpu.memory_space<vmem>>) semaphore(%arg15 : memref<!tpu.dma_semaphore, #tpu.memory_space<semaphore_mem>>) {add = true}
    }
    %scan3A_18 = arith.constant 40 : i32
    %dma_wait3A_19 = arith.constant 31 : i32
    %dma_wait3A_20 = arith.constant 0 : i32
    %dma_wait3A_21 = tpu.memref_slice %arg8[%dma_wait3A_19, %dma_wait3A_20] : memref<48x128xi32, #tpu.memory_space<vmem>> -> memref<1x128xi32, #tpu.memory_space<vmem>>
    %dma_wait3A_22 = tpu.memref_squeeze %dma_wait3A_21 : memref<1x128xi32, #tpu.memory_space<vmem>> -> memref<128xi32, #tpu.memory_space<vmem>>
    %dma_wait3A_23 = arith.constant 0 : i32
    %dma_wait3A_24 = arith.constant 0 : i32
    %dma_wait3A_25 = tpu.memref_slice %arg11[%dma_wait3A_23, %dma_wait3A_24] : memref<10240x128xf32, #tpu.memory_space<vmem_shared>> -> memref<10240x128xf32, #tpu.memory_space<vmem_shared>>
    tpu.wait_indirect_dma semaphore(%arg15 : memref<!tpu.dma_semaphore, #tpu.memory_space<semaphore_mem>>) src(%arg10 : memref<128x128xf32, #tpu.memory_space<vmem>>) dst(%dma_wait3A_25 : memref<10240x128xf32, #tpu.memory_space<vmem_shared>>)
    %barrier3A_26 = arith.constant 0 : index
    tpu.barrier barrier_id(%barrier3A_26)
    %mul3A_27 = arith.constant 632 : i32
    %mul3A_28 = arith.muli %arg1, %mul3A_27 : i32
    %min3A = arith.constant 9368 : i32
    %min3A_29 = arith.minsi %mul3A_28, %min3A : i32
    "tpu.region"() ({
      %run_scoped3A = tpu.sem_alloc : memref<!tpu.dma_semaphore, #tpu.memory_space<semaphore_mem>>
      %dma_start3A_30 = arith.constant 0 : i32
      %dma_start3A_31 = tpu.memref_slice %arg6[%arg0, %min3A_29, %dma_start3A_30] : memref<2x10000x128xf32, #tpu.memory_space<hbm>> -> memref<1x632x128xf32, #tpu.memory_space<hbm>>
      %dma_start3A_32 = tpu.memref_squeeze %dma_start3A_31 : memref<1x632x128xf32, #tpu.memory_space<hbm>> -> memref<632x128xf32, #tpu.memory_space<hbm>>
      %dma_start3A_33 = arith.constant 0 : i32
      %dma_start3A_34 = tpu.memref_slice %arg11[%min3A_29, %dma_start3A_33] : memref<10240x128xf32, #tpu.memory_space<vmem_shared>> -> memref<632x128xf32, #tpu.memory_space<vmem_shared>>
      tpu.enqueue_dma source(%dma_start3A_34 : memref<632x128xf32, #tpu.memory_space<vmem_shared>>) target(%dma_start3A_32 : memref<632x128xf32, #tpu.memory_space<hbm>>) target_semaphore(%run_scoped3A : memref<!tpu.dma_semaphore, #tpu.memory_space<semaphore_mem>>)
      %dma_wait3A_35 = arith.constant 0 : i32
      %dma_wait3A_36 = tpu.memref_slice %arg6[%arg0, %min3A_29, %dma_wait3A_35] : memref<2x10000x128xf32, #tpu.memory_space<hbm>> -> memref<1x632x128xf32, #tpu.memory_space<hbm>>
      %dma_wait3A_37 = tpu.memref_squeeze %dma_wait3A_36 : memref<1x632x128xf32, #tpu.memory_space<hbm>> -> memref<632x128xf32, #tpu.memory_space<hbm>>
      %dma_wait3A_38 = arith.constant 0 : i32
      %dma_wait3A_39 = tpu.memref_slice %arg11[%min3A_29, %dma_wait3A_38] : memref<10240x128xf32, #tpu.memory_space<vmem_shared>> -> memref<632x128xf32, #tpu.memory_space<vmem_shared>>
      tpu.wait_dma2 semaphore(%run_scoped3A : memref<!tpu.dma_semaphore, #tpu.memory_space<semaphore_mem>>) src(%dma_wait3A_39 : memref<632x128xf32, #tpu.memory_space<vmem_shared>>) dst(%dma_wait3A_37 : memref<632x128xf32, #tpu.memory_space<hbm>>)
      tpu.yield
    }) : () -> ()
    return
  }
}

module attributes {stable_mosaic.version = 14 : i64} {
  func.func @_mid_body(%arg0: i32, %arg1: memref<1x2000x128xf32, #tpu.memory_space<vmem>>, %arg2: memref<1x2000x128xf32, #tpu.memory_space<vmem>>, %arg3: memref<2000x128xf32, #tpu.memory_space<vmem>>, %arg4: memref<1x1x2000xf32, #tpu.memory_space<vmem>>, %arg5: memref<1x128xf32, #tpu.memory_space<vmem>>, %arg6: memref<128x128xf32, #tpu.memory_space<vmem>>, %arg7: memref<2000x128xf32, #tpu.memory_space<vmem>>) attributes {dimension_semantics = [#tpu.dimension_semantics<arbitrary>], iteration_bounds = array<i64: 5>, scalar_prefetch = 0 : i64, scratch_operands = 0 : i64, tpu.core_type = #tpu.core_type<tc>, window_params = [{transform_indices = @transform_0, window_bounds = array<i64: 1, 2000, 128>}, {transform_indices = @transform_1, window_bounds = array<i64: 1, 2000, 128>}, {transform_indices = @transform_2, window_bounds = array<i64: 2000, 128>}, {transform_indices = @transform_3, window_bounds = array<i64: 1, 1, 2000>}, {pipeline_mode = #tpu.pipeline_mode<synchronous>, transform_indices = @transform_4, window_bounds = array<i64: 1, 128>}, {pipeline_mode = #tpu.pipeline_mode<synchronous>, transform_indices = @transform_5, window_bounds = array<i64: 128, 128>}, {transform_indices = @transform_6, window_bounds = array<i64: 2000, 128>}]} {
    %get3A = arith.constant 0 : index
    %get3A_0 = arith.constant 0 : index
    %get3A_1 = arith.constant 0 : index
    %get3A_2 = vector.load %arg4[%get3A, %get3A_0, %get3A_1] : memref<1x1x2000xf32, #tpu.memory_space<vmem>>, vector<1x1x2000xf32>
    %reshape3A = vector.shape_cast %get3A_2 : vector<1x1x2000xf32> to vector<2000x1xf32>
    %get3A_3 = arith.constant 0 : index
    %get3A_4 = arith.constant 0 : index
    %get3A_5 = arith.constant 0 : index
    %get3A_6 = vector.load %arg1[%get3A_3, %get3A_4, %get3A_5] : memref<1x2000x128xf32, #tpu.memory_space<vmem>>, vector<1x2000x128xf32>
    %get3A_7 = vector.shape_cast %get3A_6 : vector<1x2000x128xf32> to vector<2000x128xf32>
    %get3A_8 = arith.constant 0 : index
    %get3A_9 = arith.constant 0 : index
    %get3A_10 = arith.constant 0 : index
    %get3A_11 = vector.load %arg2[%get3A_8, %get3A_9, %get3A_10] : memref<1x2000x128xf32, #tpu.memory_space<vmem>>, vector<1x2000x128xf32>
    %get3A_12 = vector.shape_cast %get3A_11 : vector<1x2000x128xf32> to vector<2000x128xf32>
    %add3A = arith.addf %get3A_7, %get3A_12 : vector<2000x128xf32>
    %get3A_13 = arith.constant 0 : index
    %get3A_14 = arith.constant 0 : index
    %get3A_15 = vector.load %arg3[%get3A_13, %get3A_14] : memref<2000x128xf32, #tpu.memory_space<vmem>>, vector<2000x128xf32>
    %add3A_16 = arith.addf %add3A, %get3A_15 : vector<2000x128xf32>
    %mul3A = vector.broadcast %reshape3A : vector<2000x1xf32> to vector<2000x128xf32>
    %mul3A_17 = arith.mulf %mul3A, %add3A_16 : vector<2000x128xf32>
    %get3A_18 = arith.constant 0 : index
    %get3A_19 = arith.constant 0 : index
    %get3A_20 = vector.load %arg5[%get3A_18, %get3A_19] : memref<1x128xf32, #tpu.memory_space<vmem>>, vector<1x128xf32>
    %add3A_21 = vector.broadcast %get3A_20 : vector<1x128xf32> to vector<2000x128xf32>
    %add3A_22 = arith.addf %mul3A_17, %add3A_21 : vector<2000x128xf32>
    %gt3A = arith.constant 0.000000e+00 : f32
    %gt3A_23 = vector.broadcast %gt3A : f32 to vector<2000x128xf32>
    %gt3A_24 = arith.cmpf ogt, %add3A_22, %gt3A_23 : vector<2000x128xf32>
    %exp3A = math.exp %add3A_22 : vector<2000x128xf32>
    %sub3A = arith.constant 1.000000e+00 : f32
    %sub3A_25 = vector.broadcast %sub3A : f32 to vector<2000x128xf32>
    %sub3A_26 = arith.subf %exp3A, %sub3A_25 : vector<2000x128xf32>
    %select_n3A = arith.select %gt3A_24, %add3A_22, %sub3A_26 : vector<2000x128xi1>, vector<2000x128xf32>
    %get3A_27 = arith.constant 0 : index
    %get3A_28 = arith.constant 0 : index
    %get3A_29 = vector.load %arg6[%get3A_27, %get3A_28] : memref<128x128xf32, #tpu.memory_space<vmem>>, vector<128x128xf32>
    %dot_general3A = arith.constant dense<0.000000e+00> : vector<2000x128xf32>
    %dot_general3A_30 = tpu.matmul %select_n3A, %get3A_29, %dot_general3A {dimension_numbers = #tpu.dot_dimension_numbers<[1], [0], [0], [1], [0, 0, 1, 1], [], []>, transpose_lhs_hint = false} : vector<2000x128xf32>, vector<128x128xf32>, vector<2000x128xf32> -> vector<2000x128xf32>
    %mul3A_31 = vector.broadcast %reshape3A : vector<2000x1xf32> to vector<2000x128xf32>
    %mul3A_32 = arith.mulf %dot_general3A_30, %mul3A_31 : vector<2000x128xf32>
    %swap3A = arith.constant 0 : index
    %swap3A_33 = arith.constant 0 : index
    %swap3A_34 = vector.load %arg7[%swap3A, %swap3A_33] : memref<2000x128xf32, #tpu.memory_space<vmem>>, vector<2000x128xf32>
    tpu.vector_store %arg7[%swap3A, %swap3A_33], %mul3A_32 {strides = array<i32>} : memref<2000x128xf32, #tpu.memory_space<vmem>>, vector<2000x128xf32>,
    return
  }
  func.func @transform_0(%arg0: i32) -> (i32, i32, i32) {
    %c0_i32 = arith.constant 0 : i32
    %c0_i32_0 = arith.constant 0 : i32
    %c0_i32_1 = arith.constant 0 : i32
    return %c0_i32, %arg0, %c0_i32_0 : i32, i32, i32
  }
  func.func @transform_1(%arg0: i32) -> (i32, i32, i32) {
    %c1_i32 = arith.constant 1 : i32
    %c0_i32 = arith.constant 0 : i32
    %c0_i32_0 = arith.constant 0 : i32
    return %c1_i32, %arg0, %c0_i32 : i32, i32, i32
  }
  func.func @transform_2(%arg0: i32) -> (i32, i32) {
    %c0_i32 = arith.constant 0 : i32
    %c0_i32_0 = arith.constant 0 : i32
    return %arg0, %c0_i32 : i32, i32
  }
  func.func @transform_3(%arg0: i32) -> (i32, i32, i32) {
    %c0_i32 = arith.constant 0 : i32
    %c0_i32_0 = arith.constant 0 : i32
    %c0_i32_1 = arith.constant 0 : i32
    return %arg0, %c0_i32, %c0_i32_0 : i32, i32, i32
  }
  func.func @transform_4(%arg0: i32) -> (i32, i32) {
    %c0_i32 = arith.constant 0 : i32
    %c0_i32_0 = arith.constant 0 : i32
    %c0_i32_1 = arith.constant 0 : i32
    return %c0_i32, %c0_i32_0 : i32, i32
  }
  func.func @transform_5(%arg0: i32) -> (i32, i32) {
    %c0_i32 = arith.constant 0 : i32
    %c0_i32_0 = arith.constant 0 : i32
    %c0_i32_1 = arith.constant 0 : i32
    return %c0_i32, %c0_i32_0 : i32, i32
  }
  func.func @transform_6(%arg0: i32) -> (i32, i32) {
    %c0_i32 = arith.constant 0 : i32
    %c0_i32_0 = arith.constant 0 : i32
    return %arg0, %c0_i32 : i32, i32
  }
}

module attributes {stable_mosaic.version = 14 : i64} {
  func.func @_mm_body(%arg0: i32, %arg1: memref<2000x128xf32, #tpu.memory_space<vmem>>, %arg2: memref<128x128xf32, #tpu.memory_space<vmem>>, %arg3: memref<2000x128xf32, #tpu.memory_space<vmem>>) attributes {dimension_semantics = [#tpu.dimension_semantics<arbitrary>], iteration_bounds = array<i64: 5>, scalar_prefetch = 0 : i64, scratch_operands = 0 : i64, tpu.core_type = #tpu.core_type<tc>, window_params = [{transform_indices = @transform_0, window_bounds = array<i64: 2000, 128>}, {pipeline_mode = #tpu.pipeline_mode<synchronous>, transform_indices = @transform_1, window_bounds = array<i64: 128, 128>}, {transform_indices = @transform_2, window_bounds = array<i64: 2000, 128>}]} {
    %get3A = arith.constant 0 : index
    %get3A_0 = arith.constant 0 : index
    %get3A_1 = vector.load %arg1[%get3A, %get3A_0] : memref<2000x128xf32, #tpu.memory_space<vmem>>, vector<2000x128xf32>
    %get3A_2 = arith.constant 0 : index
    %get3A_3 = arith.constant 0 : index
    %get3A_4 = vector.load %arg2[%get3A_2, %get3A_3] : memref<128x128xf32, #tpu.memory_space<vmem>>, vector<128x128xf32>
    %dot_general3A = arith.constant dense<0.000000e+00> : vector<2000x128xf32>
    %dot_general3A_5 = tpu.matmul %get3A_1, %get3A_4, %dot_general3A {dimension_numbers = #tpu.dot_dimension_numbers<[1], [0], [0], [1], [0, 0, 1, 1], [], []>, transpose_lhs_hint = false} : vector<2000x128xf32>, vector<128x128xf32>, vector<2000x128xf32> -> vector<2000x128xf32>
    %swap3A = arith.constant 0 : index
    %swap3A_6 = arith.constant 0 : index
    %swap3A_7 = vector.load %arg3[%swap3A, %swap3A_6] : memref<2000x128xf32, #tpu.memory_space<vmem>>, vector<2000x128xf32>
    tpu.vector_store %arg3[%swap3A, %swap3A_6], %dot_general3A_5 {strides = array<i32>} : memref<2000x128xf32, #tpu.memory_space<vmem>>, vector<2000x128xf32>,
    return
  }
  func.func @transform_0(%arg0: i32) -> (i32, i32) {
    %c0_i32 = arith.constant 0 : i32
    %c0_i32_0 = arith.constant 0 : i32
    return %arg0, %c0_i32 : i32, i32
  }
  func.func @transform_1(%arg0: i32) -> (i32, i32) {
    %c0_i32 = arith.constant 0 : i32
    %c0_i32_0 = arith.constant 0 : i32
    %c0_i32_1 = arith.constant 0 : i32
    return %c0_i32, %c0_i32_0 : i32, i32
  }
  func.func @transform_2(%arg0: i32) -> (i32, i32) {
    %c0_i32 = arith.constant 0 : i32
    %c0_i32_0 = arith.constant 0 : i32
    return %arg0, %c0_i32 : i32, i32
  }
}

module attributes {stable_mosaic.version = 14 : i64} {
  func.func @_scale_body(%arg0: i32, %arg1: memref<2000x128xf32, #tpu.memory_space<vmem>>, %arg2: memref<1x1x2000xf32, #tpu.memory_space<vmem>>, %arg3: memref<2000x128xf32, #tpu.memory_space<vmem>>, %arg4: memref<1x1x2000xf32, #tpu.memory_space<vmem>>) attributes {dimension_semantics = [#tpu.dimension_semantics<arbitrary>], iteration_bounds = array<i64: 5>, scalar_prefetch = 0 : i64, scratch_operands = 0 : i64, tpu.core_type = #tpu.core_type<tc>, window_params = [{transform_indices = @transform_0, window_bounds = array<i64: 2000, 128>}, {transform_indices = @transform_1, window_bounds = array<i64: 1, 1, 2000>}, {transform_indices = @transform_2, window_bounds = array<i64: 2000, 128>}, {transform_indices = @transform_3, window_bounds = array<i64: 1, 1, 2000>}]} {
    %get3A = arith.constant 0 : index
    %get3A_0 = arith.constant 0 : index
    %get3A_1 = arith.constant 0 : index
    %get3A_2 = vector.load %arg2[%get3A, %get3A_0, %get3A_1] : memref<1x1x2000xf32, #tpu.memory_space<vmem>>, vector<1x1x2000xf32>
    %add3A = arith.constant 1.000000e+00 : f32
    %add3A_3 = vector.broadcast %add3A : f32 to vector<1x1x2000xf32>
    %add3A_4 = arith.addf %get3A_2, %add3A_3 : vector<1x1x2000xf32>
    %rsqrt3A = math.rsqrt %add3A_4 : vector<1x1x2000xf32>
    %get3A_5 = arith.constant 0 : index
    %get3A_6 = arith.constant 0 : index
    %get3A_7 = vector.load %arg1[%get3A_5, %get3A_6] : memref<2000x128xf32, #tpu.memory_space<vmem>>, vector<2000x128xf32>
    %reshape3A = vector.shape_cast %rsqrt3A : vector<1x1x2000xf32> to vector<2000x1xf32>
    %mul3A = vector.broadcast %reshape3A : vector<2000x1xf32> to vector<2000x128xf32>
    %mul3A_8 = arith.mulf %get3A_7, %mul3A : vector<2000x128xf32>
    %swap3A = arith.constant 0 : index
    %swap3A_9 = arith.constant 0 : index
    %swap3A_10 = vector.load %arg3[%swap3A, %swap3A_9] : memref<2000x128xf32, #tpu.memory_space<vmem>>, vector<2000x128xf32>
    tpu.vector_store %arg3[%swap3A, %swap3A_9], %mul3A_8 {strides = array<i32>} : memref<2000x128xf32, #tpu.memory_space<vmem>>, vector<2000x128xf32>,
    %swap3A_11 = arith.constant 0 : index
    %swap3A_12 = arith.constant 0 : index
    %swap3A_13 = arith.constant 0 : index
    %swap3A_14 = vector.load %arg4[%swap3A_11, %swap3A_12, %swap3A_13] : memref<1x1x2000xf32, #tpu.memory_space<vmem>>, vector<1x1x2000xf32>
    tpu.vector_store %arg4[%swap3A_11, %swap3A_12, %swap3A_13], %rsqrt3A {strides = array<i32>} : memref<1x1x2000xf32, #tpu.memory_space<vmem>>, vector<1x1x2000xf32>,
    return
  }
  func.func @transform_0(%arg0: i32) -> (i32, i32) {
    %c0_i32 = arith.constant 0 : i32
    %c0_i32_0 = arith.constant 0 : i32
    return %arg0, %c0_i32 : i32, i32
  }
  func.func @transform_1(%arg0: i32) -> (i32, i32, i32) {
    %c0_i32 = arith.constant 0 : i32
    %c0_i32_0 = arith.constant 0 : i32
    %c0_i32_1 = arith.constant 0 : i32
    return %arg0, %c0_i32, %c0_i32_0 : i32, i32, i32
  }
  func.func @transform_2(%arg0: i32) -> (i32, i32) {
    %c0_i32 = arith.constant 0 : i32
    %c0_i32_0 = arith.constant 0 : i32
    return %arg0, %c0_i32 : i32, i32
  }
  func.func @transform_3(%arg0: i32) -> (i32, i32, i32) {
    %c0_i32 = arith.constant 0 : i32
    %c0_i32_0 = arith.constant 0 : i32
    %c0_i32_1 = arith.constant 0 : i32
    return %arg0, %c0_i32, %c0_i32_0 : i32, i32, i32
  }
}

module attributes {stable_mosaic.version = 14 : i64} {
  func.func @_fin_body(%arg0: i32, %arg1: memref<1x2000x128xf32, #tpu.memory_space<vmem>>, %arg2: memref<1x2000x128xf32, #tpu.memory_space<vmem>>, %arg3: memref<2000x128xf32, #tpu.memory_space<vmem>>, %arg4: memref<1x1x2000xf32, #tpu.memory_space<vmem>>, %arg5: memref<1x128xf32, #tpu.memory_space<vmem>>, %arg6: memref<2000x128xf32, #tpu.memory_space<vmem>>) attributes {dimension_semantics = [#tpu.dimension_semantics<arbitrary>], iteration_bounds = array<i64: 5>, scalar_prefetch = 0 : i64, scratch_operands = 0 : i64, tpu.core_type = #tpu.core_type<tc>, window_params = [{transform_indices = @transform_0, window_bounds = array<i64: 1, 2000, 128>}, {transform_indices = @transform_1, window_bounds = array<i64: 1, 2000, 128>}, {transform_indices = @transform_2, window_bounds = array<i64: 2000, 128>}, {transform_indices = @transform_3, window_bounds = array<i64: 1, 1, 2000>}, {pipeline_mode = #tpu.pipeline_mode<synchronous>, transform_indices = @transform_4, window_bounds = array<i64: 1, 128>}, {transform_indices = @transform_5, window_bounds = array<i64: 2000, 128>}]} {
    %get3A = arith.constant 0 : index
    %get3A_0 = arith.constant 0 : index
    %get3A_1 = arith.constant 0 : index
    %get3A_2 = vector.load %arg4[%get3A, %get3A_0, %get3A_1] : memref<1x1x2000xf32, #tpu.memory_space<vmem>>, vector<1x1x2000xf32>
    %reshape3A = vector.shape_cast %get3A_2 : vector<1x1x2000xf32> to vector<2000x1xf32>
    %get3A_3 = arith.constant 0 : index
    %get3A_4 = arith.constant 0 : index
    %get3A_5 = arith.constant 0 : index
    %get3A_6 = vector.load %arg1[%get3A_3, %get3A_4, %get3A_5] : memref<1x2000x128xf32, #tpu.memory_space<vmem>>, vector<1x2000x128xf32>
    %get3A_7 = vector.shape_cast %get3A_6 : vector<1x2000x128xf32> to vector<2000x128xf32>
    %get3A_8 = arith.constant 0 : index
    %get3A_9 = arith.constant 0 : index
    %get3A_10 = arith.constant 0 : index
    %get3A_11 = vector.load %arg2[%get3A_8, %get3A_9, %get3A_10] : memref<1x2000x128xf32, #tpu.memory_space<vmem>>, vector<1x2000x128xf32>
    %get3A_12 = vector.shape_cast %get3A_11 : vector<1x2000x128xf32> to vector<2000x128xf32>
    %add3A = arith.addf %get3A_7, %get3A_12 : vector<2000x128xf32>
    %get3A_13 = arith.constant 0 : index
    %get3A_14 = arith.constant 0 : index
    %get3A_15 = vector.load %arg3[%get3A_13, %get3A_14] : memref<2000x128xf32, #tpu.memory_space<vmem>>, vector<2000x128xf32>
    %add3A_16 = arith.addf %add3A, %get3A_15 : vector<2000x128xf32>
    %mul3A = vector.broadcast %reshape3A : vector<2000x1xf32> to vector<2000x128xf32>
    %mul3A_17 = arith.mulf %mul3A, %add3A_16 : vector<2000x128xf32>
    %get3A_18 = arith.constant 0 : index
    %get3A_19 = arith.constant 0 : index
    %get3A_20 = vector.load %arg5[%get3A_18, %get3A_19] : memref<1x128xf32, #tpu.memory_space<vmem>>, vector<1x128xf32>
    %add3A_21 = vector.broadcast %get3A_20 : vector<1x128xf32> to vector<2000x128xf32>
    %add3A_22 = arith.addf %mul3A_17, %add3A_21 : vector<2000x128xf32>
    %swap3A = arith.constant 0 : index
    %swap3A_23 = arith.constant 0 : index
    %swap3A_24 = vector.load %arg6[%swap3A, %swap3A_23] : memref<2000x128xf32, #tpu.memory_space<vmem>>, vector<2000x128xf32>
    tpu.vector_store %arg6[%swap3A, %swap3A_23], %add3A_22 {strides = array<i32>} : memref<2000x128xf32, #tpu.memory_space<vmem>>, vector<2000x128xf32>,
    return
  }
  func.func @transform_0(%arg0: i32) -> (i32, i32, i32) {
    %c0_i32 = arith.constant 0 : i32
    %c0_i32_0 = arith.constant 0 : i32
    %c0_i32_1 = arith.constant 0 : i32
    return %c0_i32, %arg0, %c0_i32_0 : i32, i32, i32
  }
  func.func @transform_1(%arg0: i32) -> (i32, i32, i32) {
    %c1_i32 = arith.constant 1 : i32
    %c0_i32 = arith.constant 0 : i32
    %c0_i32_0 = arith.constant 0 : i32
    return %c1_i32, %arg0, %c0_i32 : i32, i32, i32
  }
  func.func @transform_2(%arg0: i32) -> (i32, i32) {
    %c0_i32 = arith.constant 0 : i32
    %c0_i32_0 = arith.constant 0 : i32
    return %arg0, %c0_i32 : i32, i32
  }
  func.func @transform_3(%arg0: i32) -> (i32, i32, i32) {
    %c0_i32 = arith.constant 0 : i32
    %c0_i32_0 = arith.constant 0 : i32
    %c0_i32_1 = arith.constant 0 : i32
    return %arg0, %c0_i32, %c0_i32_0 : i32, i32, i32
  }
  func.func @transform_4(%arg0: i32) -> (i32, i32) {
    %c0_i32 = arith.constant 0 : i32
    %c0_i32_0 = arith.constant 0 : i32
    %c0_i32_1 = arith.constant 0 : i32
    return %c0_i32, %c0_i32_0 : i32, i32
  }
  func.func @transform_5(%arg0: i32) -> (i32, i32) {
    %c0_i32 = arith.constant 0 : i32
    %c0_i32_0 = arith.constant 0 : i32
    return %arg0, %c0_i32 : i32, i32
  }
}

</mosaic_0001>

<sc_bundles>
// kernel: kernel.11.cloned.1.call-start
scs
__scs_entry_jumppad:
0x0: {  	(pc) =	sbr.rel $0x88, $3  }
0x1: {  	(tag) =	ssettag $0x0;
	lr =	simm.s32 $0x1  }
0x2: {  	[smem:$0x3F99] =	sst lr;
	_ =	strace $0xD0000000  }
0x3: {  	_ = 	snop  }
0x4: {  	_ = 	snop  }
0x5: {  	_ = 	snop  }
0x6: {  	_ = 	snop  }
0x7: {  	_ = 	snop  }
__scs_overlays_trampoline_lowered:
0x8: {  	[smem:$0x3FA8] =	sst s0  }
0x9: {  	[smem:$0x3FA9] =	sst s1  }
0xa: {  	[smem:$0x3FAA] =	sst s2  }
0xb: {  	[smem:$0x3FAB] =	sst s3  }
0xc: {  	[smem:$0x3FAC] =	sst s4  }
0xd: {  	[smem:$0x3FAD] =	sst s5  }
0xe: {  	[smem:$0x3FAE] =	sst s6  }
0xf: {  	[smem:$0x3FAF] =	sst s7  }
0x10: {  	[smem:$0x3FB0] =	sst s8  }
0x11: {  	[smem:$0x3FB1] =	sst s9;
	s0 =	simm.s32 @!p0 $0x0  }
0x12: {  	s1 =	sld [smem:$0x3F97];
	s0 =	simm.s32 @p0 $0x1  }
0x13: {  	[smem:$0x3FB2] =	sst s0;
	s0 =	simm.s32 @!p1 $0x0  }
0x14: {  	s2 =	sld [smem:$0x3F96];
	s0 =	simm.s32 @p1 $0x1  }
0x15: {  	[smem:$0x3FB3] =	sst s0;
	s0 =	simm.s32 @!p2 $0x0  }
0x16: {  	s3 =	sld [smem:$0x3FDB];
	s0 =	simm.s32 @p2 $0x1  }
0x17: {  	s4 =	simm.s32 $0x1BF5;
	[smem:$0x3FB5] =	sst s0  }
0x18: {  	s0 =	sld [smem:$0x3F98];
	_ =	swait.ge [sflag:s4], $0x0  }
0x19: {  	s7 =	sld [smem:$0x3F99]  }
0x1a: {  	s8 =	sadd.s32 $0xFFFFE003, lr  }
0x1b: {  	s9 =	sadd.s32 $0xFFFFFEF7, lr;
	s5 =	simm.s32 $0xFFFFFFFF;
	p2 =	slt.u32 s8, $0xFFFFF086  }
0x1c: {  	p1 =	slt.u32 s9, $0xF7A;
	s5 =	simm.s32 @!p2 $0x0  }
0x1d: {  	s5 =	simm.s32 @p1 $0x1;
	p0 =	seq.s32 s7, s2  }
0x1e: {  	s7 =	smul.u32 @!p0 $0xF7A, s2;
	p2 =	seq.s32 @!p0 s5, $0x0  }
0x1f: {  	s9 =	smul.u32 $0xF7A, s1;
	s8 =	simm.s32 @!p0 $0x1BF5;
	p2 =	por !p2, p0  }
0x20: {  	[sflag:s8] =	ssyncset.s32 @!p0 $0xFFFFF086;
	s6 =	sadd.s32 @!p0 s3, s7;
	s7 =	simm.s32 @!p0 $0x108  }
0x21: {  	s3 =	sadd.s32 s3, s9;
	s6 =	sadd.s32 @!p0 $0x88, s6;
	s7 =	simm.s32 @p2 $0x1082  }
0x22: {  	[simem:s7], [sflag:s8] =	dma.local @!p0 [hbm:s6], $0xF7A  }
0x23: {  	s9 =	sor.u32 $0xD0000000, s2;
	s6 =	simm.s32 $0x108;
	_ =	swait.ge @!p0 [sflag:s8], $0x0  }
0x24: {  	s3 =	sadd.s32 $0x88, s3;
	s6 =	simm.s32 @!p1 $0x1082;
	[sflag:s4] =	ssyncset.s32 $0xFFFFF086  }
0x25: {  	[simem:s6], [sflag:s4] =	dma.local [hbm:s3], $0xF7A  }
0x26: {  	[smem:$0x3F99] =	sst s1;
	(tag) =	ssettag s2;
	_ =	strace s9  }
0x27: {  	s1 =	sld [smem:$0x3FA9]  }
0x28: {  	s2 =	sld [smem:$0x3FAA]  }
0x29: {  	s4 =	sld [smem:$0x3FAC]  }
0x2a: {  	p0 =	seq.s32 s5, $0x0;
	s5 =	sld [smem:$0x3FAD]  }
0x2b: {  	s6 =	sld [smem:$0x3FAE]  }
0x2c: {  	s7 =	sld [smem:$0x3FAF]  }
0x2d: {  	s3 =	simm.s32 $0x108;
	s8 =	sld [smem:$0x3FB0]  }
0x2e: {  	s3 =	simm.s32 @!p0 $0x1082;
	s9 =	sld [smem:$0x3FB1]  }
0x2f: {  	lr =	sadd.s32 s0, s3;
	s0 =	sld [smem:$0x3FA8]  }
0x30: {  	s3 =	sld [smem:$0x3FAB]  }
0x31: {  	[smem:$0x3FB4] =	sst s10  }
0x32: {  	s10 =	sld [smem:$0x3FB2];
	_ =	sdelay $0x3  }
0x33: {  	p0 =	seq.s32 s10, $0x1;
	s10 =	sld [smem:$0x3FB4];
	_ =	sdelay $0x3  }
0x34: {  	[smem:$0x3FB4] =	sst s10  }
0x35: {  	s10 =	sld [smem:$0x3FB3];
	_ =	sdelay $0x3  }
0x36: {  	p1 =	seq.s32 s10, $0x1;
	s10 =	sld [smem:$0x3FB4];
	_ =	sdelay $0x3  }
0x37: {  	[smem:$0x3FB4] =	sst s10  }
0x38: {  	s10 =	sld [smem:$0x3FB5]  }
0x39: {  	_ = 	snop;
	(pc) =	sbr.ind lr, $3  }
0x3a: {  	_ = 	snop  }
0x3b: {  	_ = 	snop  }
0x3c: {  	p2 =	seq.s32 s10, $0x1;
	s10 =	sld [smem:$0x3FB4]  }
0x3d: {  	_ =	shalt  }
0x3e: {  	_ =	shalt  }
0x3f: {  	_ =	shalt  }
0x40: {  	_ =	shalt  }
0x41: {  	_ =	shalt  }
0x42: {  	_ =	shalt  }
0x43: {  	_ =	shalt  }
0x44: {  	_ =	shalt  }
0x45: {  	_ =	shalt  }
0x46: {  	_ =	shalt  }
0x47: {  	_ =	shalt  }
0x48: {  	_ =	shalt  }
0x49: {  	_ =	shalt  }
0x4a: {  	_ =	shalt  }
0x4b: {  	_ =	shalt  }
0x4c: {  	_ =	shalt  }
0x4d: {  	_ =	shalt  }
0x4e: {  	_ =	shalt  }
0x4f: {  	_ =	shalt  }
0x50: {  	_ =	shalt  }
0x51: {  	_ =	shalt  }
0x52: {  	_ =	shalt  }
0x53: {  	_ =	shalt  }
0x54: {  	_ =	shalt  }
0x55: {  	_ =	shalt  }
0x56: {  	_ =	shalt  }
0x57: {  	_ =	shalt  }
0x58: {  	_ =	shalt  }
0x59: {  	_ =	shalt  }
0x5a: {  	_ =	shalt  }
0x5b: {  	_ =	shalt  }
0x5c: {  	_ =	shalt  }
0x5d: {  	_ =	shalt  }
0x5e: {  	_ =	shalt  }
0x5f: {  	_ =	shalt  }
0x60: {  	_ =	shalt  }
0x61: {  	_ =	shalt  }
0x62: {  	_ =	shalt  }
0x63: {  	_ =	shalt  }
0x64: {  	_ =	shalt  }
0x65: {  	_ =	shalt  }
0x66: {  	_ =	shalt  }
0x67: {  	_ =	shalt  }
0x68: {  	_ =	shalt  }
0x69: {  	_ =	shalt  }
0x6a: {  	_ =	shalt  }
0x6b: {  	_ =	shalt  }
0x6c: {  	_ =	shalt  }
0x6d: {  	_ =	shalt  }
0x6e: {  	_ =	shalt  }
0x6f: {  	_ =	shalt  }
0x70: {  	_ =	shalt  }
0x71: {  	_ =	shalt  }
0x72: {  	_ =	shalt  }
0x73: {  	_ =	shalt  }
0x74: {  	_ =	shalt  }
0x75: {  	_ =	shalt  }
0x76: {  	_ =	shalt  }
0x77: {  	_ =	shalt  }
0x78: {  	_ =	shalt  }
0x79: {  	_ =	shalt  }
0x7a: {  	_ =	shalt  }
0x7b: {  	_ =	shalt  }
0x7c: {  	_ =	shalt  }
0x7d: {  	_ =	shalt  }
0x7e: {  	_ =	shalt  }
0x7f: {  	_ =	shalt  }
0x80: {  	_ =	shalt  }
0x81: {  	_ =	shalt  }
0x82: {  	_ =	shalt  }
0x83: {  	_ =	shalt  }
0x84: {  	_ =	shalt  }
0x85: {  	_ =	shalt  }
0x86: {  	_ =	shalt  }
0x87: {  	_ =	shalt  }
.Lfunc_end0:
.L_simem_size_0:
called_computation_lowered:
.L_overlay_start_0:
0x88: {  	s2 =	sld [smem:$0x3FD9]  }
0x89: {  	s3 =	sld [smem:$0x3FFE];
	_ =	sdelay $0x1  }
0x8a: {  	s1 =	srdreg.scid  }
0x8b: {  	s0 =	sand.u32 $0x1, s1  }
0x8c: {  	s17 =	sshll.u32 s0, $0xA;
	s2 =	sadd.s32 s3, s2  }
0x8d: {  	s2 =	sadd.s32 s2, s17  }
0x8e: {  	[smem:$0x3FC0] =	sst s2  }
0x8f: {  	_ = 	snop  }
0x90: {  	s2 =	sld [smem:$0x3FD0];
	(tm) =	ssettm $0x1  }
0x91: {  	s18 =	sld [smem:$0x3FFB];
	_ =	sdelay $0x3  }
0x92: {  	_ =	strace s18  }
0x93: {  	s3 =	sld [smem:$0x3FFC];
	_ =	sdelay $0x3  }
0x94: {  	_ =	strace s3  }
0x95: {  	s3 =	sld [smem:$0x3FFD];
	_ =	sdelay $0x3  }
0x96: {  	_ =	strace s3  }
0x97: {  	_ =	strace $0x8FFFFFFF  }
0x98: {  	s19 =	sld [smem:$0x3FDB];
	_ =	sdelay $0x1  }
0x99: {  	s4 =	simm.s32 $_scs_section_size  }
0x9a: {  	s5 =	simm.s32 $_size__tile_overlayer_lowered;
	s6 =	simm.s32 $_tile_overlayer_lowered  }
0x9b: {  	s22 =	simm.s32 $0x1BFF;
	s21 =	sshll.u32 s6, $0x1;
	s3 =	sadd.s32 s4, s19  }
0x9c: {  	s7 =	simm.s32 $0x0;
	s20 =	sshll.u32 s5, $0x1;
	s5 =	sadd.s32 s21, s3  }
0x9d: {  	[timem:s7], [sflag:s22] =	dma.local [hbm:s5], s20  }
0x9e: {  	_ =	swait.ge [sflag:s22], s20  }
0x9f: {  	s4 =	ssub.s32 $0x0, s20;
	[sflag:s22] =	ssyncset.done $0x0  }
0xa0: {  	[sflag:s22] =	ssyncadd.s32 s4;
	_ =	sdelay $0x1  }
0xa1: {  	s23 =	simm.s32 $0x1B8B  }
0xa2: {  	_ =	swait.ge [sflag:s23], $0x1  }
0xa3: {  	[sflag:s23] =	ssyncset.done $0x0  }
0xa4: {  	s25 =	simm.s32 $0x1B8E;
	s24 =	sld [smem:$0x3FFE];
	[sflag:s23] =	ssyncadd.s32 $0xFFFFFFFF  }
0xa5: {  	s26 =	simm.s32 $execute0_lowered;
	[smem:$0x3FD2] =	sst s25  }
0xa6: {  	s5 =	sshll.u32 s26, $0x1;
	_ =	strace $0x80000046;
	[dreg:$0x1] =	wrdreg $0xFFFFFFFF  }
0xa7: {  	s28 =	simm.s32 $_size_execute0_lowered;
	s3 =	sadd.s32 s3, s5;
	[dreg:$0x0] =	wrdreg $0x0  }
0xa8: {  	s5 =	sshll.u32 s28, $0x1;
	[dreg:$0x2] =	wrdreg s3  }
0xa9: {  	[dreg:$0x3] =	wrdreg s5  }
0xaa: {  	[dreg:$0x4] =	wrdreg $0xC0  }
0xab: {  	_ =	task [dreg:s7], $0x5FFFF  }
0xac: {  	[dreg:$0x1] =	wrdreg $0xFFFFFFFF  }
0xad: {  	[dreg:$0x0] =	wrdreg $0x60  }
0xae: {  	[dreg:$0x2] =	wrdreg s24  }
0xaf: {  	[dreg:$0x3] =	wrdreg s2  }
0xb0: {  	[dreg:$0x4] =	wrdreg $0x30800  }
0xb1: {  	[dreg:$0x5] =	wrdreg $0x9  }
0xb2: {  	_ =	task.clear_ibuf [dreg:s7], $0x6FFFF;
	_ =	strace $0x90000046  }
0xb3: {  	s29 =	simm.s32 $0x9;
	_ =	strace $0x80000048  }
0xb4: {  	_ =	swait.ge [sflag:s29], $0x1  }
0xb5: {  	[sflag:s29] =	ssyncadd.s32 $0xFFFFFFFF  }
0xb6: {  	_ =	strace $0x90000048  }
0xb7: {  	_ =	sfence  }
0xb8: {  	s30 =	sld [smem:$0x0];
	_ =	sdelay $0x2  }
0xb9: {  	s31 =	sshll.u32 s1, $0xD;
	s1 =	sshrl.u32 s1, $0x2  }
0xba: {  	s3 =	sand.u32 $0x4000, s31;
	s1 =	sadd.s32 s1, s30  }
0xbb: {  	s0 =	sor.u32 s3, s0;
	s1 =	sshll.u32 s1, $0x11  }
0xbc: {  	s0 =	sor.u32 s1, s0  }
0xbd: {  	s0 =	sadd.s32 $0x8F2B, s0  }
0xbe: {  	[sflag:s0] =	ssyncadd.remote.s32 $0x1  }
0xbf: {  	_ =	sfence.sel $0xFFFF  }
0xc0: {  	[dreg:$0x0] =	wrdreg $0xFFFFFFFF;
	(pc) =	sbr.abs _section_cstart, $3  }
0xc1: {  	[dreg:$0x1] =	wrdreg $0xFFFFFFFF  }
0xc2: {  	_ =	task.clear_ibuf [dreg:s7], $0x2FFFF;
	_ =	strace $0x9FFFFFFF  }
0xc3: {  	(tm) =	ssettm $0x7FFFFFFF  }
tec
execute0_lowered:
.L_overlay_start_1:
0x0: {  	(tag) =	ssettag $0x1  }
0x1: {  	s4 =	rddreg [dreg:$0x0]  }
0x2: {  	s0 =	srdreg.scid;
	s6 =	rddreg [dreg:$0x1]  }
0x3: {  	s2 =	rddreg [dreg:$0x2];
	s1 =	stileid.u32  }
0x4: {  	s3 =	simm.s32 $0x0;
	s13 =	simm.s32 $0x20;
	s14 =	simm.s32 $0x10  }
0x5: {  	s5 =	sand.u32 $0x1, s0;
	s0 =	rddreg [dreg:$0x3];
	s8 =	smul.u32 $0x280, s1  }
0x6: {  	s15 =	simm.s32 $0x0;
	[smem:$0x7FF] =	sst s3;
	s10 =	smul.u32 $0x500, s1  }
0x7: {  	s31 =	sshll.u32 s1, $0x6;
	s7 =	sshll.u32 s5, $0x4;
	_ =	strace $0x80000047  }
0x8: {  	s9 =	ssub.s32 $0x2, s5;
	s5 =	sshll.u32 s5, $0x7;
	s7 =	sor.u32 s1, s7  }
0x9: {  	s11 =	sshrl.u32 s8, $0x3;
	s12 =	sshrl.u32 s9, $0x1;
	s5 =	sor.u32 s5, s10  }
0xa: {  	s29 =	sadd.s32 s8, s2;
	s8 =	simm.s32 $0x1;
	s7 =	smul.u32 $0x600, s7  }
0xb: {  	s11 =	sadd.s32 s11, s4;
	s9 =	ssub.s32 s9, s12;
	s30 =	sshrl.u32 s5, $0x3  }
0xc: {  	s10 =	sshrl.u32 s29, $0x3;
	s12 =	simm.s32 $0x3000;
	s5 =	sadd.s32 $0xF200, s11  }
0xd: {  	s6 =	sadd.s32 s6, s30;
	s11 =	simm.s32 $0x80;
	s7 =	sadd.s32 s7, s4  }
0xe: {  	v0 =	vimm.f32 $1.000000000e+00;
	s4 =	sadd.s32 $0x3200, s7;
	s7 =	smax.u32 s9, $0x1;
	s9 =	sor.u32 $0x1C01, s31  }
.LBB2_1:
0xf: {  	[tilespmem:s3], [sflag:$0x1] =	stream.linear.gather [hbm4b:s4+s3], $0x3000, $0x38;
	[tilespmem:$0x3300] =	vst v63  }
0x10: {  	_ =	swait.ge [sflag:s8], $0x3000  }
0x11: {  	[sflag:s8] =	ssyncset.done $0x0  }
0x12: {  	[sflag:s8] =	ssyncadd.s32 $0xFFFFD000  }
0x13: {  	[spmem:s10], [sflag:s9] =	dma.local [hbm:s5], $0x50  }
0x14: {  	_ =	swait.ge [sflag:s8], $0x50  }
0x15: {  	[sflag:s8] =	ssyncset.done $0x0  }
0x16: {  	[sflag:s8] =	ssyncadd.s32 $0xFFFFFFB0  }
0x17: {  	[tilespmem:$0x3000] =	vst v0  }
0x18: {  	[tilespmem:$0x3010] =	vst v0  }
0x19: {  	[tilespmem:$0x3020] =	vst v0  }
0x1a: {  	[tilespmem:$0x3030] =	vst v0  }
0x1b: {  	[tilespmem:$0x3040] =	vst v0  }
0x1c: {  	[tilespmem:$0x3050] =	vst v0  }
0x1d: {  	[tilespmem:$0x3060] =	vst v0  }
0x1e: {  	[tilespmem:$0x3070] =	vst v0  }
0x1f: {  	s16 =	simm.s32 $0x0;
	[bflag:$0x0] =	sbarrier.arrive $0xFFFF  }
0x20: {  	[spmem:s2] =	stream.indirect.scatter.add.f32 [tilespmem:s12], [sflag:$0x1], $0x1, s16, s11, $0xb8;
	[tilespmem:$0x3300] =	vst v63  }
0x21: {  	_ =	swait.ge [sflag:s8], $0x80  }
0x22: {  	s16 =	simm.s32 $0x200;
	[sflag:s8] =	ssyncset.done $0x0  }
.LBB2_2:
0x23: {  	s17 =	sshra.s32 s16, $0x2;
	[sflag:s8] =	ssyncadd.s32 $0xFFFFFF80;
	p0 =	sne.s32 s16, $0x9E00  }
0x24: {  	[spmem:s2] =	stream.indirect.scatter.add.f32 [tilespmem:s12], [sflag:$0x1], $0x1, s17, s11, $0xb8;
	[tilespmem:$0x3300] =	vst v63  }
.Ltmp0:
0x25: {  	_ = 	snop;
	(pc) =	sbr.rel @p0 .LBB2_2-.Ltmp0, $4  }
0x26: {  	_ = 	snop  }
0x27: {  	s16 =	sadd.s32 $0x200, s16  }
0x28: {  	_ =	swait.ge [sflag:s8], $0x80  }
0x29: {  	[sflag:s8] =	ssyncset.done $0x0  }
0x2a: {  	s15 =	sadd.s32 $0x1, s15  }
0x2b: {  	[sflag:s8] =	ssyncadd.s32 $0xFFFFFF80;
	p0 =	sne.s32 s15, s7  }
.Ltmp1:
0x2c: {  	[bflag:$0x0] =	sbarrier.arrive $0xFFFF;
	(pc) =	sbr.rel @p0 .LBB2_1-.Ltmp1, $4  }
0x2d: {  	[hbm:s6@s13], [sflag:s9] =	dma.strided [spmem:s10@s14], $0x50, s8, $0x10   }
0x2e: {  	_ =	swait.ge [sflag:s8], $0x50  }
0x2f: {  	[sflag:s8] =	ssyncset.done $0x0  }
0x30: {  	[sflag:s8] =	ssyncadd.s32 $0xFFFFFFB0  }
0x31: {  	_ =	sfence.sel $0x180000  }
0x32: {  	[bflag:$0x0] =	sbarrier.arrive $0xFFFF  }
0x33: {  	p0 =	sne.s32 s1, $0x0;
	_ =	strace $0x90000047  }
0x34: {  	s0 =	sadd.s32 @!p0 $0x100000, s0;
	[bflag:$0x2] =	sbarrier.arrive $0xFFFF  }
0x35: {  	[sflag:s0] =	ssyncadd.tile.s32 @!p0 $0x1;
	_ =	shalt  }
.Lfunc_end2:
_tile_overlayer_lowered:
.L_overlay_start_2:
0x36: {  	(tag) =	ssettag $0x2  }
0x37: {  	s0 =	rddreg [dreg:$0x0];
	s2 =	stileid.u32  }
0x38: {  	s1 =	rddreg [dreg:$0x1];
	p0 =	sne.s32 s2, $0x0  }
0x39: {  	s3 =	rddreg [dreg:$0x2];
	[bflag:$0x3] =	sbarrier.arrive $0xFFFF;
	s2 =	simm.s32 @!p0 $0x1C01  }
0x3a: {  	[timem:s3], [sflag:s2] =	dma.local @!p0 [hbm:s0], s1  }
0x3b: {  	s0 =	simm.s32 @!p0 $0x1  }
0x3c: {  	_ =	swait.ge @!p0 [sflag:s0], s1  }
0x3d: {  	s1 =	ssub.s32 @!p0 $0x0, s1;
	[sflag:s0] =	ssyncset.done @!p0 $0x0  }
0x3e: {  	[sflag:s0] =	ssyncadd.s32 @!p0 s1  }
0x3f: {  	[bflag:$0x3] =	sbarrier.arrive $0xFFFF  }
0x40: {  	_ =	shalt  }

// kernel: kernel.14.cloned.1.call-start
scs
__scs_entry_jumppad:
0x0: {  	(pc) =	sbr.rel $0x88, $3  }
0x1: {  	(tag) =	ssettag $0x0;
	lr =	simm.s32 $0x1  }
0x2: {  	[smem:$0x3F99] =	sst lr;
	_ =	strace $0xD0000000  }
0x3: {  	_ = 	snop  }
0x4: {  	_ = 	snop  }
0x5: {  	_ = 	snop  }
0x6: {  	_ = 	snop  }
0x7: {  	_ = 	snop  }
__scs_overlays_trampoline_lowered:
0x8: {  	[smem:$0x3FA8] =	sst s0  }
0x9: {  	[smem:$0x3FA9] =	sst s1  }
0xa: {  	[smem:$0x3FAA] =	sst s2  }
0xb: {  	[smem:$0x3FAB] =	sst s3  }
0xc: {  	[smem:$0x3FAC] =	sst s4  }
0xd: {  	[smem:$0x3FAD] =	sst s5  }
0xe: {  	[smem:$0x3FAE] =	sst s6  }
0xf: {  	[smem:$0x3FAF] =	sst s7  }
0x10: {  	[smem:$0x3FB0] =	sst s8  }
0x11: {  	[smem:$0x3FB1] =	sst s9;
	s0 =	simm.s32 @!p0 $0x0  }
0x12: {  	s1 =	sld [smem:$0x3F97];
	s0 =	simm.s32 @p0 $0x1  }
0x13: {  	[smem:$0x3FB2] =	sst s0;
	s0 =	simm.s32 @!p1 $0x0  }
0x14: {  	s2 =	sld [smem:$0x3F96];
	s0 =	simm.s32 @p1 $0x1  }
0x15: {  	[smem:$0x3FB3] =	sst s0;
	s0 =	simm.s32 @!p2 $0x0  }
0x16: {  	s3 =	sld [smem:$0x3FDB];
	s0 =	simm.s32 @p2 $0x1  }
0x17: {  	s4 =	simm.s32 $0x1BF5;
	[smem:$0x3FB5] =	sst s0  }
0x18: {  	s0 =	sld [smem:$0x3F98];
	_ =	swait.ge [sflag:s4], $0x0  }
0x19: {  	s7 =	sld [smem:$0x3F99]  }
0x1a: {  	s8 =	sadd.s32 $0xFFFFE003, lr  }
0x1b: {  	s9 =	sadd.s32 $0xFFFFFEF7, lr;
	s5 =	simm.s32 $0xFFFFFFFF;
	p2 =	slt.u32 s8, $0xFFFFF086  }
0x1c: {  	p1 =	slt.u32 s9, $0xF7A;
	s5 =	simm.s32 @!p2 $0x0  }
0x1d: {  	s5 =	simm.s32 @p1 $0x1;
	p0 =	seq.s32 s7, s2  }
0x1e: {  	s7 =	smul.u32 @!p0 $0xF7A, s2;
	p2 =	seq.s32 @!p0 s5, $0x0  }
0x1f: {  	s9 =	smul.u32 $0xF7A, s1;
	s8 =	simm.s32 @!p0 $0x1BF5;
	p2 =	por !p2, p0  }
0x20: {  	[sflag:s8] =	ssyncset.s32 @!p0 $0xFFFFF086;
	s6 =	sadd.s32 @!p0 s3, s7;
	s7 =	simm.s32 @!p0 $0x108  }
0x21: {  	s3 =	sadd.s32 s3, s9;
	s6 =	sadd.s32 @!p0 $0x88, s6;
	s7 =	simm.s32 @p2 $0x1082  }
0x22: {  	[simem:s7], [sflag:s8] =	dma.local @!p0 [hbm:s6], $0xF7A  }
0x23: {  	s9 =	sor.u32 $0xD0000000, s2;
	s6 =	simm.s32 $0x108;
	_ =	swait.ge @!p0 [sflag:s8], $0x0  }
0x24: {  	s3 =	sadd.s32 $0x88, s3;
	s6 =	simm.s32 @!p1 $0x1082;
	[sflag:s4] =	ssyncset.s32 $0xFFFFF086  }
0x25: {  	[simem:s6], [sflag:s4] =	dma.local [hbm:s3], $0xF7A  }
0x26: {  	[smem:$0x3F99] =	sst s1;
	(tag) =	ssettag s2;
	_ =	strace s9  }
0x27: {  	s1 =	sld [smem:$0x3FA9]  }
0x28: {  	s2 =	sld [smem:$0x3FAA]  }
0x29: {  	s4 =	sld [smem:$0x3FAC]  }
0x2a: {  	p0 =	seq.s32 s5, $0x0;
	s5 =	sld [smem:$0x3FAD]  }
0x2b: {  	s6 =	sld [smem:$0x3FAE]  }
0x2c: {  	s7 =	sld [smem:$0x3FAF]  }
0x2d: {  	s3 =	simm.s32 $0x108;
	s8 =	sld [smem:$0x3FB0]  }
0x2e: {  	s3 =	simm.s32 @!p0 $0x1082;
	s9 =	sld [smem:$0x3FB1]  }
0x2f: {  	lr =	sadd.s32 s0, s3;
	s0 =	sld [smem:$0x3FA8]  }
0x30: {  	s3 =	sld [smem:$0x3FAB]  }
0x31: {  	[smem:$0x3FB4] =	sst s10  }
0x32: {  	s10 =	sld [smem:$0x3FB2];
	_ =	sdelay $0x3  }
0x33: {  	p0 =	seq.s32 s10, $0x1;
	s10 =	sld [smem:$0x3FB4];
	_ =	sdelay $0x3  }
0x34: {  	[smem:$0x3FB4] =	sst s10  }
0x35: {  	s10 =	sld [smem:$0x3FB3];
	_ =	sdelay $0x3  }
0x36: {  	p1 =	seq.s32 s10, $0x1;
	s10 =	sld [smem:$0x3FB4];
	_ =	sdelay $0x3  }
0x37: {  	[smem:$0x3FB4] =	sst s10  }
0x38: {  	s10 =	sld [smem:$0x3FB5]  }
0x39: {  	_ = 	snop;
	(pc) =	sbr.ind lr, $3  }
0x3a: {  	_ = 	snop  }
0x3b: {  	_ = 	snop  }
0x3c: {  	p2 =	seq.s32 s10, $0x1;
	s10 =	sld [smem:$0x3FB4]  }
0x3d: {  	_ =	shalt  }
0x3e: {  	_ =	shalt  }
0x3f: {  	_ =	shalt  }
0x40: {  	_ =	shalt  }
0x41: {  	_ =	shalt  }
0x42: {  	_ =	shalt  }
0x43: {  	_ =	shalt  }
0x44: {  	_ =	shalt  }
0x45: {  	_ =	shalt  }
0x46: {  	_ =	shalt  }
0x47: {  	_ =	shalt  }
0x48: {  	_ =	shalt  }
0x49: {  	_ =	shalt  }
0x4a: {  	_ =	shalt  }
0x4b: {  	_ =	shalt  }
0x4c: {  	_ =	shalt  }
0x4d: {  	_ =	shalt  }
0x4e: {  	_ =	shalt  }
0x4f: {  	_ =	shalt  }
0x50: {  	_ =	shalt  }
0x51: {  	_ =	shalt  }
0x52: {  	_ =	shalt  }
0x53: {  	_ =	shalt  }
0x54: {  	_ =	shalt  }
0x55: {  	_ =	shalt  }
0x56: {  	_ =	shalt  }
0x57: {  	_ =	shalt  }
0x58: {  	_ =	shalt  }
0x59: {  	_ =	shalt  }
0x5a: {  	_ =	shalt  }
0x5b: {  	_ =	shalt  }
0x5c: {  	_ =	shalt  }
0x5d: {  	_ =	shalt  }
0x5e: {  	_ =	shalt  }
0x5f: {  	_ =	shalt  }
0x60: {  	_ =	shalt  }
0x61: {  	_ =	shalt  }
0x62: {  	_ =	shalt  }
0x63: {  	_ =	shalt  }
0x64: {  	_ =	shalt  }
0x65: {  	_ =	shalt  }
0x66: {  	_ =	shalt  }
0x67: {  	_ =	shalt  }
0x68: {  	_ =	shalt  }
0x69: {  	_ =	shalt  }
0x6a: {  	_ =	shalt  }
0x6b: {  	_ =	shalt  }
0x6c: {  	_ =	shalt  }
0x6d: {  	_ =	shalt  }
0x6e: {  	_ =	shalt  }
0x6f: {  	_ =	shalt  }
0x70: {  	_ =	shalt  }
0x71: {  	_ =	shalt  }
0x72: {  	_ =	shalt  }
0x73: {  	_ =	shalt  }
0x74: {  	_ =	shalt  }
0x75: {  	_ =	shalt  }
0x76: {  	_ =	shalt  }
0x77: {  	_ =	shalt  }
0x78: {  	_ =	shalt  }
0x79: {  	_ =	shalt  }
0x7a: {  	_ =	shalt  }
0x7b: {  	_ =	shalt  }
0x7c: {  	_ =	shalt  }
0x7d: {  	_ =	shalt  }
0x7e: {  	_ =	shalt  }
0x7f: {  	_ =	shalt  }
0x80: {  	_ =	shalt  }
0x81: {  	_ =	shalt  }
0x82: {  	_ =	shalt  }
0x83: {  	_ =	shalt  }
0x84: {  	_ =	shalt  }
0x85: {  	_ =	shalt  }
0x86: {  	_ =	shalt  }
0x87: {  	_ =	shalt  }
.Lfunc_end0:
.L_simem_size_0:
called_computation.1_lowered:
.L_overlay_start_0:
0x88: {  	s2 =	sld [smem:$0x3FD9]  }
0x89: {  	s3 =	sld [smem:$0x3FFE];
	_ =	sdelay $0x1  }
0x8a: {  	s1 =	srdreg.scid  }
0x8b: {  	s0 =	sand.u32 $0x1, s1  }
0x8c: {  	s17 =	sshll.u32 s0, $0xA;
	s2 =	sadd.s32 s3, s2  }
0x8d: {  	s2 =	sadd.s32 s2, s17  }
0x8e: {  	[smem:$0x3FC0] =	sst s2  }
0x8f: {  	_ = 	snop  }
0x90: {  	s2 =	sld [smem:$0x3FD0];
	(tm) =	ssettm $0x1  }
0x91: {  	s18 =	sld [smem:$0x3FFB];
	_ =	sdelay $0x3  }
0x92: {  	_ =	strace s18  }
0x93: {  	s3 =	sld [smem:$0x3FFC];
	_ =	sdelay $0x3  }
0x94: {  	_ =	strace s3  }
0x95: {  	s3 =	sld [smem:$0x3FFD];
	_ =	sdelay $0x3  }
0x96: {  	_ =	strace s3  }
0x97: {  	_ =	strace $0x8FFFFFFF  }
0x98: {  	s19 =	sld [smem:$0x3FDB];
	_ =	sdelay $0x1  }
0x99: {  	s4 =	simm.s32 $_scs_section_size  }
0x9a: {  	s5 =	simm.s32 $_size__tile_overlayer_lowered;
	s6 =	simm.s32 $_tile_overlayer_lowered  }
0x9b: {  	s22 =	simm.s32 $0x1BFF;
	s21 =	sshll.u32 s6, $0x1;
	s3 =	sadd.s32 s4, s19  }
0x9c: {  	s7 =	simm.s32 $0x0;
	s20 =	sshll.u32 s5, $0x1;
	s5 =	sadd.s32 s21, s3  }
0x9d: {  	[timem:s7], [sflag:s22] =	dma.local [hbm:s5], s20  }
0x9e: {  	_ =	swait.ge [sflag:s22], s20  }
0x9f: {  	s4 =	ssub.s32 $0x0, s20;
	[sflag:s22] =	ssyncset.done $0x0  }
0xa0: {  	[sflag:s22] =	ssyncadd.s32 s4;
	_ =	sdelay $0x1  }
0xa1: {  	s23 =	simm.s32 $0x1B8B  }
0xa2: {  	_ =	swait.ge [sflag:s23], $0x1  }
0xa3: {  	[sflag:s23] =	ssyncset.done $0x0  }
0xa4: {  	s25 =	simm.s32 $0x1B8E;
	s24 =	sld [smem:$0x3FFE];
	[sflag:s23] =	ssyncadd.s32 $0xFFFFFFFF  }
0xa5: {  	s26 =	simm.s32 $execute0_lowered;
	[smem:$0x3FD2] =	sst s25  }
0xa6: {  	s5 =	sshll.u32 s26, $0x1;
	_ =	strace $0x80000049;
	[dreg:$0x1] =	wrdreg $0xFFFFFFFF  }
0xa7: {  	s28 =	simm.s32 $_size_execute0_lowered;
	s3 =	sadd.s32 s3, s5;
	[dreg:$0x0] =	wrdreg $0x0  }
0xa8: {  	s5 =	sshll.u32 s28, $0x1;
	[dreg:$0x2] =	wrdreg s3  }
0xa9: {  	[dreg:$0x3] =	wrdreg s5  }
0xaa: {  	[dreg:$0x4] =	wrdreg $0xC0  }
0xab: {  	_ =	task [dreg:s7], $0x5FFFF  }
0xac: {  	[dreg:$0x1] =	wrdreg $0xFFFFFFFF  }
0xad: {  	[dreg:$0x0] =	wrdreg $0x60  }
0xae: {  	[dreg:$0x2] =	wrdreg s2  }
0xaf: {  	[dreg:$0x3] =	wrdreg s24  }
0xb0: {  	[dreg:$0x4] =	wrdreg $0xB0000  }
0xb1: {  	[dreg:$0x5] =	wrdreg $0x9  }
0xb2: {  	_ =	task.clear_ibuf [dreg:s7], $0x6FFFF;
	_ =	strace $0x90000049  }
0xb3: {  	s29 =	simm.s32 $0x9;
	_ =	strace $0x8000004B  }
0xb4: {  	_ =	swait.ge [sflag:s29], $0x1  }
0xb5: {  	[sflag:s29] =	ssyncadd.s32 $0xFFFFFFFF  }
0xb6: {  	_ =	strace $0x9000004B  }
0xb7: {  	_ =	sfence  }
0xb8: {  	s30 =	sld [smem:$0x0];
	_ =	sdelay $0x2  }
0xb9: {  	s31 =	sshll.u32 s1, $0xD;
	s1 =	sshrl.u32 s1, $0x2  }
0xba: {  	s3 =	sand.u32 $0x4000, s31;
	s1 =	sadd.s32 s1, s30  }
0xbb: {  	s0 =	sor.u32 s3, s0;
	s1 =	sshll.u32 s1, $0x11  }
0xbc: {  	s0 =	sor.u32 s1, s0  }
0xbd: {  	s0 =	sadd.s32 $0x8F2B, s0  }
0xbe: {  	[sflag:s0] =	ssyncadd.remote.s32 $0x1  }
0xbf: {  	_ =	sfence.sel $0xFFFF  }
0xc0: {  	[dreg:$0x0] =	wrdreg $0xFFFFFFFF;
	(pc) =	sbr.abs _section_cstart, $3  }
0xc1: {  	[dreg:$0x1] =	wrdreg $0xFFFFFFFF  }
0xc2: {  	_ =	task.clear_ibuf [dreg:s7], $0x2FFFF;
	_ =	strace $0x9FFFFFFF  }
0xc3: {  	(tm) =	ssettm $0x7FFFFFFF  }
tec
execute0_lowered:
.L_overlay_start_1:
0x0: {  	(tag) =	ssettag $0x1  }
0x1: {  	s2 =	rddreg [dreg:$0x0]  }
0x2: {  	s0 =	rddreg [dreg:$0x1]  }
0x3: {  	s3 =	rddreg [dreg:$0x2]  }
0x4: {  	s11 =	stileid.u32;
	s1 =	srdreg.scid  }
0x5: {  	s4 =	simm.s32 $0x0;
	s16 =	simm.s32 $0x6;
	s18 =	simm.s32 $0x80  }
0x6: {  	s19 =	simm.s32 $0x3000;
	s31 =	simm.s32 $0xFFFFFFFF;
	s28 =	simm.s32 $0x3  }
0x7: {  	s5 =	smul.u32 $0x278, s11;
	s1 =	sand.u32 $0x1, s1;
	[smem:$0x7FF] =	sst s4  }
0x8: {  	s6 =	sadd.s32 $0x3200, s0;
	s8 =	sadd.s32 $0x1B800, s0;
	s9 =	smul.u32 $0x50000, s11  }
0x9: {  	s23 =	sshll.u32 s11, $0x6;
	_ =	strace $0x8000004A;
	[dreg:$0x5] =	wrdreg s8  }
0xa: {  	s7 =	smul.u32 $0x138800, s1;
	s20 =	sshll.u32 s1, $0x4;
	[dreg:$0x6] =	wrdreg s23  }
0xb: {  	s1 =	ssub.s32 $0x2, s1;
	[dreg:$0x4] =	wrdreg s31;
	s5 =	smin.u32 s5, $0x2498  }
0xc: {  	s8 =	sor.u32 s11, s20;
	s21 =	sshrl.u32 s1, $0x1;
	s22 =	sshrl.u32 s9, $0x2  }
0xd: {  	s9 =	sor.u32 $0x1C05, s23;
	s20 =	simm.s32 $0x5;
	s10 =	sshll.u32 s5, $0x7  }
0xe: {  	s5 =	sadd.s32 $0xF800, s0;
	s8 =	smul.u32 $0x3000, s8;
	s1 =	ssub.s32 s1, s21  }
0xf: {  	[dreg:$0x7] =	wrdreg s9;
	s21 =	simm.s32 $0x7000;
	s7 =	sadd.s32 s7, s10  }
0x10: {  	s29 =	sadd.s32 s10, s3;
	s1 =	smax.u32 s1, $0x1;
	s24 =	sshrl.u32 s8, $0x3  }
0x11: {  	s7 =	sshrl.u32 s7, $0x3;
	[dreg:$0xb] =	wrdreg s1;
	s25 =	sadd.s32 s5, s24  }
0x12: {  	s0 =	sadd.s32 s7, s0;
	s26 =	sadd.s32 s6, s24;
	[dreg:$0x8] =	wrdreg s25  }
0x13: {  	s7 =	sadd.s32 s22, s3;
	[dreg:$0x9] =	wrdreg s26;
	s0 =	sadd.s32 $0x1E000, s0  }
0x14: {  	s1 =	simm.s32 $0x0;
	s30 =	sshrl.u32 s7, $0x3;
	[dreg:$0xa] =	wrdreg s0  }
0x15: {  	s22 =	simm.s32 $0x2;
	[dreg:$0xc] =	wrdreg s30;
	s0 =	sshrl.u32 s29, $0x3  }
0x16: {  	s24 =	simm.s32 $0x4;
	s26 =	simm.s32 $0x1;
	[dreg:$0xd] =	wrdreg s0  }
.LBB2_1:
0x17: {  	s0 =	rddreg [dreg:$0x5]  }
0x18: {  	s7 =	rddreg [dreg:$0x7]  }
0x19: {  	s9 =	rddreg [dreg:$0xc]  }
0x1a: {  	[spmem:s9], [sflag:s7] =	dma.local [hbm:s0], $0x2800  }
0x1b: {  	s0 =	rddreg [dreg:$0x8]  }
0x1c: {  	[tilespmem:s4], [sflag:$0x6] =	stream.linear.gather [hbm4b:s0+s4], $0x1800, $0x38;
	[tilespmem:$0x1F000] =	vst v63  }
0x1d: {  	_ =	swait.ge [sflag:s16], $0x1800  }
0x1e: {  	[sflag:s16] =	ssyncset.done $0x0  }
0x1f: {  	s12 =	simm.s32 $0x1800;
	s11 =	rddreg [dreg:$0x9];
	[sflag:s16] =	ssyncadd.s32 $0xFFFFE800  }
0x20: {  	[tilespmem:s12], [sflag:$0x6] =	stream.linear.gather [hbm4b:s11+s4], $0x1800, $0x38;
	[tilespmem:$0x1F000] =	vst v63  }
0x21: {  	_ =	swait.ge [sflag:s16], $0x1800  }
0x22: {  	[sflag:s16] =	ssyncset.done $0x0  }
0x23: {  	[sflag:s16] =	ssyncadd.s32 $0xFFFFE800  }
0x24: {  	[tilespmem:s19], [sflag:$0x1] =	stream.indirect.gather [hbm4b:s2+s18], $0x80, s4, s18, $0xb8;
	[tilespmem:$0x1F000] =	vst v63  }
0x25: {  	_ =	swait.ge [sflag:s20], $0x2800  }
0x26: {  	[sflag:s20] =	ssyncset.done $0x0  }
0x27: {  	[sflag:s20] =	ssyncadd.s32 $0xFFFFD800  }
0x28: {  	[bflag:$0x0] =	sbarrier.arrive $0xFFFF  }
0x29: {  	[tilespmem:s21], [sflag:$0x2] =	stream.indirect.gather [hbm4b:s2+s18], $0x80, s18, s18, $0xb8;
	[tilespmem:$0x1F000] =	vst v63  }
0x2a: {  	_ =	swait.ge [sflag:s26], $0x4000  }
0x2b: {  	[sflag:s26] =	ssyncset.done $0x0  }
0x2c: {  	[sflag:s26] =	ssyncadd.s32 $0xFFFFC000  }
0x2d: {  	[spmem:s3] =	stream.indirect.scatter.add.f32 [tilespmem:s19], [sflag:$0x3], $0x80, s12, s18, $0xb8;
	[tilespmem:$0x1F000] =	vst v63  }
0x2e: {  	_ =	swait.ge [sflag:s28], $0x4000  }
0x2f: {  	[sflag:s28] =	ssyncset.done $0x0  }
0x30: {  	s0 =	simm.s32 $0x100;
	[sflag:s28] =	ssyncadd.s32 $0xFFFFC000  }
0x31: {  	[tilespmem:s19], [sflag:$0x1] =	stream.indirect.gather [hbm4b:s2+s18], $0x80, s0, s18, $0xb8;
	[tilespmem:$0x1F000] =	vst v63  }
0x32: {  	p1 =	por $0x1, $0x1;
	_ =	swait.ge [sflag:s22], $0x4000  }
0x33: {  	p0 =	por p1, p1;
	[sflag:s22] =	ssyncset.done $0x0;
	s7 =	rddreg [dreg:$0x4]  }
0x34: {  	s13 =	simm.s32 $0x1880;
	[sflag:s22] =	ssyncadd.s32 $0xFFFFC000;
	s7 =	simm.s32 @!p0 $0xFFFFFFCF  }
0x35: {  	[spmem:s3] =	stream.indirect.scatter.add.f32 [tilespmem:s21], [sflag:$0x4], $0x80, s13, s18, $0xb8;
	[tilespmem:$0x1F000] =	vst v63  }
0x36: {  	s7 =	sadd.s32 $0x3, s7  }
0x37: {  	p0 =	sne.s32 s7, $0x0  }
0x38: {  	s10 =	sand.u32 @!p0 $0x3C00, s0  }
0x39: {  	s0 =	sand.u32 @!p0 $0x300, s0;
	s10 =	sadd.s32 @!p0 s8, s10  }
0x3a: {  	_ =	swait.ge [sflag:s24], $0x4000;
	s0 =	sor.u32 @!p0 s0, s10  }
0x3b: {  	[sflag:s24] =	ssyncset.done $0x0;
	s11 =	simm.s32 @!p0 $0x0;
	s0 =	sshrl.u32 @!p0 s0, $0x3  }
0x3c: {  	[sflag:s24] =	ssyncadd.s32 $0xFFFFC000;
	s10 =	simm.s32 @!p0 $0x6;
	s12 =	sadd.s32 @!p0 s5, s0  }
0x3d: {  	[tilespmem:s11], [sflag:$0x6] =	stream.linear.gather @!p0 [hbm4b:s12+s11], $0x1800, $0x38;
	[tilespmem:$0x1F000] =	vst v63  }
0x3e: {  	_ =	swait.ge @!p0 [sflag:s10], $0x1800  }
0x3f: {  	s30 =	simm.s32 $0x5;
	s31 =	simm.s32 $0x7;
	[sflag:s10] =	ssyncset.done @!p0 $0x0  }
0x40: {  	s13 =	simm.s32 @!p0 $0x1800;
	s0 =	sadd.s32 @!p0 s6, s0;
	[sflag:s10] =	ssyncadd.s32 @!p0 $0xFFFFE800  }
0x41: {  	[tilespmem:s13], [sflag:$0x6] =	stream.linear.gather @!p0 [hbm4b:s0+s11], $0x1800, $0x38;
	[tilespmem:$0x1F000] =	vst v63  }
0x42: {  	s14 =	sshll.u32 s7, $0x7;
	s7 =	simm.s32 @!p0 $0x80;
	_ =	swait.ge @!p0 [sflag:s10], $0x1800  }
0x43: {  	s17 =	simm.s32 @!p0 $0x3000;
	s12 =	simm.s32 $0xFFFFFFD3;
	[sflag:s10] =	ssyncset.done @!p0 $0x0  }
0x44: {  	s15 =	sand.u32 $0x3FFFFF80, s14;
	s12 =	smov.u32 @p1 s28;
	[sflag:s10] =	ssyncadd.s32 @!p0 $0xFFFFE800  }
0x45: {  	[tilespmem:s17], [sflag:$0x1] =	stream.indirect.gather @!p0 [hbm4b:s2+s7], $0x80, s11, s7, $0xb8;
	[tilespmem:$0x1F000] =	vst v63  }
0x46: {  	s23 =	sadd.s32 $0x80, s15;
	p1 =	sgt.u32 s12, $0x2E;
	s13 =	sshll.u32 s12, $0x9  }
0x47: {  	[tilespmem:s21], [sflag:$0x2] =	stream.indirect.gather [hbm4b:s2+s18], $0x80, s23, s18, $0xb8;
	[tilespmem:$0x1F000] =	vst v63  }
0x48: {  	s0 =	simm.s32 $0xFFFFFFD5;
	s12 =	simm.s32 @!p1 $0x3000;
	_ =	swait.ge [sflag:s26], $0x4000  }
0x49: {  	s25 =	sshrl.u32 s13, $0x2;
	s10 =	sadd.s32 $0x1800, s15;
	[sflag:s26] =	ssyncset.done $0x0  }
0x4a: {  	p0 =	por $0x1, $0x1;
	s11 =	sshrl.u32 @!p1 s13, $0x2;
	[sflag:s26] =	ssyncadd.s32 $0xFFFFC000  }
0x4b: {  	[spmem:s3] =	stream.indirect.scatter.add.f32 [tilespmem:s19], [sflag:$0x3], $0x80, s10, s18, $0xb8;
	[tilespmem:$0x1F000] =	vst v63  }
0x4c: {  	s7 =	simm.s32 $0x200;
	s0 =	smov.u32 @p0 s30;
	_ =	swait.ge [sflag:s28], $0x4000  }
0x4d: {  	p0 =	por p0, p0;
	s11 =	sadd.s32 @!p1 $0x80, s11;
	[sflag:s28] =	ssyncset.done $0x0  }
0x4e: {  	s23 =	sshll.u32 s0, $0x9;
	s10 =	simm.s32 @!p1 $0x80;
	[sflag:s28] =	ssyncadd.s32 $0xFFFFC000  }
0x4f: {  	[tilespmem:s12], [sflag:$0x1] =	stream.indirect.gather @!p1 [hbm4b:s2+s10], $0x80, s11, s10, $0xb8;
	[tilespmem:$0x1F000] =	vst v63  }
0x50: {  	s29 =	sshrl.u32 s23, $0x2;
	s12 =	sadd.s32 $0x1800, s25;
	_ =	swait.ge [sflag:s22], $0x4000  }
0x51: {  	s10 =	simm.s32 $0x3;
	s17 =	rddreg [dreg:$0x4];
	[sflag:s22] =	ssyncset.done $0x0  }
.LBB2_2:
0x52: {  	[sflag:s22] =	ssyncadd.s32 $0xFFFFC000;
	s17 =	simm.s32 @!p0 $0xFFFFFFCF  }
0x53: {  	[spmem:s3] =	stream.indirect.scatter.add.f32 [tilespmem:s21], [sflag:$0x4], $0x80, s12, s18, $0xb8;
	[tilespmem:$0x1F000] =	vst v63  }
0x54: {  	p3 =	slt.u32 s10, $0x18;
	s17 =	sadd.s32 s17, s30  }
0x55: {  	s13 =	sadd.s32 $0xFFFFFFD0, s31;
	s14 =	smov.u32 s31;
	p2 =	sne.s32 s17, $0x0  }
0x56: {  	s13 =	smov.u32 @p3 s14;
	s30 =	smov.u32 s14;
	s15 =	sand.u32 @!p2 $0x3C00, s7  }
0x57: {  	_ =	swait.ge [sflag:s24], $0x4000;
	s9 =	sand.u32 @!p2 $0x300, s7;
	s14 =	sadd.s32 @!p2 s8, s15  }
0x58: {  	[sflag:s24] =	ssyncset.done $0x0;
	s9 =	sor.u32 @!p2 s9, s14  }
0x59: {  	[sflag:s24] =	ssyncadd.s32 $0xFFFFC000;
	s9 =	sshrl.u32 @!p2 s9, $0x3  }
0x5a: {  	s15 =	simm.s32 @!p2 $0x0;
	s14 =	simm.s32 @!p2 $0x6;
	s25 =	sadd.s32 @!p2 s5, s9  }
0x5b: {  	[tilespmem:s15], [sflag:$0x6] =	stream.linear.gather @!p2 [hbm4b:s25+s15], $0x1800, $0x38;
	[tilespmem:$0x1F000] =	vst v63  }
0x5c: {  	_ =	swait.ge @!p2 [sflag:s14], $0x1800  }
0x5d: {  	[sflag:s14] =	ssyncset.done @!p2 $0x0  }
0x5e: {  	s9 =	sadd.s32 @!p2 s6, s9;
	s25 =	simm.s32 @!p2 $0x1800;
	[sflag:s14] =	ssyncadd.s32 @!p2 $0xFFFFE800  }
0x5f: {  	[tilespmem:s25], [sflag:$0x6] =	stream.linear.gather @!p2 [hbm4b:s9+s15], $0x1800, $0x38;
	[tilespmem:$0x1F000] =	vst v63  }
0x60: {  	s11 =	smov.u32 s29;
	_ =	swait.ge @!p2 [sflag:s14], $0x1800  }
0x61: {  	s17 =	sshll.u32 s17, $0x7;
	s9 =	simm.s32 @!p2 $0x80;
	[sflag:s14] =	ssyncset.done @!p2 $0x0  }
0x62: {  	s25 =	simm.s32 @!p2 $0x3000;
	[sflag:s14] =	ssyncadd.s32 @!p2 $0xFFFFE800;
	s14 =	sand.u32 $0x3FFFFF80, s17  }
0x63: {  	[tilespmem:s25], [sflag:$0x1] =	stream.indirect.gather @!p2 [hbm4b:s2+s9], $0x80, s15, s9, $0xb8;
	[tilespmem:$0x1F000] =	vst v63  }
0x64: {  	s31 =	sadd.s32 $0x2, s31;
	s10 =	sadd.s32 $0x1, s10;
	s17 =	sadd.s32 $0x80, s14  }
0x65: {  	[tilespmem:s21], [sflag:$0x2] =	stream.indirect.gather [hbm4b:s2+s18], $0x80, s17, s18, $0xb8;
	[tilespmem:$0x1F000] =	vst v63  }
0x66: {  	p1 =	sne.s32 s31, $0x4F;
	s12 =	sshll.u32 s13, $0x9;
	_ =	swait.ge [sflag:s26], $0x4000  }
0x67: {  	p0 =	por p3, p3;
	s29 =	sshrl.u32 s12, $0x2;
	[sflag:s26] =	ssyncset.done $0x0  }
0x68: {  	s25 =	sadd.s32 $0x1800, s14;
	p2 =	sgt.u32 s0, $0x2E;
	[sflag:s26] =	ssyncadd.s32 $0xFFFFC000  }
0x69: {  	[spmem:s3] =	stream.indirect.scatter.add.f32 [tilespmem:s19], [sflag:$0x3], $0x80, s25, s18, $0xb8;
	[tilespmem:$0x1F000] =	vst v63  }
0x6a: {  	s0 =	smov.u32 s13;
	s9 =	simm.s32 @!p2 $0x80;
	_ =	swait.ge [sflag:s28], $0x4000  }
.Ltmp0:
0x6b: {  	s14 =	sshrl.u32 @!p2 s23, $0x2;
	[sflag:s28] =	ssyncset.done $0x0;
	(pc) =	sbr.rel @p1 .LBB2_2-.Ltmp0, $4  }
0x6c: {  	s13 =	simm.s32 @!p2 $0x3000;
	s14 =	sadd.s32 @!p2 $0x80, s14;
	[sflag:s28] =	ssyncadd.s32 $0xFFFFC000  }
0x6d: {  	[tilespmem:s13], [sflag:$0x1] =	stream.indirect.gather @!p2 [hbm4b:s2+s9], $0x80, s14, s9, $0xb8;
	[tilespmem:$0x1F000] =	vst v63  }
0x6e: {  	s7 =	sadd.s32 $0x100, s7;
	s23 =	smov.u32 s12;
	_ =	swait.ge [sflag:s22], $0x4000  }
0x6f: {  	s12 =	sadd.s32 $0x1800, s11;
	s17 =	rddreg [dreg:$0x4];
	[sflag:s22] =	ssyncset.done $0x0  }
0x70: {  	[sflag:s22] =	ssyncadd.s32 $0xFFFFC000;
	s17 =	simm.s32 @!p0 $0xFFFFFFCF  }
0x71: {  	[spmem:s3] =	stream.indirect.scatter.add.f32 [tilespmem:s21], [sflag:$0x4], $0x80, s12, s18, $0xb8;
	[tilespmem:$0x1F000] =	vst v63  }
0x72: {  	s9 =	sadd.s32 s17, s30  }
0x73: {  	p0 =	sne.s32 s9, $0x0  }
0x74: {  	s10 =	sand.u32 @!p0 $0x3C00, s7  }
0x75: {  	s7 =	sand.u32 @!p0 $0x300, s7;
	s10 =	sadd.s32 @!p0 s8, s10  }
0x76: {  	_ =	swait.ge [sflag:s24], $0x4000;
	s7 =	sor.u32 @!p0 s7, s10  }
0x77: {  	[sflag:s24] =	ssyncset.done $0x0;
	s11 =	simm.s32 @!p0 $0x0;
	s7 =	sshrl.u32 @!p0 s7, $0x3  }
0x78: {  	[sflag:s24] =	ssyncadd.s32 $0xFFFFC000;
	s10 =	simm.s32 @!p0 $0x6;
	s12 =	sadd.s32 @!p0 s5, s7  }
0x79: {  	[tilespmem:s11], [sflag:$0x6] =	stream.linear.gather @!p0 [hbm4b:s12+s11], $0x1800, $0x38;
	[tilespmem:$0x1F000] =	vst v63  }
0x7a: {  	_ =	swait.ge @!p0 [sflag:s10], $0x1800  }
0x7b: {  	[sflag:s10] =	ssyncset.done @!p0 $0x0  }
0x7c: {  	s7 =	sadd.s32 @!p0 s6, s7;
	s12 =	simm.s32 @!p0 $0x1800;
	[sflag:s10] =	ssyncadd.s32 @!p0 $0xFFFFE800  }
0x7d: {  	[tilespmem:s12], [sflag:$0x6] =	stream.linear.gather @!p0 [hbm4b:s7+s11], $0x1800, $0x38;
	[tilespmem:$0x1F000] =	vst v63  }
0x7e: {  	_ =	swait.ge @!p0 [sflag:s10], $0x1800  }
0x7f: {  	s7 =	simm.s32 @!p0 $0x80;
	[sflag:s10] =	ssyncset.done @!p0 $0x0  }
0x80: {  	s12 =	sshll.u32 s9, $0x7;
	[sflag:s10] =	ssyncadd.s32 @!p0 $0xFFFFE800;
	s10 =	simm.s32 @!p0 $0x3000  }
0x81: {  	[tilespmem:s10], [sflag:$0x1] =	stream.indirect.gather @!p0 [hbm4b:s2+s7], $0x80, s11, s7, $0xb8;
	[tilespmem:$0x1F000] =	vst v63  }
0x82: {  	s7 =	sand.u32 $0x3FFFFF80, s12  }
0x83: {  	s13 =	sadd.s32 $0x80, s7  }
0x84: {  	[tilespmem:s21], [sflag:$0x2] =	stream.indirect.gather [hbm4b:s2+s18], $0x80, s13, s18, $0xb8;
	[tilespmem:$0x1F000] =	vst v63  }
0x85: {  	_ =	swait.ge [sflag:s26], $0x4000  }
0x86: {  	[sflag:s26] =	ssyncset.done $0x0  }
0x87: {  	s7 =	sadd.s32 $0x1800, s7;
	[sflag:s26] =	ssyncadd.s32 $0xFFFFC000  }
0x88: {  	[spmem:s3] =	stream.indirect.scatter.add.f32 [tilespmem:s19], [sflag:$0x3], $0x80, s7, s18, $0xb8;
	[tilespmem:$0x1F000] =	vst v63  }
0x89: {  	p0 =	sgt.u32 s0, $0x2E;
	_ =	swait.ge [sflag:s28], $0x4000  }
0x8a: {  	s0 =	simm.s32 @!p0 $0x80;
	s7 =	sshrl.u32 @!p0 s23, $0x2;
	[sflag:s28] =	ssyncset.done $0x0  }
0x8b: {  	s9 =	simm.s32 @!p0 $0x3000;
	s7 =	sadd.s32 @!p0 $0x80, s7;
	[sflag:s28] =	ssyncadd.s32 $0xFFFFC000  }
0x8c: {  	[tilespmem:s9], [sflag:$0x1] =	stream.indirect.gather @!p0 [hbm4b:s2+s0], $0x80, s7, s0, $0xb8;
	[tilespmem:$0x1F000] =	vst v63  }
0x8d: {  	_ =	swait.ge [sflag:s22], $0x4000  }
0x8e: {  	[sflag:s22] =	ssyncset.done $0x0  }
0x8f: {  	s14 =	sadd.s32 $0x1800, s29;
	[sflag:s22] =	ssyncadd.s32 $0xFFFFC000  }
0x90: {  	[spmem:s3] =	stream.indirect.scatter.add.f32 [tilespmem:s21], [sflag:$0x4], $0x80, s14, s18, $0xb8;
	[tilespmem:$0x1F000] =	vst v63  }
0x91: {  	_ =	swait.ge [sflag:s24], $0x4000  }
0x92: {  	[sflag:s24] =	ssyncset.done $0x0  }
0x93: {  	s15 =	simm.s32 $0xF80;
	[sflag:s24] =	ssyncadd.s32 $0xFFFFC000  }
0x94: {  	[tilespmem:s21], [sflag:$0x2] =	stream.indirect.gather [hbm4b:s2+s18], $0x80, s15, s18, $0xb8;
	[tilespmem:$0x1F000] =	vst v63  }
0x95: {  	_ =	swait.ge [sflag:s26], $0x4000  }
0x96: {  	[sflag:s26] =	ssyncset.done $0x0  }
0x97: {  	s17 =	simm.s32 $0x2700;
	[sflag:s26] =	ssyncadd.s32 $0xFFFFC000  }
0x98: {  	[spmem:s3] =	stream.indirect.scatter.add.f32 [tilespmem:s19], [sflag:$0x3], $0x80, s17, s18, $0xb8;
	[tilespmem:$0x1F000] =	vst v63  }
0x99: {  	_ =	swait.ge [sflag:s28], $0x4000  }
0x9a: {  	[sflag:s28] =	ssyncset.done $0x0  }
0x9b: {  	[sflag:s28] =	ssyncadd.s32 $0xFFFFC000  }
0x9c: {  	_ =	swait.ge [sflag:s22], $0x4000  }
0x9d: {  	[sflag:s22] =	ssyncset.done $0x0  }
0x9e: {  	s23 =	simm.s32 $0x2780;
	[sflag:s22] =	ssyncadd.s32 $0xFFFFC000  }
0x9f: {  	[spmem:s3] =	stream.indirect.scatter.add.f32 [tilespmem:s21], [sflag:$0x4], $0x80, s23, s18, $0xb8;
	[tilespmem:$0x1F000] =	vst v63  }
0xa0: {  	_ =	swait.ge [sflag:s24], $0x4000  }
0xa1: {  	[sflag:s24] =	ssyncset.done $0x0  }
0xa2: {  	[sflag:s24] =	ssyncadd.s32 $0xFFFFC000  }
0xa3: {  	[bflag:$0x0] =	sbarrier.arrive $0xFFFF  }
0xa4: {  	s25 =	rddreg [dreg:$0x6]  }
0xa5: {  	s29 =	rddreg [dreg:$0xa]  }
0xa6: {  	s30 =	rddreg [dreg:$0xd];
	s0 =	sor.u32 $0x1C06, s25  }
0xa7: {  	[hbm:s29], [sflag:s0] =	dma.local [spmem:s30], $0x2780  }
0xa8: {  	_ =	swait.ge [sflag:s16], $0x2780  }
0xa9: {  	s1 =	sadd.s32 $0x1, s1;
	s31 =	rddreg [dreg:$0xb]  }
0xaa: {  	p0 =	sne.s32 s1, s31  }
.Ltmp1:
0xab: {  	_ = 	snop;
	(pc) =	sbr.rel @p0 .LBB2_1-.Ltmp1, $3  }
0xac: {  	_ =	sdelay $0x1  }
0xad: {  	[sflag:s16] =	ssyncset.done $0x0  }
0xae: {  	[sflag:s16] =	ssyncadd.s32 $0xFFFFD880  }
0xaf: {  	_ =	sfence.sel $0x180000  }
0xb0: {  	[bflag:$0x0] =	sbarrier.arrive $0xFFFF  }
0xb1: {  	_ =	strace $0x9000004A  }
0xb2: {  	s0 =	stileid.u32;
	[bflag:$0x2] =	sbarrier.arrive $0xFFFF  }
0xb3: {  	p0 =	sne.s32 s0, $0x0;
	s0 =	rddreg [dreg:$0x3]  }
0xb4: {  	s0 =	sadd.s32 @!p0 $0x100000, s0  }
0xb5: {  	[sflag:s0] =	ssyncadd.tile.s32 @!p0 $0x1;
	_ =	shalt  }
.Lfunc_end2:
_tile_overlayer_lowered:
.L_overlay_start_2:
0xb6: {  	(tag) =	ssettag $0x2  }
0xb7: {  	s0 =	rddreg [dreg:$0x0];
	s2 =	stileid.u32  }
0xb8: {  	s1 =	rddreg [dreg:$0x1];
	p0 =	sne.s32 s2, $0x0  }
0xb9: {  	s3 =	rddreg [dreg:$0x2];
	[bflag:$0x3] =	sbarrier.arrive $0xFFFF;
	s2 =	simm.s32 @!p0 $0x1C06  }
0xba: {  	[timem:s3], [sflag:s2] =	dma.local @!p0 [hbm:s0], s1  }
0xbb: {  	s0 =	simm.s32 @!p0 $0x6  }
0xbc: {  	_ =	swait.ge @!p0 [sflag:s0], s1  }
0xbd: {  	s1 =	ssub.s32 @!p0 $0x0, s1;
	[sflag:s0] =	ssyncset.done @!p0 $0x0  }
0xbe: {  	[sflag:s0] =	ssyncadd.s32 @!p0 s1  }
0xbf: {  	[bflag:$0x3] =	sbarrier.arrive $0xFFFF  }
0xc0: {  	_ =	shalt  }

// kernel: kernel.17.cloned.1.call-start
scs
__scs_entry_jumppad:
0x0: {  	(pc) =	sbr.rel $0x88, $3  }
0x1: {  	(tag) =	ssettag $0x0;
	lr =	simm.s32 $0x1  }
0x2: {  	[smem:$0x3F99] =	sst lr;
	_ =	strace $0xD0000000  }
0x3: {  	_ = 	snop  }
0x4: {  	_ = 	snop  }
0x5: {  	_ = 	snop  }
0x6: {  	_ = 	snop  }
0x7: {  	_ = 	snop  }
__scs_overlays_trampoline_lowered:
0x8: {  	[smem:$0x3FA8] =	sst s0  }
0x9: {  	[smem:$0x3FA9] =	sst s1  }
0xa: {  	[smem:$0x3FAA] =	sst s2  }
0xb: {  	[smem:$0x3FAB] =	sst s3  }
0xc: {  	[smem:$0x3FAC] =	sst s4  }
0xd: {  	[smem:$0x3FAD] =	sst s5  }
0xe: {  	[smem:$0x3FAE] =	sst s6  }
0xf: {  	[smem:$0x3FAF] =	sst s7  }
0x10: {  	[smem:$0x3FB0] =	sst s8  }
0x11: {  	[smem:$0x3FB1] =	sst s9;
	s0 =	simm.s32 @!p0 $0x0  }
0x12: {  	s1 =	sld [smem:$0x3F97];
	s0 =	simm.s32 @p0 $0x1  }
0x13: {  	[smem:$0x3FB2] =	sst s0;
	s0 =	simm.s32 @!p1 $0x0  }
0x14: {  	s2 =	sld [smem:$0x3F96];
	s0 =	simm.s32 @p1 $0x1  }
0x15: {  	[smem:$0x3FB3] =	sst s0;
	s0 =	simm.s32 @!p2 $0x0  }
0x16: {  	s3 =	sld [smem:$0x3FDB];
	s0 =	simm.s32 @p2 $0x1  }
0x17: {  	s4 =	simm.s32 $0x1BF5;
	[smem:$0x3FB5] =	sst s0  }
0x18: {  	s0 =	sld [smem:$0x3F98];
	_ =	swait.ge [sflag:s4], $0x0  }
0x19: {  	s7 =	sld [smem:$0x3F99]  }
0x1a: {  	s8 =	sadd.s32 $0xFFFFE003, lr  }
0x1b: {  	s9 =	sadd.s32 $0xFFFFFEF7, lr;
	s5 =	simm.s32 $0xFFFFFFFF;
	p2 =	slt.u32 s8, $0xFFFFF086  }
0x1c: {  	p1 =	slt.u32 s9, $0xF7A;
	s5 =	simm.s32 @!p2 $0x0  }
0x1d: {  	s5 =	simm.s32 @p1 $0x1;
	p0 =	seq.s32 s7, s2  }
0x1e: {  	s7 =	smul.u32 @!p0 $0xF7A, s2;
	p2 =	seq.s32 @!p0 s5, $0x0  }
0x1f: {  	s9 =	smul.u32 $0xF7A, s1;
	s8 =	simm.s32 @!p0 $0x1BF5;
	p2 =	por !p2, p0  }
0x20: {  	[sflag:s8] =	ssyncset.s32 @!p0 $0xFFFFF086;
	s6 =	sadd.s32 @!p0 s3, s7;
	s7 =	simm.s32 @!p0 $0x108  }
0x21: {  	s3 =	sadd.s32 s3, s9;
	s6 =	sadd.s32 @!p0 $0x88, s6;
	s7 =	simm.s32 @p2 $0x1082  }
0x22: {  	[simem:s7], [sflag:s8] =	dma.local @!p0 [hbm:s6], $0xF7A  }
0x23: {  	s9 =	sor.u32 $0xD0000000, s2;
	s6 =	simm.s32 $0x108;
	_ =	swait.ge @!p0 [sflag:s8], $0x0  }
0x24: {  	s3 =	sadd.s32 $0x88, s3;
	s6 =	simm.s32 @!p1 $0x1082;
	[sflag:s4] =	ssyncset.s32 $0xFFFFF086  }
0x25: {  	[simem:s6], [sflag:s4] =	dma.local [hbm:s3], $0xF7A  }
0x26: {  	[smem:$0x3F99] =	sst s1;
	(tag) =	ssettag s2;
	_ =	strace s9  }
0x27: {  	s1 =	sld [smem:$0x3FA9]  }
0x28: {  	s2 =	sld [smem:$0x3FAA]  }
0x29: {  	s4 =	sld [smem:$0x3FAC]  }
0x2a: {  	p0 =	seq.s32 s5, $0x0;
	s5 =	sld [smem:$0x3FAD]  }
0x2b: {  	s6 =	sld [smem:$0x3FAE]  }
0x2c: {  	s7 =	sld [smem:$0x3FAF]  }
0x2d: {  	s3 =	simm.s32 $0x108;
	s8 =	sld [smem:$0x3FB0]  }
0x2e: {  	s3 =	simm.s32 @!p0 $0x1082;
	s9 =	sld [smem:$0x3FB1]  }
0x2f: {  	lr =	sadd.s32 s0, s3;
	s0 =	sld [smem:$0x3FA8]  }
0x30: {  	s3 =	sld [smem:$0x3FAB]  }
0x31: {  	[smem:$0x3FB4] =	sst s10  }
0x32: {  	s10 =	sld [smem:$0x3FB2];
	_ =	sdelay $0x3  }
0x33: {  	p0 =	seq.s32 s10, $0x1;
	s10 =	sld [smem:$0x3FB4];
	_ =	sdelay $0x3  }
0x34: {  	[smem:$0x3FB4] =	sst s10  }
0x35: {  	s10 =	sld [smem:$0x3FB3];
	_ =	sdelay $0x3  }
0x36: {  	p1 =	seq.s32 s10, $0x1;
	s10 =	sld [smem:$0x3FB4];
	_ =	sdelay $0x3  }
0x37: {  	[smem:$0x3FB4] =	sst s10  }
0x38: {  	s10 =	sld [smem:$0x3FB5]  }
0x39: {  	_ = 	snop;
	(pc) =	sbr.ind lr, $3  }
0x3a: {  	_ = 	snop  }
0x3b: {  	_ = 	snop  }
0x3c: {  	p2 =	seq.s32 s10, $0x1;
	s10 =	sld [smem:$0x3FB4]  }
0x3d: {  	_ =	shalt  }
0x3e: {  	_ =	shalt  }
0x3f: {  	_ =	shalt  }
0x40: {  	_ =	shalt  }
0x41: {  	_ =	shalt  }
0x42: {  	_ =	shalt  }
0x43: {  	_ =	shalt  }
0x44: {  	_ =	shalt  }
0x45: {  	_ =	shalt  }
0x46: {  	_ =	shalt  }
0x47: {  	_ =	shalt  }
0x48: {  	_ =	shalt  }
0x49: {  	_ =	shalt  }
0x4a: {  	_ =	shalt  }
0x4b: {  	_ =	shalt  }
0x4c: {  	_ =	shalt  }
0x4d: {  	_ =	shalt  }
0x4e: {  	_ =	shalt  }
0x4f: {  	_ =	shalt  }
0x50: {  	_ =	shalt  }
0x51: {  	_ =	shalt  }
0x52: {  	_ =	shalt  }
0x53: {  	_ =	shalt  }
0x54: {  	_ =	shalt  }
0x55: {  	_ =	shalt  }
0x56: {  	_ =	shalt  }
0x57: {  	_ =	shalt  }
0x58: {  	_ =	shalt  }
0x59: {  	_ =	shalt  }
0x5a: {  	_ =	shalt  }
0x5b: {  	_ =	shalt  }
0x5c: {  	_ =	shalt  }
0x5d: {  	_ =	shalt  }
0x5e: {  	_ =	shalt  }
0x5f: {  	_ =	shalt  }
0x60: {  	_ =	shalt  }
0x61: {  	_ =	shalt  }
0x62: {  	_ =	shalt  }
0x63: {  	_ =	shalt  }
0x64: {  	_ =	shalt  }
0x65: {  	_ =	shalt  }
0x66: {  	_ =	shalt  }
0x67: {  	_ =	shalt  }
0x68: {  	_ =	shalt  }
0x69: {  	_ =	shalt  }
0x6a: {  	_ =	shalt  }
0x6b: {  	_ =	shalt  }
0x6c: {  	_ =	shalt  }
0x6d: {  	_ =	shalt  }
0x6e: {  	_ =	shalt  }
0x6f: {  	_ =	shalt  }
0x70: {  	_ =	shalt  }
0x71: {  	_ =	shalt  }
0x72: {  	_ =	shalt  }
0x73: {  	_ =	shalt  }
0x74: {  	_ =	shalt  }
0x75: {  	_ =	shalt  }
0x76: {  	_ =	shalt  }
0x77: {  	_ =	shalt  }
0x78: {  	_ =	shalt  }
0x79: {  	_ =	shalt  }
0x7a: {  	_ =	shalt  }
0x7b: {  	_ =	shalt  }
0x7c: {  	_ =	shalt  }
0x7d: {  	_ =	shalt  }
0x7e: {  	_ =	shalt  }
0x7f: {  	_ =	shalt  }
0x80: {  	_ =	shalt  }
0x81: {  	_ =	shalt  }
0x82: {  	_ =	shalt  }
0x83: {  	_ =	shalt  }
0x84: {  	_ =	shalt  }
0x85: {  	_ =	shalt  }
0x86: {  	_ =	shalt  }
0x87: {  	_ =	shalt  }
.Lfunc_end0:
.L_simem_size_0:
called_computation.2_lowered:
.L_overlay_start_0:
0x88: {  	s2 =	sld [smem:$0x3FD9]  }
0x89: {  	s3 =	sld [smem:$0x3FFE];
	_ =	sdelay $0x1  }
0x8a: {  	s1 =	srdreg.scid  }
0x8b: {  	s0 =	sand.u32 $0x1, s1  }
0x8c: {  	s17 =	sshll.u32 s0, $0xA;
	s2 =	sadd.s32 s3, s2  }
0x8d: {  	s2 =	sadd.s32 s2, s17  }
0x8e: {  	[smem:$0x3FC0] =	sst s2  }
0x8f: {  	_ = 	snop  }
0x90: {  	s2 =	sld [smem:$0x3FD0];
	(tm) =	ssettm $0x1  }
0x91: {  	s18 =	sld [smem:$0x3FFB];
	_ =	sdelay $0x3  }
0x92: {  	_ =	strace s18  }
0x93: {  	s3 =	sld [smem:$0x3FFC];
	_ =	sdelay $0x3  }
0x94: {  	_ =	strace s3  }
0x95: {  	s3 =	sld [smem:$0x3FFD];
	_ =	sdelay $0x3  }
0x96: {  	_ =	strace s3  }
0x97: {  	_ =	strace $0x8FFFFFFF  }
0x98: {  	s19 =	sld [smem:$0x3FDB];
	_ =	sdelay $0x1  }
0x99: {  	s4 =	simm.s32 $_scs_section_size  }
0x9a: {  	s5 =	simm.s32 $_size__tile_overlayer_lowered;
	s6 =	simm.s32 $_tile_overlayer_lowered  }
0x9b: {  	s22 =	simm.s32 $0x1BFF;
	s21 =	sshll.u32 s6, $0x1;
	s3 =	sadd.s32 s4, s19  }
0x9c: {  	s7 =	simm.s32 $0x0;
	s20 =	sshll.u32 s5, $0x1;
	s5 =	sadd.s32 s21, s3  }
0x9d: {  	[timem:s7], [sflag:s22] =	dma.local [hbm:s5], s20  }
0x9e: {  	_ =	swait.ge [sflag:s22], s20  }
0x9f: {  	s4 =	ssub.s32 $0x0, s20;
	[sflag:s22] =	ssyncset.done $0x0  }
0xa0: {  	[sflag:s22] =	ssyncadd.s32 s4;
	_ =	sdelay $0x1  }
0xa1: {  	s23 =	simm.s32 $0x1B8B  }
0xa2: {  	_ =	swait.ge [sflag:s23], $0x1  }
0xa3: {  	[sflag:s23] =	ssyncset.done $0x0  }
0xa4: {  	s25 =	simm.s32 $0x1B8E;
	s24 =	sld [smem:$0x3FFE];
	[sflag:s23] =	ssyncadd.s32 $0xFFFFFFFF  }
0xa5: {  	s26 =	simm.s32 $execute0_lowered;
	[smem:$0x3FD2] =	sst s25  }
0xa6: {  	s5 =	sshll.u32 s26, $0x1;
	_ =	strace $0x8000004C;
	[dreg:$0x1] =	wrdreg $0xFFFFFFFF  }
0xa7: {  	s28 =	simm.s32 $_size_execute0_lowered;
	s3 =	sadd.s32 s3, s5;
	[dreg:$0x0] =	wrdreg $0x0  }
0xa8: {  	s5 =	sshll.u32 s28, $0x1;
	[dreg:$0x2] =	wrdreg s3  }
0xa9: {  	[dreg:$0x3] =	wrdreg s5  }
0xaa: {  	[dreg:$0x4] =	wrdreg $0xC0  }
0xab: {  	_ =	task [dreg:s7], $0x5FFFF  }
0xac: {  	[dreg:$0x1] =	wrdreg $0xFFFFFFFF  }
0xad: {  	[dreg:$0x0] =	wrdreg $0x60  }
0xae: {  	[dreg:$0x2] =	wrdreg s2  }
0xaf: {  	[dreg:$0x3] =	wrdreg s24  }
0xb0: {  	[dreg:$0x4] =	wrdreg $0xB0000  }
0xb1: {  	[dreg:$0x5] =	wrdreg $0x9  }
0xb2: {  	_ =	task.clear_ibuf [dreg:s7], $0x6FFFF;
	_ =	strace $0x9000004C  }
0xb3: {  	s29 =	simm.s32 $0x9;
	_ =	strace $0x8000004E  }
0xb4: {  	_ =	swait.ge [sflag:s29], $0x1  }
0xb5: {  	[sflag:s29] =	ssyncadd.s32 $0xFFFFFFFF  }
0xb6: {  	_ =	strace $0x9000004E  }
0xb7: {  	_ =	sfence  }
0xb8: {  	s30 =	sld [smem:$0x0];
	_ =	sdelay $0x2  }
0xb9: {  	s31 =	sshll.u32 s1, $0xD;
	s1 =	sshrl.u32 s1, $0x2  }
0xba: {  	s3 =	sand.u32 $0x4000, s31;
	s1 =	sadd.s32 s1, s30  }
0xbb: {  	s0 =	sor.u32 s3, s0;
	s1 =	sshll.u32 s1, $0x11  }
0xbc: {  	s0 =	sor.u32 s1, s0  }
0xbd: {  	s0 =	sadd.s32 $0x8F2B, s0  }
0xbe: {  	[sflag:s0] =	ssyncadd.remote.s32 $0x1  }
0xbf: {  	_ =	sfence.sel $0xFFFF  }
0xc0: {  	[dreg:$0x0] =	wrdreg $0xFFFFFFFF;
	(pc) =	sbr.abs _section_cstart, $3  }
0xc1: {  	[dreg:$0x1] =	wrdreg $0xFFFFFFFF  }
0xc2: {  	_ =	task.clear_ibuf [dreg:s7], $0x2FFFF;
	_ =	strace $0x9FFFFFFF  }
0xc3: {  	(tm) =	ssettm $0x7FFFFFFF  }
tec
execute0_lowered:
.L_overlay_start_1:
0x0: {  	(tag) =	ssettag $0x1  }
0x1: {  	s2 =	rddreg [dreg:$0x0]  }
0x2: {  	s0 =	rddreg [dreg:$0x1]  }
0x3: {  	s3 =	rddreg [dreg:$0x2]  }
0x4: {  	s11 =	stileid.u32;
	s1 =	srdreg.scid  }
0x5: {  	s4 =	simm.s32 $0x0;
	s16 =	simm.s32 $0x6;
	s18 =	simm.s32 $0x80  }
0x6: {  	s19 =	simm.s32 $0x3000;
	s31 =	simm.s32 $0xFFFFFFFF;
	s28 =	simm.s32 $0x3  }
0x7: {  	s5 =	smul.u32 $0x278, s11;
	s1 =	sand.u32 $0x1, s1;
	[smem:$0x7FF] =	sst s4  }
0x8: {  	s6 =	sadd.s32 $0x3200, s0;
	s8 =	sadd.s32 $0x1B800, s0;
	s9 =	smul.u32 $0x50000, s11  }
0x9: {  	s23 =	sshll.u32 s11, $0x6;
	_ =	strace $0x8000004D;
	[dreg:$0x5] =	wrdreg s8  }
0xa: {  	s7 =	smul.u32 $0x138800, s1;
	s20 =	sshll.u32 s1, $0x4;
	[dreg:$0x6] =	wrdreg s23  }
0xb: {  	s1 =	ssub.s32 $0x2, s1;
	[dreg:$0x4] =	wrdreg s31;
	s5 =	smin.u32 s5, $0x2498  }
0xc: {  	s8 =	sor.u32 s11, s20;
	s21 =	sshrl.u32 s1, $0x1;
	s22 =	sshrl.u32 s9, $0x2  }
0xd: {  	s9 =	sor.u32 $0x1C05, s23;
	s20 =	simm.s32 $0x5;
	s10 =	sshll.u32 s5, $0x7  }
0xe: {  	s5 =	sadd.s32 $0xF800, s0;
	s8 =	smul.u32 $0x3000, s8;
	s1 =	ssub.s32 s1, s21  }
0xf: {  	[dreg:$0x7] =	wrdreg s9;
	s21 =	simm.s32 $0x7000;
	s7 =	sadd.s32 s7, s10  }
0x10: {  	s29 =	sadd.s32 s10, s3;
	s1 =	smax.u32 s1, $0x1;
	s24 =	sshrl.u32 s8, $0x3  }
0x11: {  	s7 =	sshrl.u32 s7, $0x3;
	[dreg:$0xb] =	wrdreg s1;
	s25 =	sadd.s32 s5, s24  }
0x12: {  	s0 =	sadd.s32 s7, s0;
	s26 =	sadd.s32 s6, s24;
	[dreg:$0x8] =	wrdreg s25  }
0x13: {  	s7 =	sadd.s32 s22, s3;
	[dreg:$0x9] =	wrdreg s26;
	s0 =	sadd.s32 $0x1E000, s0  }
0x14: {  	s1 =	simm.s32 $0x0;
	s30 =	sshrl.u32 s7, $0x3;
	[dreg:$0xa] =	wrdreg s0  }
0x15: {  	s22 =	simm.s32 $0x2;
	[dreg:$0xc] =	wrdreg s30;
	s0 =	sshrl.u32 s29, $0x3  }
0x16: {  	s24 =	simm.s32 $0x4;
	s26 =	simm.s32 $0x1;
	[dreg:$0xd] =	wrdreg s0  }
.LBB2_1:
0x17: {  	s0 =	rddreg [dreg:$0x5]  }
0x18: {  	s7 =	rddreg [dreg:$0x7]  }
0x19: {  	s9 =	rddreg [dreg:$0xc]  }
0x1a: {  	[spmem:s9], [sflag:s7] =	dma.local [hbm:s0], $0x2800  }
0x1b: {  	s0 =	rddreg [dreg:$0x8]  }
0x1c: {  	[tilespmem:s4], [sflag:$0x6] =	stream.linear.gather [hbm4b:s0+s4], $0x1800, $0x38;
	[tilespmem:$0x1F000] =	vst v63  }
0x1d: {  	_ =	swait.ge [sflag:s16], $0x1800  }
0x1e: {  	[sflag:s16] =	ssyncset.done $0x0  }
0x1f: {  	s12 =	simm.s32 $0x1800;
	s11 =	rddreg [dreg:$0x9];
	[sflag:s16] =	ssyncadd.s32 $0xFFFFE800  }
0x20: {  	[tilespmem:s12], [sflag:$0x6] =	stream.linear.gather [hbm4b:s11+s4], $0x1800, $0x38;
	[tilespmem:$0x1F000] =	vst v63  }
0x21: {  	_ =	swait.ge [sflag:s16], $0x1800  }
0x22: {  	[sflag:s16] =	ssyncset.done $0x0  }
0x23: {  	[sflag:s16] =	ssyncadd.s32 $0xFFFFE800  }
0x24: {  	[tilespmem:s19], [sflag:$0x1] =	stream.indirect.gather [hbm4b:s2+s18], $0x80, s4, s18, $0xb8;
	[tilespmem:$0x1F000] =	vst v63  }
0x25: {  	_ =	swait.ge [sflag:s20], $0x2800  }
0x26: {  	[sflag:s20] =	ssyncset.done $0x0  }
0x27: {  	[sflag:s20] =	ssyncadd.s32 $0xFFFFD800  }
0x28: {  	[bflag:$0x0] =	sbarrier.arrive $0xFFFF  }
0x29: {  	[tilespmem:s21], [sflag:$0x2] =	stream.indirect.gather [hbm4b:s2+s18], $0x80, s18, s18, $0xb8;
	[tilespmem:$0x1F000] =	vst v63  }
0x2a: {  	_ =	swait.ge [sflag:s26], $0x4000  }
0x2b: {  	[sflag:s26] =	ssyncset.done $0x0  }
0x2c: {  	[sflag:s26] =	ssyncadd.s32 $0xFFFFC000  }
0x2d: {  	[spmem:s3] =	stream.indirect.scatter.add.f32 [tilespmem:s19], [sflag:$0x3], $0x80, s12, s18, $0xb8;
	[tilespmem:$0x1F000] =	vst v63  }
0x2e: {  	_ =	swait.ge [sflag:s28], $0x4000  }
0x2f: {  	[sflag:s28] =	ssyncset.done $0x0  }
0x30: {  	s0 =	simm.s32 $0x100;
	[sflag:s28] =	ssyncadd.s32 $0xFFFFC000  }
0x31: {  	[tilespmem:s19], [sflag:$0x1] =	stream.indirect.gather [hbm4b:s2+s18], $0x80, s0, s18, $0xb8;
	[tilespmem:$0x1F000] =	vst v63  }
0x32: {  	p1 =	por $0x1, $0x1;
	_ =	swait.ge [sflag:s22], $0x4000  }
0x33: {  	p0 =	por p1, p1;
	[sflag:s22] =	ssyncset.done $0x0;
	s7 =	rddreg [dreg:$0x4]  }
0x34: {  	s13 =	simm.s32 $0x1880;
	[sflag:s22] =	ssyncadd.s32 $0xFFFFC000;
	s7 =	simm.s32 @!p0 $0xFFFFFFCF  }
0x35: {  	[spmem:s3] =	stream.indirect.scatter.add.f32 [tilespmem:s21], [sflag:$0x4], $0x80, s13, s18, $0xb8;
	[tilespmem:$0x1F000] =	vst v63  }
0x36: {  	s7 =	sadd.s32 $0x3, s7  }
0x37: {  	p0 =	sne.s32 s7, $0x0  }
0x38: {  	s10 =	sand.u32 @!p0 $0x3C00, s0  }
0x39: {  	s0 =	sand.u32 @!p0 $0x300, s0;
	s10 =	sadd.s32 @!p0 s8, s10  }
0x3a: {  	_ =	swait.ge [sflag:s24], $0x4000;
	s0 =	sor.u32 @!p0 s0, s10  }
0x3b: {  	[sflag:s24] =	ssyncset.done $0x0;
	s11 =	simm.s32 @!p0 $0x0;
	s0 =	sshrl.u32 @!p0 s0, $0x3  }
0x3c: {  	[sflag:s24] =	ssyncadd.s32 $0xFFFFC000;
	s10 =	simm.s32 @!p0 $0x6;
	s12 =	sadd.s32 @!p0 s5, s0  }
0x3d: {  	[tilespmem:s11], [sflag:$0x6] =	stream.linear.gather @!p0 [hbm4b:s12+s11], $0x1800, $0x38;
	[tilespmem:$0x1F000] =	vst v63  }
0x3e: {  	_ =	swait.ge @!p0 [sflag:s10], $0x1800  }
0x3f: {  	s30 =	simm.s32 $0x5;
	s31 =	simm.s32 $0x7;
	[sflag:s10] =	ssyncset.done @!p0 $0x0  }
0x40: {  	s13 =	simm.s32 @!p0 $0x1800;
	s0 =	sadd.s32 @!p0 s6, s0;
	[sflag:s10] =	ssyncadd.s32 @!p0 $0xFFFFE800  }
0x41: {  	[tilespmem:s13], [sflag:$0x6] =	stream.linear.gather @!p0 [hbm4b:s0+s11], $0x1800, $0x38;
	[tilespmem:$0x1F000] =	vst v63  }
0x42: {  	s14 =	sshll.u32 s7, $0x7;
	s7 =	simm.s32 @!p0 $0x80;
	_ =	swait.ge @!p0 [sflag:s10], $0x1800  }
0x43: {  	s17 =	simm.s32 @!p0 $0x3000;
	s12 =	simm.s32 $0xFFFFFFD3;
	[sflag:s10] =	ssyncset.done @!p0 $0x0  }
0x44: {  	s15 =	sand.u32 $0x3FFFFF80, s14;
	s12 =	smov.u32 @p1 s28;
	[sflag:s10] =	ssyncadd.s32 @!p0 $0xFFFFE800  }
0x45: {  	[tilespmem:s17], [sflag:$0x1] =	stream.indirect.gather @!p0 [hbm4b:s2+s7], $0x80, s11, s7, $0xb8;
	[tilespmem:$0x1F000] =	vst v63  }
0x46: {  	s23 =	sadd.s32 $0x80, s15;
	p1 =	sgt.u32 s12, $0x2E;
	s13 =	sshll.u32 s12, $0x9  }
0x47: {  	[tilespmem:s21], [sflag:$0x2] =	stream.indirect.gather [hbm4b:s2+s18], $0x80, s23, s18, $0xb8;
	[tilespmem:$0x1F000] =	vst v63  }
0x48: {  	s0 =	simm.s32 $0xFFFFFFD5;
	s12 =	simm.s32 @!p1 $0x3000;
	_ =	swait.ge [sflag:s26], $0x4000  }
0x49: {  	s25 =	sshrl.u32 s13, $0x2;
	s10 =	sadd.s32 $0x1800, s15;
	[sflag:s26] =	ssyncset.done $0x0  }
0x4a: {  	p0 =	por $0x1, $0x1;
	s11 =	sshrl.u32 @!p1 s13, $0x2;
	[sflag:s26] =	ssyncadd.s32 $0xFFFFC000  }
0x4b: {  	[spmem:s3] =	stream.indirect.scatter.add.f32 [tilespmem:s19], [sflag:$0x3], $0x80, s10, s18, $0xb8;
	[tilespmem:$0x1F000] =	vst v63  }
0x4c: {  	s7 =	simm.s32 $0x200;
	s0 =	smov.u32 @p0 s30;
	_ =	swait.ge [sflag:s28], $0x4000  }
0x4d: {  	p0 =	por p0, p0;
	s11 =	sadd.s32 @!p1 $0x80, s11;
	[sflag:s28] =	ssyncset.done $0x0  }
0x4e: {  	s23 =	sshll.u32 s0, $0x9;
	s10 =	simm.s32 @!p1 $0x80;
	[sflag:s28] =	ssyncadd.s32 $0xFFFFC000  }
0x4f: {  	[tilespmem:s12], [sflag:$0x1] =	stream.indirect.gather @!p1 [hbm4b:s2+s10], $0x80, s11, s10, $0xb8;
	[tilespmem:$0x1F000] =	vst v63  }
0x50: {  	s29 =	sshrl.u32 s23, $0x2;
	s12 =	sadd.s32 $0x1800, s25;
	_ =	swait.ge [sflag:s22], $0x4000  }
0x51: {  	s10 =	simm.s32 $0x3;
	s17 =	rddreg [dreg:$0x4];
	[sflag:s22] =	ssyncset.done $0x0  }
.LBB2_2:
0x52: {  	[sflag:s22] =	ssyncadd.s32 $0xFFFFC000;
	s17 =	simm.s32 @!p0 $0xFFFFFFCF  }
0x53: {  	[spmem:s3] =	stream.indirect.scatter.add.f32 [tilespmem:s21], [sflag:$0x4], $0x80, s12, s18, $0xb8;
	[tilespmem:$0x1F000] =	vst v63  }
0x54: {  	p3 =	slt.u32 s10, $0x18;
	s17 =	sadd.s32 s17, s30  }
0x55: {  	s13 =	sadd.s32 $0xFFFFFFD0, s31;
	s14 =	smov.u32 s31;
	p2 =	sne.s32 s17, $0x0  }
0x56: {  	s13 =	smov.u32 @p3 s14;
	s30 =	smov.u32 s14;
	s15 =	sand.u32 @!p2 $0x3C00, s7  }
0x57: {  	_ =	swait.ge [sflag:s24], $0x4000;
	s9 =	sand.u32 @!p2 $0x300, s7;
	s14 =	sadd.s32 @!p2 s8, s15  }
0x58: {  	[sflag:s24] =	ssyncset.done $0x0;
	s9 =	sor.u32 @!p2 s9, s14  }
0x59: {  	[sflag:s24] =	ssyncadd.s32 $0xFFFFC000;
	s9 =	sshrl.u32 @!p2 s9, $0x3  }
0x5a: {  	s15 =	simm.s32 @!p2 $0x0;
	s14 =	simm.s32 @!p2 $0x6;
	s25 =	sadd.s32 @!p2 s5, s9  }
0x5b: {  	[tilespmem:s15], [sflag:$0x6] =	stream.linear.gather @!p2 [hbm4b:s25+s15], $0x1800, $0x38;
	[tilespmem:$0x1F000] =	vst v63  }
0x5c: {  	_ =	swait.ge @!p2 [sflag:s14], $0x1800  }
0x5d: {  	[sflag:s14] =	ssyncset.done @!p2 $0x0  }
0x5e: {  	s9 =	sadd.s32 @!p2 s6, s9;
	s25 =	simm.s32 @!p2 $0x1800;
	[sflag:s14] =	ssyncadd.s32 @!p2 $0xFFFFE800  }
0x5f: {  	[tilespmem:s25], [sflag:$0x6] =	stream.linear.gather @!p2 [hbm4b:s9+s15], $0x1800, $0x38;
	[tilespmem:$0x1F000] =	vst v63  }
0x60: {  	s11 =	smov.u32 s29;
	_ =	swait.ge @!p2 [sflag:s14], $0x1800  }
0x61: {  	s17 =	sshll.u32 s17, $0x7;
	s9 =	simm.s32 @!p2 $0x80;
	[sflag:s14] =	ssyncset.done @!p2 $0x0  }
0x62: {  	s25 =	simm.s32 @!p2 $0x3000;
	[sflag:s14] =	ssyncadd.s32 @!p2 $0xFFFFE800;
	s14 =	sand.u32 $0x3FFFFF80, s17  }
0x63: {  	[tilespmem:s25], [sflag:$0x1] =	stream.indirect.gather @!p2 [hbm4b:s2+s9], $0x80, s15, s9, $0xb8;
	[tilespmem:$0x1F000] =	vst v63  }
0x64: {  	s31 =	sadd.s32 $0x2, s31;
	s10 =	sadd.s32 $0x1, s10;
	s17 =	sadd.s32 $0x80, s14  }
0x65: {  	[tilespmem:s21], [sflag:$0x2] =	stream.indirect.gather [hbm4b:s2+s18], $0x80, s17, s18, $0xb8;
	[tilespmem:$0x1F000] =	vst v63  }
0x66: {  	p1 =	sne.s32 s31, $0x4F;
	s12 =	sshll.u32 s13, $0x9;
	_ =	swait.ge [sflag:s26], $0x4000  }
0x67: {  	p0 =	por p3, p3;
	s29 =	sshrl.u32 s12, $0x2;
	[sflag:s26] =	ssyncset.done $0x0  }
0x68: {  	s25 =	sadd.s32 $0x1800, s14;
	p2 =	sgt.u32 s0, $0x2E;
	[sflag:s26] =	ssyncadd.s32 $0xFFFFC000  }
0x69: {  	[spmem:s3] =	stream.indirect.scatter.add.f32 [tilespmem:s19], [sflag:$0x3], $0x80, s25, s18, $0xb8;
	[tilespmem:$0x1F000] =	vst v63  }
0x6a: {  	s0 =	smov.u32 s13;
	s9 =	simm.s32 @!p2 $0x80;
	_ =	swait.ge [sflag:s28], $0x4000  }
.Ltmp0:
0x6b: {  	s14 =	sshrl.u32 @!p2 s23, $0x2;
	[sflag:s28] =	ssyncset.done $0x0;
	(pc) =	sbr.rel @p1 .LBB2_2-.Ltmp0, $4  }
0x6c: {  	s13 =	simm.s32 @!p2 $0x3000;
	s14 =	sadd.s32 @!p2 $0x80, s14;
	[sflag:s28] =	ssyncadd.s32 $0xFFFFC000  }
0x6d: {  	[tilespmem:s13], [sflag:$0x1] =	stream.indirect.gather @!p2 [hbm4b:s2+s9], $0x80, s14, s9, $0xb8;
	[tilespmem:$0x1F000] =	vst v63  }
0x6e: {  	s7 =	sadd.s32 $0x100, s7;
	s23 =	smov.u32 s12;
	_ =	swait.ge [sflag:s22], $0x4000  }
0x6f: {  	s12 =	sadd.s32 $0x1800, s11;
	s17 =	rddreg [dreg:$0x4];
	[sflag:s22] =	ssyncset.done $0x0  }
0x70: {  	[sflag:s22] =	ssyncadd.s32 $0xFFFFC000;
	s17 =	simm.s32 @!p0 $0xFFFFFFCF  }
0x71: {  	[spmem:s3] =	stream.indirect.scatter.add.f32 [tilespmem:s21], [sflag:$0x4], $0x80, s12, s18, $0xb8;
	[tilespmem:$0x1F000] =	vst v63  }
0x72: {  	s9 =	sadd.s32 s17, s30  }
0x73: {  	p0 =	sne.s32 s9, $0x0  }
0x74: {  	s10 =	sand.u32 @!p0 $0x3C00, s7  }
0x75: {  	s7 =	sand.u32 @!p0 $0x300, s7;
	s10 =	sadd.s32 @!p0 s8, s10  }
0x76: {  	_ =	swait.ge [sflag:s24], $0x4000;
	s7 =	sor.u32 @!p0 s7, s10  }
0x77: {  	[sflag:s24] =	ssyncset.done $0x0;
	s11 =	simm.s32 @!p0 $0x0;
	s7 =	sshrl.u32 @!p0 s7, $0x3  }
0x78: {  	[sflag:s24] =	ssyncadd.s32 $0xFFFFC000;
	s10 =	simm.s32 @!p0 $0x6;
	s12 =	sadd.s32 @!p0 s5, s7  }
0x79: {  	[tilespmem:s11], [sflag:$0x6] =	stream.linear.gather @!p0 [hbm4b:s12+s11], $0x1800, $0x38;
	[tilespmem:$0x1F000] =	vst v63  }
0x7a: {  	_ =	swait.ge @!p0 [sflag:s10], $0x1800  }
0x7b: {  	[sflag:s10] =	ssyncset.done @!p0 $0x0  }
0x7c: {  	s7 =	sadd.s32 @!p0 s6, s7;
	s12 =	simm.s32 @!p0 $0x1800;
	[sflag:s10] =	ssyncadd.s32 @!p0 $0xFFFFE800  }
0x7d: {  	[tilespmem:s12], [sflag:$0x6] =	stream.linear.gather @!p0 [hbm4b:s7+s11], $0x1800, $0x38;
	[tilespmem:$0x1F000] =	vst v63  }
0x7e: {  	_ =	swait.ge @!p0 [sflag:s10], $0x1800  }
0x7f: {  	s7 =	simm.s32 @!p0 $0x80;
	[sflag:s10] =	ssyncset.done @!p0 $0x0  }
0x80: {  	s12 =	sshll.u32 s9, $0x7;
	[sflag:s10] =	ssyncadd.s32 @!p0 $0xFFFFE800;
	s10 =	simm.s32 @!p0 $0x3000  }
0x81: {  	[tilespmem:s10], [sflag:$0x1] =	stream.indirect.gather @!p0 [hbm4b:s2+s7], $0x80, s11, s7, $0xb8;
	[tilespmem:$0x1F000] =	vst v63  }
0x82: {  	s7 =	sand.u32 $0x3FFFFF80, s12  }
0x83: {  	s13 =	sadd.s32 $0x80, s7  }
0x84: {  	[tilespmem:s21], [sflag:$0x2] =	stream.indirect.gather [hbm4b:s2+s18], $0x80, s13, s18, $0xb8;
	[tilespmem:$0x1F000] =	vst v63  }
0x85: {  	_ =	swait.ge [sflag:s26], $0x4000  }
0x86: {  	[sflag:s26] =	ssyncset.done $0x0  }
0x87: {  	s7 =	sadd.s32 $0x1800, s7;
	[sflag:s26] =	ssyncadd.s32 $0xFFFFC000  }
0x88: {  	[spmem:s3] =	stream.indirect.scatter.add.f32 [tilespmem:s19], [sflag:$0x3], $0x80, s7, s18, $0xb8;
	[tilespmem:$0x1F000] =	vst v63  }
0x89: {  	p0 =	sgt.u32 s0, $0x2E;
	_ =	swait.ge [sflag:s28], $0x4000  }
0x8a: {  	s0 =	simm.s32 @!p0 $0x80;
	s7 =	sshrl.u32 @!p0 s23, $0x2;
	[sflag:s28] =	ssyncset.done $0x0  }
0x8b: {  	s9 =	simm.s32 @!p0 $0x3000;
	s7 =	sadd.s32 @!p0 $0x80, s7;
	[sflag:s28] =	ssyncadd.s32 $0xFFFFC000  }
0x8c: {  	[tilespmem:s9], [sflag:$0x1] =	stream.indirect.gather @!p0 [hbm4b:s2+s0], $0x80, s7, s0, $0xb8;
	[tilespmem:$0x1F000] =	vst v63  }
0x8d: {  	_ =	swait.ge [sflag:s22], $0x4000  }
0x8e: {  	[sflag:s22] =	ssyncset.done $0x0  }
0x8f: {  	s14 =	sadd.s32 $0x1800, s29;
	[sflag:s22] =	ssyncadd.s32 $0xFFFFC000  }
0x90: {  	[spmem:s3] =	stream.indirect.scatter.add.f32 [tilespmem:s21], [sflag:$0x4], $0x80, s14, s18, $0xb8;
	[tilespmem:$0x1F000] =	vst v63  }
0x91: {  	_ =	swait.ge [sflag:s24], $0x4000  }
0x92: {  	[sflag:s24] =	ssyncset.done $0x0  }
0x93: {  	s15 =	simm.s32 $0xF80;
	[sflag:s24] =	ssyncadd.s32 $0xFFFFC000  }
0x94: {  	[tilespmem:s21], [sflag:$0x2] =	stream.indirect.gather [hbm4b:s2+s18], $0x80, s15, s18, $0xb8;
	[tilespmem:$0x1F000] =	vst v63  }
0x95: {  	_ =	swait.ge [sflag:s26], $0x4000  }
0x96: {  	[sflag:s26] =	ssyncset.done $0x0  }
0x97: {  	s17 =	simm.s32 $0x2700;
	[sflag:s26] =	ssyncadd.s32 $0xFFFFC000  }
0x98: {  	[spmem:s3] =	stream.indirect.scatter.add.f32 [tilespmem:s19], [sflag:$0x3], $0x80, s17, s18, $0xb8;
	[tilespmem:$0x1F000] =	vst v63  }
0x99: {  	_ =	swait.ge [sflag:s28], $0x4000  }
0x9a: {  	[sflag:s28] =	ssyncset.done $0x0  }
0x9b: {  	[sflag:s28] =	ssyncadd.s32 $0xFFFFC000  }
0x9c: {  	_ =	swait.ge [sflag:s22], $0x4000  }
0x9d: {  	[sflag:s22] =	ssyncset.done $0x0  }
0x9e: {  	s23 =	simm.s32 $0x2780;
	[sflag:s22] =	ssyncadd.s32 $0xFFFFC000  }
0x9f: {  	[spmem:s3] =	stream.indirect.scatter.add.f32 [tilespmem:s21], [sflag:$0x4], $0x80, s23, s18, $0xb8;
	[tilespmem:$0x1F000] =	vst v63  }
0xa0: {  	_ =	swait.ge [sflag:s24], $0x4000  }
0xa1: {  	[sflag:s24] =	ssyncset.done $0x0  }
0xa2: {  	[sflag:s24] =	ssyncadd.s32 $0xFFFFC000  }
0xa3: {  	[bflag:$0x0] =	sbarrier.arrive $0xFFFF  }
0xa4: {  	s25 =	rddreg [dreg:$0x6]  }
0xa5: {  	s29 =	rddreg [dreg:$0xa]  }
0xa6: {  	s30 =	rddreg [dreg:$0xd];
	s0 =	sor.u32 $0x1C06, s25  }
0xa7: {  	[hbm:s29], [sflag:s0] =	dma.local [spmem:s30], $0x2780  }
0xa8: {  	_ =	swait.ge [sflag:s16], $0x2780  }
0xa9: {  	s1 =	sadd.s32 $0x1, s1;
	s31 =	rddreg [dreg:$0xb]  }
0xaa: {  	p0 =	sne.s32 s1, s31  }
.Ltmp1:
0xab: {  	_ = 	snop;
	(pc) =	sbr.rel @p0 .LBB2_1-.Ltmp1, $3  }
0xac: {  	_ =	sdelay $0x1  }
0xad: {  	[sflag:s16] =	ssyncset.done $0x0  }
0xae: {  	[sflag:s16] =	ssyncadd.s32 $0xFFFFD880  }
0xaf: {  	_ =	sfence.sel $0x180000  }
0xb0: {  	[bflag:$0x0] =	sbarrier.arrive $0xFFFF  }
0xb1: {  	_ =	strace $0x9000004D  }
0xb2: {  	s0 =	stileid.u32;
	[bflag:$0x2] =	sbarrier.arrive $0xFFFF  }
0xb3: {  	p0 =	sne.s32 s0, $0x0;
	s0 =	rddreg [dreg:$0x3]  }
0xb4: {  	s0 =	sadd.s32 @!p0 $0x100000, s0  }
0xb5: {  	[sflag:s0] =	ssyncadd.tile.s32 @!p0 $0x1;
	_ =	shalt  }
.Lfunc_end2:
_tile_overlayer_lowered:
.L_overlay_start_2:
0xb6: {  	(tag) =	ssettag $0x2  }
0xb7: {  	s0 =	rddreg [dreg:$0x0];
	s2 =	stileid.u32  }
0xb8: {  	s1 =	rddreg [dreg:$0x1];
	p0 =	sne.s32 s2, $0x0  }
0xb9: {  	s3 =	rddreg [dreg:$0x2];
	[bflag:$0x3] =	sbarrier.arrive $0xFFFF;
	s2 =	simm.s32 @!p0 $0x1C06  }
0xba: {  	[timem:s3], [sflag:s2] =	dma.local @!p0 [hbm:s0], s1  }
0xbb: {  	s0 =	simm.s32 @!p0 $0x6  }
0xbc: {  	_ =	swait.ge @!p0 [sflag:s0], s1  }
0xbd: {  	s1 =	ssub.s32 @!p0 $0x0, s1;
	[sflag:s0] =	ssyncset.done @!p0 $0x0  }
0xbe: {  	[sflag:s0] =	ssyncadd.s32 @!p0 s1  }
0xbf: {  	[bflag:$0x3] =	sbarrier.arrive $0xFFFF  }
0xc0: {  	_ =	shalt  }

// kernel: kernel.20.cloned.1.call-start
scs
__scs_entry_jumppad:
0x0: {  	(pc) =	sbr.rel $0x88, $3  }
0x1: {  	(tag) =	ssettag $0x0;
	lr =	simm.s32 $0x1  }
0x2: {  	[smem:$0x3F99] =	sst lr;
	_ =	strace $0xD0000000  }
0x3: {  	_ = 	snop  }
0x4: {  	_ = 	snop  }
0x5: {  	_ = 	snop  }
0x6: {  	_ = 	snop  }
0x7: {  	_ = 	snop  }
__scs_overlays_trampoline_lowered:
0x8: {  	[smem:$0x3FA8] =	sst s0  }
0x9: {  	[smem:$0x3FA9] =	sst s1  }
0xa: {  	[smem:$0x3FAA] =	sst s2  }
0xb: {  	[smem:$0x3FAB] =	sst s3  }
0xc: {  	[smem:$0x3FAC] =	sst s4  }
0xd: {  	[smem:$0x3FAD] =	sst s5  }
0xe: {  	[smem:$0x3FAE] =	sst s6  }
0xf: {  	[smem:$0x3FAF] =	sst s7  }
0x10: {  	[smem:$0x3FB0] =	sst s8  }
0x11: {  	[smem:$0x3FB1] =	sst s9;
	s0 =	simm.s32 @!p0 $0x0  }
0x12: {  	s1 =	sld [smem:$0x3F97];
	s0 =	simm.s32 @p0 $0x1  }
0x13: {  	[smem:$0x3FB2] =	sst s0;
	s0 =	simm.s32 @!p1 $0x0  }
0x14: {  	s2 =	sld [smem:$0x3F96];
	s0 =	simm.s32 @p1 $0x1  }
0x15: {  	[smem:$0x3FB3] =	sst s0;
	s0 =	simm.s32 @!p2 $0x0  }
0x16: {  	s3 =	sld [smem:$0x3FDB];
	s0 =	simm.s32 @p2 $0x1  }
0x17: {  	s4 =	simm.s32 $0x1BF5;
	[smem:$0x3FB5] =	sst s0  }
0x18: {  	s0 =	sld [smem:$0x3F98];
	_ =	swait.ge [sflag:s4], $0x0  }
0x19: {  	s7 =	sld [smem:$0x3F99]  }
0x1a: {  	s8 =	sadd.s32 $0xFFFFE003, lr  }
0x1b: {  	s9 =	sadd.s32 $0xFFFFFEF7, lr;
	s5 =	simm.s32 $0xFFFFFFFF;
	p2 =	slt.u32 s8, $0xFFFFF086  }
0x1c: {  	p1 =	slt.u32 s9, $0xF7A;
	s5 =	simm.s32 @!p2 $0x0  }
0x1d: {  	s5 =	simm.s32 @p1 $0x1;
	p0 =	seq.s32 s7, s2  }
0x1e: {  	s7 =	smul.u32 @!p0 $0xF7A, s2;
	p2 =	seq.s32 @!p0 s5, $0x0  }
0x1f: {  	s9 =	smul.u32 $0xF7A, s1;
	s8 =	simm.s32 @!p0 $0x1BF5;
	p2 =	por !p2, p0  }
0x20: {  	[sflag:s8] =	ssyncset.s32 @!p0 $0xFFFFF086;
	s6 =	sadd.s32 @!p0 s3, s7;
	s7 =	simm.s32 @!p0 $0x108  }
0x21: {  	s3 =	sadd.s32 s3, s9;
	s6 =	sadd.s32 @!p0 $0x88, s6;
	s7 =	simm.s32 @p2 $0x1082  }
0x22: {  	[simem:s7], [sflag:s8] =	dma.local @!p0 [hbm:s6], $0xF7A  }
0x23: {  	s9 =	sor.u32 $0xD0000000, s2;
	s6 =	simm.s32 $0x108;
	_ =	swait.ge @!p0 [sflag:s8], $0x0  }
0x24: {  	s3 =	sadd.s32 $0x88, s3;
	s6 =	simm.s32 @!p1 $0x1082;
	[sflag:s4] =	ssyncset.s32 $0xFFFFF086  }
0x25: {  	[simem:s6], [sflag:s4] =	dma.local [hbm:s3], $0xF7A  }
0x26: {  	[smem:$0x3F99] =	sst s1;
	(tag) =	ssettag s2;
	_ =	strace s9  }
0x27: {  	s1 =	sld [smem:$0x3FA9]  }
0x28: {  	s2 =	sld [smem:$0x3FAA]  }
0x29: {  	s4 =	sld [smem:$0x3FAC]  }
0x2a: {  	p0 =	seq.s32 s5, $0x0;
	s5 =	sld [smem:$0x3FAD]  }
0x2b: {  	s6 =	sld [smem:$0x3FAE]  }
0x2c: {  	s7 =	sld [smem:$0x3FAF]  }
0x2d: {  	s3 =	simm.s32 $0x108;
	s8 =	sld [smem:$0x3FB0]  }
0x2e: {  	s3 =	simm.s32 @!p0 $0x1082;
	s9 =	sld [smem:$0x3FB1]  }
0x2f: {  	lr =	sadd.s32 s0, s3;
	s0 =	sld [smem:$0x3FA8]  }
0x30: {  	s3 =	sld [smem:$0x3FAB]  }
0x31: {  	[smem:$0x3FB4] =	sst s10  }
0x32: {  	s10 =	sld [smem:$0x3FB2];
	_ =	sdelay $0x3  }
0x33: {  	p0 =	seq.s32 s10, $0x1;
	s10 =	sld [smem:$0x3FB4];
	_ =	sdelay $0x3  }
0x34: {  	[smem:$0x3FB4] =	sst s10  }
0x35: {  	s10 =	sld [smem:$0x3FB3];
	_ =	sdelay $0x3  }
0x36: {  	p1 =	seq.s32 s10, $0x1;
	s10 =	sld [smem:$0x3FB4];
	_ =	sdelay $0x3  }
0x37: {  	[smem:$0x3FB4] =	sst s10  }
0x38: {  	s10 =	sld [smem:$0x3FB5]  }
0x39: {  	_ = 	snop;
	(pc) =	sbr.ind lr, $3  }
0x3a: {  	_ = 	snop  }
0x3b: {  	_ = 	snop  }
0x3c: {  	p2 =	seq.s32 s10, $0x1;
	s10 =	sld [smem:$0x3FB4]  }
0x3d: {  	_ =	shalt  }
0x3e: {  	_ =	shalt  }
0x3f: {  	_ =	shalt  }
0x40: {  	_ =	shalt  }
0x41: {  	_ =	shalt  }
0x42: {  	_ =	shalt  }
0x43: {  	_ =	shalt  }
0x44: {  	_ =	shalt  }
0x45: {  	_ =	shalt  }
0x46: {  	_ =	shalt  }
0x47: {  	_ =	shalt  }
0x48: {  	_ =	shalt  }
0x49: {  	_ =	shalt  }
0x4a: {  	_ =	shalt  }
0x4b: {  	_ =	shalt  }
0x4c: {  	_ =	shalt  }
0x4d: {  	_ =	shalt  }
0x4e: {  	_ =	shalt  }
0x4f: {  	_ =	shalt  }
0x50: {  	_ =	shalt  }
0x51: {  	_ =	shalt  }
0x52: {  	_ =	shalt  }
0x53: {  	_ =	shalt  }
0x54: {  	_ =	shalt  }
0x55: {  	_ =	shalt  }
0x56: {  	_ =	shalt  }
0x57: {  	_ =	shalt  }
0x58: {  	_ =	shalt  }
0x59: {  	_ =	shalt  }
0x5a: {  	_ =	shalt  }
0x5b: {  	_ =	shalt  }
0x5c: {  	_ =	shalt  }
0x5d: {  	_ =	shalt  }
0x5e: {  	_ =	shalt  }
0x5f: {  	_ =	shalt  }
0x60: {  	_ =	shalt  }
0x61: {  	_ =	shalt  }
0x62: {  	_ =	shalt  }
0x63: {  	_ =	shalt  }
0x64: {  	_ =	shalt  }
0x65: {  	_ =	shalt  }
0x66: {  	_ =	shalt  }
0x67: {  	_ =	shalt  }
0x68: {  	_ =	shalt  }
0x69: {  	_ =	shalt  }
0x6a: {  	_ =	shalt  }
0x6b: {  	_ =	shalt  }
0x6c: {  	_ =	shalt  }
0x6d: {  	_ =	shalt  }
0x6e: {  	_ =	shalt  }
0x6f: {  	_ =	shalt  }
0x70: {  	_ =	shalt  }
0x71: {  	_ =	shalt  }
0x72: {  	_ =	shalt  }
0x73: {  	_ =	shalt  }
0x74: {  	_ =	shalt  }
0x75: {  	_ =	shalt  }
0x76: {  	_ =	shalt  }
0x77: {  	_ =	shalt  }
0x78: {  	_ =	shalt  }
0x79: {  	_ =	shalt  }
0x7a: {  	_ =	shalt  }
0x7b: {  	_ =	shalt  }
0x7c: {  	_ =	shalt  }
0x7d: {  	_ =	shalt  }
0x7e: {  	_ =	shalt  }
0x7f: {  	_ =	shalt  }
0x80: {  	_ =	shalt  }
0x81: {  	_ =	shalt  }
0x82: {  	_ =	shalt  }
0x83: {  	_ =	shalt  }
0x84: {  	_ =	shalt  }
0x85: {  	_ =	shalt  }
0x86: {  	_ =	shalt  }
0x87: {  	_ =	shalt  }
.Lfunc_end0:
.L_simem_size_0:
called_computation.3_lowered:
.L_overlay_start_0:
0x88: {  	s2 =	sld [smem:$0x3FD9]  }
0x89: {  	s3 =	sld [smem:$0x3FFE];
	_ =	sdelay $0x1  }
0x8a: {  	s1 =	srdreg.scid  }
0x8b: {  	s0 =	sand.u32 $0x1, s1  }
0x8c: {  	s17 =	sshll.u32 s0, $0xA;
	s2 =	sadd.s32 s3, s2  }
0x8d: {  	s2 =	sadd.s32 s2, s17  }
0x8e: {  	[smem:$0x3FC0] =	sst s2  }
0x8f: {  	_ = 	snop  }
0x90: {  	s2 =	sld [smem:$0x3FD0];
	(tm) =	ssettm $0x1  }
0x91: {  	s18 =	sld [smem:$0x3FFB];
	_ =	sdelay $0x3  }
0x92: {  	_ =	strace s18  }
0x93: {  	s3 =	sld [smem:$0x3FFC];
	_ =	sdelay $0x3  }
0x94: {  	_ =	strace s3  }
0x95: {  	s3 =	sld [smem:$0x3FFD];
	_ =	sdelay $0x3  }
0x96: {  	_ =	strace s3  }
0x97: {  	_ =	strace $0x8FFFFFFF  }
0x98: {  	s19 =	sld [smem:$0x3FDB];
	_ =	sdelay $0x1  }
0x99: {  	s4 =	simm.s32 $_scs_section_size  }
0x9a: {  	s5 =	simm.s32 $_size__tile_overlayer_lowered;
	s6 =	simm.s32 $_tile_overlayer_lowered  }
0x9b: {  	s22 =	simm.s32 $0x1BFF;
	s21 =	sshll.u32 s6, $0x1;
	s3 =	sadd.s32 s4, s19  }
0x9c: {  	s7 =	simm.s32 $0x0;
	s20 =	sshll.u32 s5, $0x1;
	s5 =	sadd.s32 s21, s3  }
0x9d: {  	[timem:s7], [sflag:s22] =	dma.local [hbm:s5], s20  }
0x9e: {  	_ =	swait.ge [sflag:s22], s20  }
0x9f: {  	s4 =	ssub.s32 $0x0, s20;
	[sflag:s22] =	ssyncset.done $0x0  }
0xa0: {  	[sflag:s22] =	ssyncadd.s32 s4;
	_ =	sdelay $0x1  }
0xa1: {  	s23 =	simm.s32 $0x1B8B  }
0xa2: {  	_ =	swait.ge [sflag:s23], $0x1  }
0xa3: {  	[sflag:s23] =	ssyncset.done $0x0  }
0xa4: {  	s25 =	simm.s32 $0x1B8E;
	s24 =	sld [smem:$0x3FFE];
	[sflag:s23] =	ssyncadd.s32 $0xFFFFFFFF  }
0xa5: {  	s26 =	simm.s32 $execute0_lowered;
	[smem:$0x3FD2] =	sst s25  }
0xa6: {  	s5 =	sshll.u32 s26, $0x1;
	_ =	strace $0x8000004F;
	[dreg:$0x1] =	wrdreg $0xFFFFFFFF  }
0xa7: {  	s28 =	simm.s32 $_size_execute0_lowered;
	s3 =	sadd.s32 s3, s5;
	[dreg:$0x0] =	wrdreg $0x0  }
0xa8: {  	s5 =	sshll.u32 s28, $0x1;
	[dreg:$0x2] =	wrdreg s3  }
0xa9: {  	[dreg:$0x3] =	wrdreg s5  }
0xaa: {  	[dreg:$0x4] =	wrdreg $0xC0  }
0xab: {  	_ =	task [dreg:s7], $0x5FFFF  }
0xac: {  	[dreg:$0x1] =	wrdreg $0xFFFFFFFF  }
0xad: {  	[dreg:$0x0] =	wrdreg $0x60  }
0xae: {  	[dreg:$0x2] =	wrdreg s2  }
0xaf: {  	[dreg:$0x3] =	wrdreg s24  }
0xb0: {  	[dreg:$0x4] =	wrdreg $0xB0000  }
0xb1: {  	[dreg:$0x5] =	wrdreg $0x9  }
0xb2: {  	_ =	task.clear_ibuf [dreg:s7], $0x6FFFF;
	_ =	strace $0x9000004F  }
0xb3: {  	s29 =	simm.s32 $0x9;
	_ =	strace $0x80000051  }
0xb4: {  	_ =	swait.ge [sflag:s29], $0x1  }
0xb5: {  	[sflag:s29] =	ssyncadd.s32 $0xFFFFFFFF  }
0xb6: {  	_ =	strace $0x90000051  }
0xb7: {  	_ =	sfence  }
0xb8: {  	s30 =	sld [smem:$0x0];
	_ =	sdelay $0x2  }
0xb9: {  	s31 =	sshll.u32 s1, $0xD;
	s1 =	sshrl.u32 s1, $0x2  }
0xba: {  	s3 =	sand.u32 $0x4000, s31;
	s1 =	sadd.s32 s1, s30  }
0xbb: {  	s0 =	sor.u32 s3, s0;
	s1 =	sshll.u32 s1, $0x11  }
0xbc: {  	s0 =	sor.u32 s1, s0  }
0xbd: {  	s0 =	sadd.s32 $0x8F2B, s0  }
0xbe: {  	[sflag:s0] =	ssyncadd.remote.s32 $0x1  }
0xbf: {  	_ =	sfence.sel $0xFFFF  }
0xc0: {  	[dreg:$0x0] =	wrdreg $0xFFFFFFFF;
	(pc) =	sbr.abs _section_cstart, $3  }
0xc1: {  	[dreg:$0x1] =	wrdreg $0xFFFFFFFF  }
0xc2: {  	_ =	task.clear_ibuf [dreg:s7], $0x2FFFF;
	_ =	strace $0x9FFFFFFF  }
0xc3: {  	(tm) =	ssettm $0x7FFFFFFF  }
tec
execute0_lowered:
.L_overlay_start_1:
0x0: {  	(tag) =	ssettag $0x1  }
0x1: {  	s2 =	rddreg [dreg:$0x0]  }
0x2: {  	s0 =	rddreg [dreg:$0x1]  }
0x3: {  	s3 =	rddreg [dreg:$0x2]  }
0x4: {  	s11 =	stileid.u32;
	s1 =	srdreg.scid  }
0x5: {  	s4 =	simm.s32 $0x0;
	s16 =	simm.s32 $0x6;
	s18 =	simm.s32 $0x80  }
0x6: {  	s19 =	simm.s32 $0x3000;
	s31 =	simm.s32 $0xFFFFFFFF;
	s28 =	simm.s32 $0x3  }
0x7: {  	s5 =	smul.u32 $0x278, s11;
	s1 =	sand.u32 $0x1, s1;
	[smem:$0x7FF] =	sst s4  }
0x8: {  	s6 =	sadd.s32 $0x3200, s0;
	s8 =	sadd.s32 $0x1B800, s0;
	s9 =	smul.u32 $0x50000, s11  }
0x9: {  	s23 =	sshll.u32 s11, $0x6;
	_ =	strace $0x80000050;
	[dreg:$0x5] =	wrdreg s8  }
0xa: {  	s7 =	smul.u32 $0x138800, s1;
	s20 =	sshll.u32 s1, $0x4;
	[dreg:$0x6] =	wrdreg s23  }
0xb: {  	s1 =	ssub.s32 $0x2, s1;
	[dreg:$0x4] =	wrdreg s31;
	s5 =	smin.u32 s5, $0x2498  }
0xc: {  	s8 =	sor.u32 s11, s20;
	s21 =	sshrl.u32 s1, $0x1;
	s22 =	sshrl.u32 s9, $0x2  }
0xd: {  	s9 =	sor.u32 $0x1C05, s23;
	s20 =	simm.s32 $0x5;
	s10 =	sshll.u32 s5, $0x7  }
0xe: {  	s5 =	sadd.s32 $0xF800, s0;
	s8 =	smul.u32 $0x3000, s8;
	s1 =	ssub.s32 s1, s21  }
0xf: {  	[dreg:$0x7] =	wrdreg s9;
	s21 =	simm.s32 $0x7000;
	s7 =	sadd.s32 s7, s10  }
0x10: {  	s29 =	sadd.s32 s10, s3;
	s1 =	smax.u32 s1, $0x1;
	s24 =	sshrl.u32 s8, $0x3  }
0x11: {  	s7 =	sshrl.u32 s7, $0x3;
	[dreg:$0xb] =	wrdreg s1;
	s25 =	sadd.s32 s5, s24  }
0x12: {  	s0 =	sadd.s32 s7, s0;
	s26 =	sadd.s32 s6, s24;
	[dreg:$0x8] =	wrdreg s25  }
0x13: {  	s7 =	sadd.s32 s22, s3;
	[dreg:$0x9] =	wrdreg s26;
	s0 =	sadd.s32 $0x1E000, s0  }
0x14: {  	s1 =	simm.s32 $0x0;
	s30 =	sshrl.u32 s7, $0x3;
	[dreg:$0xa] =	wrdreg s0  }
0x15: {  	s22 =	simm.s32 $0x2;
	[dreg:$0xc] =	wrdreg s30;
	s0 =	sshrl.u32 s29, $0x3  }
0x16: {  	s24 =	simm.s32 $0x4;
	s26 =	simm.s32 $0x1;
	[dreg:$0xd] =	wrdreg s0  }
.LBB2_1:
0x17: {  	s0 =	rddreg [dreg:$0x5]  }
0x18: {  	s7 =	rddreg [dreg:$0x7]  }
0x19: {  	s9 =	rddreg [dreg:$0xc]  }
0x1a: {  	[spmem:s9], [sflag:s7] =	dma.local [hbm:s0], $0x2800  }
0x1b: {  	s0 =	rddreg [dreg:$0x8]  }
0x1c: {  	[tilespmem:s4], [sflag:$0x6] =	stream.linear.gather [hbm4b:s0+s4], $0x1800, $0x38;
	[tilespmem:$0x1F000] =	vst v63  }
0x1d: {  	_ =	swait.ge [sflag:s16], $0x1800  }
0x1e: {  	[sflag:s16] =	ssyncset.done $0x0  }
0x1f: {  	s12 =	simm.s32 $0x1800;
	s11 =	rddreg [dreg:$0x9];
	[sflag:s16] =	ssyncadd.s32 $0xFFFFE800  }
0x20: {  	[tilespmem:s12], [sflag:$0x6] =	stream.linear.gather [hbm4b:s11+s4], $0x1800, $0x38;
	[tilespmem:$0x1F000] =	vst v63  }
0x21: {  	_ =	swait.ge [sflag:s16], $0x1800  }
0x22: {  	[sflag:s16] =	ssyncset.done $0x0  }
0x23: {  	[sflag:s16] =	ssyncadd.s32 $0xFFFFE800  }
0x24: {  	[tilespmem:s19], [sflag:$0x1] =	stream.indirect.gather [hbm4b:s2+s18], $0x80, s4, s18, $0xb8;
	[tilespmem:$0x1F000] =	vst v63  }
0x25: {  	_ =	swait.ge [sflag:s20], $0x2800  }
0x26: {  	[sflag:s20] =	ssyncset.done $0x0  }
0x27: {  	[sflag:s20] =	ssyncadd.s32 $0xFFFFD800  }
0x28: {  	[bflag:$0x0] =	sbarrier.arrive $0xFFFF  }
0x29: {  	[tilespmem:s21], [sflag:$0x2] =	stream.indirect.gather [hbm4b:s2+s18], $0x80, s18, s18, $0xb8;
	[tilespmem:$0x1F000] =	vst v63  }
0x2a: {  	_ =	swait.ge [sflag:s26], $0x4000  }
0x2b: {  	[sflag:s26] =	ssyncset.done $0x0  }
0x2c: {  	[sflag:s26] =	ssyncadd.s32 $0xFFFFC000  }
0x2d: {  	[spmem:s3] =	stream.indirect.scatter.add.f32 [tilespmem:s19], [sflag:$0x3], $0x80, s12, s18, $0xb8;
	[tilespmem:$0x1F000] =	vst v63  }
0x2e: {  	_ =	swait.ge [sflag:s28], $0x4000  }
0x2f: {  	[sflag:s28] =	ssyncset.done $0x0  }
0x30: {  	s0 =	simm.s32 $0x100;
	[sflag:s28] =	ssyncadd.s32 $0xFFFFC000  }
0x31: {  	[tilespmem:s19], [sflag:$0x1] =	stream.indirect.gather [hbm4b:s2+s18], $0x80, s0, s18, $0xb8;
	[tilespmem:$0x1F000] =	vst v63  }
0x32: {  	p1 =	por $0x1, $0x1;
	_ =	swait.ge [sflag:s22], $0x4000  }
0x33: {  	p0 =	por p1, p1;
	[sflag:s22] =	ssyncset.done $0x0;
	s7 =	rddreg [dreg:$0x4]  }
0x34: {  	s13 =	simm.s32 $0x1880;
	[sflag:s22] =	ssyncadd.s32 $0xFFFFC000;
	s7 =	simm.s32 @!p0 $0xFFFFFFCF  }
0x35: {  	[spmem:s3] =	stream.indirect.scatter.add.f32 [tilespmem:s21], [sflag:$0x4], $0x80, s13, s18, $0xb8;
	[tilespmem:$0x1F000] =	vst v63  }
0x36: {  	s7 =	sadd.s32 $0x3, s7  }
0x37: {  	p0 =	sne.s32 s7, $0x0  }
0x38: {  	s10 =	sand.u32 @!p0 $0x3C00, s0  }
0x39: {  	s0 =	sand.u32 @!p0 $0x300, s0;
	s10 =	sadd.s32 @!p0 s8, s10  }
0x3a: {  	_ =	swait.ge [sflag:s24], $0x4000;
	s0 =	sor.u32 @!p0 s0, s10  }
0x3b: {  	[sflag:s24] =	ssyncset.done $0x0;
	s11 =	simm.s32 @!p0 $0x0;
	s0 =	sshrl.u32 @!p0 s0, $0x3  }
0x3c: {  	[sflag:s24] =	ssyncadd.s32 $0xFFFFC000;
	s10 =	simm.s32 @!p0 $0x6;
	s12 =	sadd.s32 @!p0 s5, s0  }
0x3d: {  	[tilespmem:s11], [sflag:$0x6] =	stream.linear.gather @!p0 [hbm4b:s12+s11], $0x1800, $0x38;
	[tilespmem:$0x1F000] =	vst v63  }
0x3e: {  	_ =	swait.ge @!p0 [sflag:s10], $0x1800  }
0x3f: {  	s30 =	simm.s32 $0x5;
	s31 =	simm.s32 $0x7;
	[sflag:s10] =	ssyncset.done @!p0 $0x0  }
0x40: {  	s13 =	simm.s32 @!p0 $0x1800;
	s0 =	sadd.s32 @!p0 s6, s0;
	[sflag:s10] =	ssyncadd.s32 @!p0 $0xFFFFE800  }
0x41: {  	[tilespmem:s13], [sflag:$0x6] =	stream.linear.gather @!p0 [hbm4b:s0+s11], $0x1800, $0x38;
	[tilespmem:$0x1F000] =	vst v63  }
0x42: {  	s14 =	sshll.u32 s7, $0x7;
	s7 =	simm.s32 @!p0 $0x80;
	_ =	swait.ge @!p0 [sflag:s10], $0x1800  }
0x43: {  	s17 =	simm.s32 @!p0 $0x3000;
	s12 =	simm.s32 $0xFFFFFFD3;
	[sflag:s10] =	ssyncset.done @!p0 $0x0  }
0x44: {  	s15 =	sand.u32 $0x3FFFFF80, s14;
	s12 =	smov.u32 @p1 s28;
	[sflag:s10] =	ssyncadd.s32 @!p0 $0xFFFFE800  }
0x45: {  	[tilespmem:s17], [sflag:$0x1] =	stream.indirect.gather @!p0 [hbm4b:s2+s7], $0x80, s11, s7, $0xb8;
	[tilespmem:$0x1F000] =	vst v63  }
0x46: {  	s23 =	sadd.s32 $0x80, s15;
	p1 =	sgt.u32 s12, $0x2E;
	s13 =	sshll.u32 s12, $0x9  }
0x47: {  	[tilespmem:s21], [sflag:$0x2] =	stream.indirect.gather [hbm4b:s2+s18], $0x80, s23, s18, $0xb8;
	[tilespmem:$0x1F000] =	vst v63  }
0x48: {  	s0 =	simm.s32 $0xFFFFFFD5;
	s12 =	simm.s32 @!p1 $0x3000;
	_ =	swait.ge [sflag:s26], $0x4000  }
0x49: {  	s25 =	sshrl.u32 s13, $0x2;
	s10 =	sadd.s32 $0x1800, s15;
	[sflag:s26] =	ssyncset.done $0x0  }
0x4a: {  	p0 =	por $0x1, $0x1;
	s11 =	sshrl.u32 @!p1 s13, $0x2;
	[sflag:s26] =	ssyncadd.s32 $0xFFFFC000  }
0x4b: {  	[spmem:s3] =	stream.indirect.scatter.add.f32 [tilespmem:s19], [sflag:$0x3], $0x80, s10, s18, $0xb8;
	[tilespmem:$0x1F000] =	vst v63  }
0x4c: {  	s7 =	simm.s32 $0x200;
	s0 =	smov.u32 @p0 s30;
	_ =	swait.ge [sflag:s28], $0x4000  }
0x4d: {  	p0 =	por p0, p0;
	s11 =	sadd.s32 @!p1 $0x80, s11;
	[sflag:s28] =	ssyncset.done $0x0  }
0x4e: {  	s23 =	sshll.u32 s0, $0x9;
	s10 =	simm.s32 @!p1 $0x80;
	[sflag:s28] =	ssyncadd.s32 $0xFFFFC000  }
0x4f: {  	[tilespmem:s12], [sflag:$0x1] =	stream.indirect.gather @!p1 [hbm4b:s2+s10], $0x80, s11, s10, $0xb8;
	[tilespmem:$0x1F000] =	vst v63  }
0x50: {  	s29 =	sshrl.u32 s23, $0x2;
	s12 =	sadd.s32 $0x1800, s25;
	_ =	swait.ge [sflag:s22], $0x4000  }
0x51: {  	s10 =	simm.s32 $0x3;
	s17 =	rddreg [dreg:$0x4];
	[sflag:s22] =	ssyncset.done $0x0  }
.LBB2_2:
0x52: {  	[sflag:s22] =	ssyncadd.s32 $0xFFFFC000;
	s17 =	simm.s32 @!p0 $0xFFFFFFCF  }
0x53: {  	[spmem:s3] =	stream.indirect.scatter.add.f32 [tilespmem:s21], [sflag:$0x4], $0x80, s12, s18, $0xb8;
	[tilespmem:$0x1F000] =	vst v63  }
0x54: {  	p3 =	slt.u32 s10, $0x18;
	s17 =	sadd.s32 s17, s30  }
0x55: {  	s13 =	sadd.s32 $0xFFFFFFD0, s31;
	s14 =	smov.u32 s31;
	p2 =	sne.s32 s17, $0x0  }
0x56: {  	s13 =	smov.u32 @p3 s14;
	s30 =	smov.u32 s14;
	s15 =	sand.u32 @!p2 $0x3C00, s7  }
0x57: {  	_ =	swait.ge [sflag:s24], $0x4000;
	s9 =	sand.u32 @!p2 $0x300, s7;
	s14 =	sadd.s32 @!p2 s8, s15  }
0x58: {  	[sflag:s24] =	ssyncset.done $0x0;
	s9 =	sor.u32 @!p2 s9, s14  }
0x59: {  	[sflag:s24] =	ssyncadd.s32 $0xFFFFC000;
	s9 =	sshrl.u32 @!p2 s9, $0x3  }
0x5a: {  	s15 =	simm.s32 @!p2 $0x0;
	s14 =	simm.s32 @!p2 $0x6;
	s25 =	sadd.s32 @!p2 s5, s9  }
0x5b: {  	[tilespmem:s15], [sflag:$0x6] =	stream.linear.gather @!p2 [hbm4b:s25+s15], $0x1800, $0x38;
	[tilespmem:$0x1F000] =	vst v63  }
0x5c: {  	_ =	swait.ge @!p2 [sflag:s14], $0x1800  }
0x5d: {  	[sflag:s14] =	ssyncset.done @!p2 $0x0  }
0x5e: {  	s9 =	sadd.s32 @!p2 s6, s9;
	s25 =	simm.s32 @!p2 $0x1800;
	[sflag:s14] =	ssyncadd.s32 @!p2 $0xFFFFE800  }
0x5f: {  	[tilespmem:s25], [sflag:$0x6] =	stream.linear.gather @!p2 [hbm4b:s9+s15], $0x1800, $0x38;
	[tilespmem:$0x1F000] =	vst v63  }
0x60: {  	s11 =	smov.u32 s29;
	_ =	swait.ge @!p2 [sflag:s14], $0x1800  }
0x61: {  	s17 =	sshll.u32 s17, $0x7;
	s9 =	simm.s32 @!p2 $0x80;
	[sflag:s14] =	ssyncset.done @!p2 $0x0  }
0x62: {  	s25 =	simm.s32 @!p2 $0x3000;
	[sflag:s14] =	ssyncadd.s32 @!p2 $0xFFFFE800;
	s14 =	sand.u32 $0x3FFFFF80, s17  }
0x63: {  	[tilespmem:s25], [sflag:$0x1] =	stream.indirect.gather @!p2 [hbm4b:s2+s9], $0x80, s15, s9, $0xb8;
	[tilespmem:$0x1F000] =	vst v63  }
0x64: {  	s31 =	sadd.s32 $0x2, s31;
	s10 =	sadd.s32 $0x1, s10;
	s17 =	sadd.s32 $0x80, s14  }
0x65: {  	[tilespmem:s21], [sflag:$0x2] =	stream.indirect.gather [hbm4b:s2+s18], $0x80, s17, s18, $0xb8;
	[tilespmem:$0x1F000] =	vst v63  }
0x66: {  	p1 =	sne.s32 s31, $0x4F;
	s12 =	sshll.u32 s13, $0x9;
	_ =	swait.ge [sflag:s26], $0x4000  }
0x67: {  	p0 =	por p3, p3;
	s29 =	sshrl.u32 s12, $0x2;
	[sflag:s26] =	ssyncset.done $0x0  }
0x68: {  	s25 =	sadd.s32 $0x1800, s14;
	p2 =	sgt.u32 s0, $0x2E;
	[sflag:s26] =	ssyncadd.s32 $0xFFFFC000  }
0x69: {  	[spmem:s3] =	stream.indirect.scatter.add.f32 [tilespmem:s19], [sflag:$0x3], $0x80, s25, s18, $0xb8;
	[tilespmem:$0x1F000] =	vst v63  }
0x6a: {  	s0 =	smov.u32 s13;
	s9 =	simm.s32 @!p2 $0x80;
	_ =	swait.ge [sflag:s28], $0x4000  }
.Ltmp0:
0x6b: {  	s14 =	sshrl.u32 @!p2 s23, $0x2;
	[sflag:s28] =	ssyncset.done $0x0;
	(pc) =	sbr.rel @p1 .LBB2_2-.Ltmp0, $4  }
0x6c: {  	s13 =	simm.s32 @!p2 $0x3000;
	s14 =	sadd.s32 @!p2 $0x80, s14;
	[sflag:s28] =	ssyncadd.s32 $0xFFFFC000  }
0x6d: {  	[tilespmem:s13], [sflag:$0x1] =	stream.indirect.gather @!p2 [hbm4b:s2+s9], $0x80, s14, s9, $0xb8;
	[tilespmem:$0x1F000] =	vst v63  }
0x6e: {  	s7 =	sadd.s32 $0x100, s7;
	s23 =	smov.u32 s12;
	_ =	swait.ge [sflag:s22], $0x4000  }
0x6f: {  	s12 =	sadd.s32 $0x1800, s11;
	s17 =	rddreg [dreg:$0x4];
	[sflag:s22] =	ssyncset.done $0x0  }
0x70: {  	[sflag:s22] =	ssyncadd.s32 $0xFFFFC000;
	s17 =	simm.s32 @!p0 $0xFFFFFFCF  }
0x71: {  	[spmem:s3] =	stream.indirect.scatter.add.f32 [tilespmem:s21], [sflag:$0x4], $0x80, s12, s18, $0xb8;
	[tilespmem:$0x1F000] =	vst v63  }
0x72: {  	s9 =	sadd.s32 s17, s30  }
0x73: {  	p0 =	sne.s32 s9, $0x0  }
0x74: {  	s10 =	sand.u32 @!p0 $0x3C00, s7  }
0x75: {  	s7 =	sand.u32 @!p0 $0x300, s7;
	s10 =	sadd.s32 @!p0 s8, s10  }
0x76: {  	_ =	swait.ge [sflag:s24], $0x4000;
	s7 =	sor.u32 @!p0 s7, s10  }
0x77: {  	[sflag:s24] =	ssyncset.done $0x0;
	s11 =	simm.s32 @!p0 $0x0;
	s7 =	sshrl.u32 @!p0 s7, $0x3  }
0x78: {  	[sflag:s24] =	ssyncadd.s32 $0xFFFFC000;
	s10 =	simm.s32 @!p0 $0x6;
	s12 =	sadd.s32 @!p0 s5, s7  }
0x79: {  	[tilespmem:s11], [sflag:$0x6] =	stream.linear.gather @!p0 [hbm4b:s12+s11], $0x1800, $0x38;
	[tilespmem:$0x1F000] =	vst v63  }
0x7a: {  	_ =	swait.ge @!p0 [sflag:s10], $0x1800  }
0x7b: {  	[sflag:s10] =	ssyncset.done @!p0 $0x0  }
0x7c: {  	s7 =	sadd.s32 @!p0 s6, s7;
	s12 =	simm.s32 @!p0 $0x1800;
	[sflag:s10] =	ssyncadd.s32 @!p0 $0xFFFFE800  }
0x7d: {  	[tilespmem:s12], [sflag:$0x6] =	stream.linear.gather @!p0 [hbm4b:s7+s11], $0x1800, $0x38;
	[tilespmem:$0x1F000] =	vst v63  }
0x7e: {  	_ =	swait.ge @!p0 [sflag:s10], $0x1800  }
0x7f: {  	s7 =	simm.s32 @!p0 $0x80;
	[sflag:s10] =	ssyncset.done @!p0 $0x0  }
0x80: {  	s12 =	sshll.u32 s9, $0x7;
	[sflag:s10] =	ssyncadd.s32 @!p0 $0xFFFFE800;
	s10 =	simm.s32 @!p0 $0x3000  }
0x81: {  	[tilespmem:s10], [sflag:$0x1] =	stream.indirect.gather @!p0 [hbm4b:s2+s7], $0x80, s11, s7, $0xb8;
	[tilespmem:$0x1F000] =	vst v63  }
0x82: {  	s7 =	sand.u32 $0x3FFFFF80, s12  }
0x83: {  	s13 =	sadd.s32 $0x80, s7  }
0x84: {  	[tilespmem:s21], [sflag:$0x2] =	stream.indirect.gather [hbm4b:s2+s18], $0x80, s13, s18, $0xb8;
	[tilespmem:$0x1F000] =	vst v63  }
0x85: {  	_ =	swait.ge [sflag:s26], $0x4000  }
0x86: {  	[sflag:s26] =	ssyncset.done $0x0  }
0x87: {  	s7 =	sadd.s32 $0x1800, s7;
	[sflag:s26] =	ssyncadd.s32 $0xFFFFC000  }
0x88: {  	[spmem:s3] =	stream.indirect.scatter.add.f32 [tilespmem:s19], [sflag:$0x3], $0x80, s7, s18, $0xb8;
	[tilespmem:$0x1F000] =	vst v63  }
0x89: {  	p0 =	sgt.u32 s0, $0x2E;
	_ =	swait.ge [sflag:s28], $0x4000  }
0x8a: {  	s0 =	simm.s32 @!p0 $0x80;
	s7 =	sshrl.u32 @!p0 s23, $0x2;
	[sflag:s28] =	ssyncset.done $0x0  }
0x8b: {  	s9 =	simm.s32 @!p0 $0x3000;
	s7 =	sadd.s32 @!p0 $0x80, s7;
	[sflag:s28] =	ssyncadd.s32 $0xFFFFC000  }
0x8c: {  	[tilespmem:s9], [sflag:$0x1] =	stream.indirect.gather @!p0 [hbm4b:s2+s0], $0x80, s7, s0, $0xb8;
	[tilespmem:$0x1F000] =	vst v63  }
0x8d: {  	_ =	swait.ge [sflag:s22], $0x4000  }
0x8e: {  	[sflag:s22] =	ssyncset.done $0x0  }
0x8f: {  	s14 =	sadd.s32 $0x1800, s29;
	[sflag:s22] =	ssyncadd.s32 $0xFFFFC000  }
0x90: {  	[spmem:s3] =	stream.indirect.scatter.add.f32 [tilespmem:s21], [sflag:$0x4], $0x80, s14, s18, $0xb8;
	[tilespmem:$0x1F000] =	vst v63  }
0x91: {  	_ =	swait.ge [sflag:s24], $0x4000  }
0x92: {  	[sflag:s24] =	ssyncset.done $0x0  }
0x93: {  	s15 =	simm.s32 $0xF80;
	[sflag:s24] =	ssyncadd.s32 $0xFFFFC000  }
0x94: {  	[tilespmem:s21], [sflag:$0x2] =	stream.indirect.gather [hbm4b:s2+s18], $0x80, s15, s18, $0xb8;
	[tilespmem:$0x1F000] =	vst v63  }
0x95: {  	_ =	swait.ge [sflag:s26], $0x4000  }
0x96: {  	[sflag:s26] =	ssyncset.done $0x0  }
0x97: {  	s17 =	simm.s32 $0x2700;
	[sflag:s26] =	ssyncadd.s32 $0xFFFFC000  }
0x98: {  	[spmem:s3] =	stream.indirect.scatter.add.f32 [tilespmem:s19], [sflag:$0x3], $0x80, s17, s18, $0xb8;
	[tilespmem:$0x1F000] =	vst v63  }
0x99: {  	_ =	swait.ge [sflag:s28], $0x4000  }
0x9a: {  	[sflag:s28] =	ssyncset.done $0x0  }
0x9b: {  	[sflag:s28] =	ssyncadd.s32 $0xFFFFC000  }
0x9c: {  	_ =	swait.ge [sflag:s22], $0x4000  }
0x9d: {  	[sflag:s22] =	ssyncset.done $0x0  }
0x9e: {  	s23 =	simm.s32 $0x2780;
	[sflag:s22] =	ssyncadd.s32 $0xFFFFC000  }
0x9f: {  	[spmem:s3] =	stream.indirect.scatter.add.f32 [tilespmem:s21], [sflag:$0x4], $0x80, s23, s18, $0xb8;
	[tilespmem:$0x1F000] =	vst v63  }
0xa0: {  	_ =	swait.ge [sflag:s24], $0x4000  }
0xa1: {  	[sflag:s24] =	ssyncset.done $0x0  }
0xa2: {  	[sflag:s24] =	ssyncadd.s32 $0xFFFFC000  }
0xa3: {  	[bflag:$0x0] =	sbarrier.arrive $0xFFFF  }
0xa4: {  	s25 =	rddreg [dreg:$0x6]  }
0xa5: {  	s29 =	rddreg [dreg:$0xa]  }
0xa6: {  	s30 =	rddreg [dreg:$0xd];
	s0 =	sor.u32 $0x1C06, s25  }
0xa7: {  	[hbm:s29], [sflag:s0] =	dma.local [spmem:s30], $0x2780  }
0xa8: {  	_ =	swait.ge [sflag:s16], $0x2780  }
0xa9: {  	s1 =	sadd.s32 $0x1, s1;
	s31 =	rddreg [dreg:$0xb]  }
0xaa: {  	p0 =	sne.s32 s1, s31  }
.Ltmp1:
0xab: {  	_ = 	snop;
	(pc) =	sbr.rel @p0 .LBB2_1-.Ltmp1, $3  }
0xac: {  	_ =	sdelay $0x1  }
0xad: {  	[sflag:s16] =	ssyncset.done $0x0  }
0xae: {  	[sflag:s16] =	ssyncadd.s32 $0xFFFFD880  }
0xaf: {  	_ =	sfence.sel $0x180000  }
0xb0: {  	[bflag:$0x0] =	sbarrier.arrive $0xFFFF  }
0xb1: {  	_ =	strace $0x90000050  }
0xb2: {  	s0 =	stileid.u32;
	[bflag:$0x2] =	sbarrier.arrive $0xFFFF  }
0xb3: {  	p0 =	sne.s32 s0, $0x0;
	s0 =	rddreg [dreg:$0x3]  }
0xb4: {  	s0 =	sadd.s32 @!p0 $0x100000, s0  }
0xb5: {  	[sflag:s0] =	ssyncadd.tile.s32 @!p0 $0x1;
	_ =	shalt  }
.Lfunc_end2:
_tile_overlayer_lowered:
.L_overlay_start_2:
0xb6: {  	(tag) =	ssettag $0x2  }
0xb7: {  	s0 =	rddreg [dreg:$0x0];
	s2 =	stileid.u32  }
0xb8: {  	s1 =	rddreg [dreg:$0x1];
	p0 =	sne.s32 s2, $0x0  }
0xb9: {  	s3 =	rddreg [dreg:$0x2];
	[bflag:$0x3] =	sbarrier.arrive $0xFFFF;
	s2 =	simm.s32 @!p0 $0x1C06  }
0xba: {  	[timem:s3], [sflag:s2] =	dma.local @!p0 [hbm:s0], s1  }
0xbb: {  	s0 =	simm.s32 @!p0 $0x6  }
0xbc: {  	_ =	swait.ge @!p0 [sflag:s0], s1  }
0xbd: {  	s1 =	ssub.s32 @!p0 $0x0, s1;
	[sflag:s0] =	ssyncset.done @!p0 $0x0  }
0xbe: {  	[sflag:s0] =	ssyncadd.s32 @!p0 s1  }
0xbf: {  	[bflag:$0x3] =	sbarrier.arrive $0xFFFF  }
0xc0: {  	_ =	shalt  }

</sc_bundles>
